<compile_context>
chip_gen: v7x
topology: tpu7x:2x2x1
jax: 0.10.2.dev20260603
libtpu: 0.0.44.dev20260713+nightly
codegen_flags: <defaults>
</compile_context>

<pallas_src>
import functools

import jax
import jax.numpy as jnp
from jax import lax
from jax.experimental import pallas as pl
from jax.experimental.pallas import tpu as pltpu
from jax.experimental.pallas import tpu_sc as plsc

N = 10000
E = 160000
D = 256
H = 128
NPAD = 10112
ER = 1280
EPAD = ER * 128
NC = 2
NS = 16
NW = NC * NS
BR = 1264
CHUNK = 128

def _mesh():
  return plsc.VectorSubcoreMesh(
      core_axis_name="c", subcore_axis_name="s", num_cores=NC, num_subcores=NS)


def _sc_deg(dst2, ones_h, zeros_h):
  rows_per_tile = ER // NW
  nslice = NPAD // NS

  @functools.partial(
      pl.kernel,
      out_type=jax.ShapeDtypeStruct((NC, NPAD, H), jnp.float32),
      mesh=_mesh(),
      scratch_types=[
          pltpu.VMEM((rows_per_tile, 128), jnp.int32),
          pltpu.VMEM((CHUNK, H), jnp.float32),
          pltpu.VMEM_SHARED((NPAD, H), jnp.float32),
      ],
  )
  def k(dst_hbm, ones_hbm, z_hbm, out_hbm, dst_v, ones_v, acc_sh):
    cid = lax.axis_index("c")
    sid = lax.axis_index("s")
    pltpu.sync_copy(z_hbm, acc_sh.at[pl.ds(sid * nslice, nslice)])
    pltpu.sync_copy(ones_hbm, ones_v)
    plsc.subcore_barrier()

    base = (sid * NC + cid) * rows_per_tile
    pltpu.sync_copy(dst_hbm.at[pl.ds(base, rows_per_tile)], dst_v)
    for j in range(rows_per_tile):
      pltpu.sync_copy(ones_v, acc_sh.at[dst_v.at[j]], add=True)

    plsc.subcore_barrier()
    sl = pl.ds(sid * nslice, nslice)
    pltpu.sync_copy(acc_sh.at[sl], out_hbm.at[cid, sl])

  return k(dst2, ones_h, zeros_h)


def _tc_prep(x_pad, W_conv, b_conv, deg_part):
  grid = NPAD // BR

  def body(x_ref, w_ref, b_ref, d_ref, g_ref):
    i = pl.program_id(0)
    deg = d_ref[0, :, 0:1] + d_ref[1, :, 0:1] + 1.0
    dinv = lax.rsqrt(deg)
    h = jnp.dot(x_ref[...], w_ref[...],
                preferred_element_type=jnp.float32) + b_ref[...][None, :]
    rows = i * BR + lax.broadcasted_iota(jnp.int32, (BR, 1), 0)
    g = jnp.where(rows < N, h * dinv, 0.0)
    g_ref[0] = g[:, :H]
    g_ref[1] = g[:, H:]

  return pl.pallas_call(
      body,
      grid=(grid,),
      in_specs=[
          pl.BlockSpec((BR, D), lambda i: (i, 0)),
          pl.BlockSpec((D, D), lambda i: (0, 0)),
          pl.BlockSpec((D,), lambda i: (0,)),
          pl.BlockSpec((NC, BR, H), lambda i: (0, i, 0)),
      ],
      out_specs=pl.BlockSpec((NC, BR, H), lambda i: (0, i, 0)),
      out_shape=jax.ShapeDtypeStruct((NC, NPAD, H), jnp.float32),
  )(x_pad, W_conv, b_conv, deg_part)


def _sc_edge(src_pk, dst2, g_flat, zeros_ns):
  rows_per_tile = ER // NS
  nslice = NPAD // NS
  nph = 2
  rows_per_ph = rows_per_tile // nph

  @functools.partial(
      pl.kernel,
      out_type=jax.ShapeDtypeStruct((NC, NPAD, H), jnp.float32),
      mesh=_mesh(),
      scratch_types=[
          pltpu.VMEM((rows_per_ph, 128), jnp.int32),
          pltpu.VMEM((rows_per_ph, 128), jnp.int32),
          pltpu.VMEM((CHUNK, H), jnp.float32),
          pltpu.VMEM((CHUNK, H), jnp.float32),
          pltpu.SemaphoreType.DMA,
          pltpu.SemaphoreType.DMA,
          pltpu.VMEM_SHARED((NPAD, H), jnp.float32),
      ],
  )
  def k(src_hbm, dst_hbm, g_hbm, z_hbm, s_hbm,
        src_v, dst_v, rows0, rows1, sem0, sem1, s_sh):
    cid = lax.axis_index("c")
    sid = lax.axis_index("s")
    pltpu.sync_copy(z_hbm, s_sh.at[pl.ds(sid * nslice, nslice)])
    plsc.subcore_barrier()

    for p in range(nph):
      base = sid * rows_per_tile + p * rows_per_ph
      pltpu.sync_copy(src_hbm.at[cid, pl.ds(base, rows_per_ph)], src_v)
      pltpu.sync_copy(dst_hbm.at[pl.ds(base, rows_per_ph)], dst_v)
      pltpu.async_copy(g_hbm.at[src_v.at[0]], rows0, sem0)
      pltpu.async_copy(g_hbm.at[src_v.at[1]], rows1, sem1)

      def body(jo, carry):
        j0 = jo * 2
        pltpu.make_async_copy(g_hbm.at[src_v.at[j0]], rows0, sem0).wait()
        pltpu.sync_copy(rows0, s_sh.at[dst_v.at[j0]], add=True)
        pltpu.async_copy(g_hbm.at[src_v.at[j0 + 2]], rows0, sem0)
        pltpu.make_async_copy(g_hbm.at[src_v.at[j0 + 1]], rows1, sem1).wait()
        pltpu.sync_copy(rows1, s_sh.at[dst_v.at[j0 + 1]], add=True)
        pltpu.async_copy(g_hbm.at[src_v.at[j0 + 3]], rows1, sem1)
        return carry

      last = rows_per_ph - 2
      lax.fori_loop(0, (rows_per_ph - 2) // 2, body, 0)
      pltpu.make_async_copy(g_hbm.at[src_v.at[last]], rows0, sem0).wait()
      pltpu.sync_copy(rows0, s_sh.at[dst_v.at[last]], add=True)
      pltpu.make_async_copy(g_hbm.at[src_v.at[last + 1]], rows1, sem1).wait()
      pltpu.sync_copy(rows1, s_sh.at[dst_v.at[last + 1]], add=True)

    plsc.subcore_barrier()
    sl = pl.ds(sid * nslice, nslice)
    pltpu.sync_copy(s_sh.at[sl], s_hbm.at[cid, sl])

  return k(src_pk, dst2, g_flat, zeros_ns)


def _tc_final(S_pk, g_pk, deg_part, W1, b1, W2, b2):
  grid = NPAD // BR

  def body(s_ref, g_ref, d_ref, w1_ref, b1_ref, w2_ref, b2_ref,
           emb_ref, log_ref):
    deg = d_ref[0, :, 0:1] + d_ref[1, :, 0:1] + 1.0
    dinv = lax.rsqrt(deg)
    S = jnp.concatenate([s_ref[0], s_ref[1]], axis=1)
    g = jnp.concatenate([g_ref[0], g_ref[1]], axis=1)
    agg = (S + g) * dinv
    emb_ref[...] = agg
    X = jnp.maximum(agg, 0.0)
    X = jnp.dot(X, w1_ref[...],
                preferred_element_type=jnp.float32) + b1_ref[...][None, :]
    X = jnp.dot(X, w2_ref[...],
                preferred_element_type=jnp.float32) + b2_ref[...][None, :]
    m = jnp.max(X, axis=1, keepdims=True)
    lse = jnp.log(jnp.sum(jnp.exp(X - m), axis=1, keepdims=True)) + m
    log_ref[...] = X - lse

  return pl.pallas_call(
      body,
      grid=(grid,),
      in_specs=[
          pl.BlockSpec((NC, BR, H), lambda i: (0, i, 0)),
          pl.BlockSpec((NC, BR, H), lambda i: (0, i, 0)),
          pl.BlockSpec((NC, BR, H), lambda i: (0, i, 0)),
          pl.BlockSpec((D, D), lambda i: (0, 0)),
          pl.BlockSpec((D,), lambda i: (0,)),
          pl.BlockSpec((D, D), lambda i: (0, 0)),
          pl.BlockSpec((D,), lambda i: (0,)),
      ],
      out_specs=[
          pl.BlockSpec((BR, D), lambda i: (i, 0)),
          pl.BlockSpec((BR, D), lambda i: (i, 0)),
      ],
      out_shape=[
          jax.ShapeDtypeStruct((NPAD, D), jnp.float32),
          jax.ShapeDtypeStruct((NPAD, D), jnp.float32),
      ],
  )(S_pk, g_pk, deg_part, W1, b1, W2, b2)


def kernel(x, edge_index, W_conv, b_conv, W1, b1, W2, b2):
  src = edge_index[0]
  dst = edge_index[1]
  pad = jnp.full((EPAD - E,), N, dtype=jnp.int32)
  srcp = jnp.concatenate([src, pad]).reshape(ER, 128)
  dstp = jnp.concatenate([dst, pad]).reshape(ER, 128)
  src_pk = jnp.stack([srcp, srcp + NPAD])
  x_pad = jnp.pad(x, ((0, NPAD - N), (0, 0)))

  zeros_ns = jnp.zeros((NPAD // NS, H), jnp.float32)
  ones_c = jnp.ones((CHUNK, H), jnp.float32)

  deg_part = _sc_deg(dstp, ones_c, zeros_ns)
  g_pk = _tc_prep(x_pad, W_conv, b_conv, deg_part)
  S_pk = _sc_edge(src_pk, dstp, g_pk.reshape(NC * NPAD, H), zeros_ns)
  emb, logits = _tc_final(S_pk, g_pk, deg_part, W1, b1, W2, b2)
  return emb[:N], logits[:N]

# --- scband reference (transcript-rebuilt; emitter-appended) ---
"""Pipeline reference for scband-gnnstack-317827580731 (READ-ONLY COPY).

The authoritative reference and input builder live on the scoring server;
editing this copy changes nothing except your own understanding.
"""

import jax, jax.numpy as jnp
import numpy as np

N = 10000
E = 160000
D = 256


def setup_inputs(seed: int = 0) -> dict:
    key = jax.random.key(seed)
    ks = jax.random.split(key, 8)
    x = jax.random.normal(ks[0], (N, D), dtype=jnp.float32)
    edge_index = jax.random.randint(ks[1], (2, E), 0, N, dtype=jnp.int32)
    s = 1.0 / np.sqrt(D)
    W_conv = jax.random.normal(ks[2], (D, D), dtype=jnp.float32) * s
    b_conv = jnp.zeros((D,), dtype=jnp.float32)
    W1 = jax.random.normal(ks[3], (D, D), dtype=jnp.float32) * s
    b1 = jnp.zeros((D,), dtype=jnp.float32)
    W2 = jax.random.normal(ks[4], (D, D), dtype=jnp.float32) * s
    b2 = jnp.zeros((D,), dtype=jnp.float32)
    return {"x": x, "edge_index": edge_index, "W_conv": W_conv, "b_conv": b_conv, "W1": W1, "b1": b1, "W2": W2, "b2": b2}


def reference(x, edge_index, W_conv, b_conv, W1, b1, W2, b2):
    # CustomGCN layer (standard GCN with self-loops and symmetric normalization)
    src = edge_index[0]
    dst = edge_index[1]
    loops = jnp.arange(N, dtype=src.dtype)
    src = jnp.concatenate([src, loops])
    dst = jnp.concatenate([dst, loops])
    deg = jnp.zeros((N,), dtype=jnp.float32).at[dst].add(1.0)
    dinv = 1.0 / jnp.sqrt(jnp.clip(deg, 1.0))
    norm = dinv[src] * dinv[dst]
    h = x @ W_conv + b_conv
    msgs = h[src] * norm[:, None]
    agg = jax.ops.segment_sum(msgs, dst, num_segments=N)
    # forward returns inside the loop => only one conv layer executes
    embedding = agg
    X = jax.nn.relu(agg)
    # dropout p=0.25 is identity at inference
    X = X @ W1 + b1
    X = X @ W2 + b2
    logits = jax.nn.log_softmax(X, axis=1)
    return (embedding, logits)

if __name__ == "__main__":
    import jax
    _d = setup_inputs()
    print(jax.jit(kernel)(*tuple(_d.values())))

</pallas_src>

<mosaic_0001>
#map = affine_map<(d0, d1) -> (0, 0)>
#map1 = affine_map<(d0, d1) -> (0, 0, 0)>
module attributes {stable_mosaic.version = 14 : i64} {
  func.func @k(%arg0: i32, %arg1: i32, %arg2: memref<1280x128xi32, #tpu.memory_space<hbm>>, %arg3: memref<128x128xf32, #tpu.memory_space<hbm>>, %arg4: memref<632x128xf32, #tpu.memory_space<hbm>>, %arg5: memref<2x10112x128xf32, #tpu.memory_space<hbm>>, %arg6: memref<40x128xi32, #tpu.memory_space<vmem>>, %arg7: memref<128x128xf32, #tpu.memory_space<vmem>>, %arg8: memref<10112x128xf32, #tpu.memory_space<vmem_shared>>) attributes {dimension_semantics = [#tpu.dimension_semantics<core_parallel>, #tpu.dimension_semantics<subcore_parallel>], iteration_bounds = array<i64: 2, 16>, scalar_prefetch = 0 : i64, scratch_operands = 3 : i64, tpu.core_type = #tpu.core_type<sc_vector_subcore>, window_params = [{transform_indices = #map}, {transform_indices = #map}, {transform_indices = #map}, {transform_indices = #map1}]} {
    %mul3A = arith.constant 632 : i32
    %mul3A_0 = arith.muli %arg1, %mul3A : i32
    "tpu.region"() ({
      %run_scoped3A_47 = tpu.sem_alloc : memref<!tpu.dma_semaphore, #tpu.memory_space<semaphore_mem>>
      %dma_start3A = arith.constant 0 : i32
      %dma_start3A_48 = tpu.memref_slice %arg8[%mul3A_0, %dma_start3A] : memref<10112x128xf32, #tpu.memory_space<vmem_shared>> -> memref<632x128xf32, #tpu.memory_space<vmem_shared>>
      tpu.enqueue_dma source(%arg4 : memref<632x128xf32, #tpu.memory_space<hbm>>) target(%dma_start3A_48 : memref<632x128xf32, #tpu.memory_space<vmem_shared>>) target_semaphore(%run_scoped3A_47 : memref<!tpu.dma_semaphore, #tpu.memory_space<semaphore_mem>>)
      %dma_wait3A = arith.constant 0 : i32
      %dma_wait3A_49 = tpu.memref_slice %arg8[%mul3A_0, %dma_wait3A] : memref<10112x128xf32, #tpu.memory_space<vmem_shared>> -> memref<632x128xf32, #tpu.memory_space<vmem_shared>>
      tpu.wait_dma2 semaphore(%run_scoped3A_47 : memref<!tpu.dma_semaphore, #tpu.memory_space<semaphore_mem>>) src(%arg4 : memref<632x128xf32, #tpu.memory_space<hbm>>) dst(%dma_wait3A_49 : memref<632x128xf32, #tpu.memory_space<vmem_shared>>)
      tpu.yield
    }) : () -> ()
    "tpu.region"() ({
      %run_scoped3A_47 = tpu.sem_alloc : memref<!tpu.dma_semaphore, #tpu.memory_space<semaphore_mem>>
      tpu.enqueue_dma source(%arg3 : memref<128x128xf32, #tpu.memory_space<hbm>>) target(%arg7 : memref<128x128xf32, #tpu.memory_space<vmem>>) target_semaphore(%run_scoped3A_47 : memref<!tpu.dma_semaphore, #tpu.memory_space<semaphore_mem>>)
      tpu.wait_dma2 semaphore(%run_scoped3A_47 : memref<!tpu.dma_semaphore, #tpu.memory_space<semaphore_mem>>) src(%arg3 : memref<128x128xf32, #tpu.memory_space<hbm>>) dst(%arg7 : memref<128x128xf32, #tpu.memory_space<vmem>>)
      tpu.yield
    }) : () -> ()
    %barrier3A = arith.constant 0 : index
    tpu.barrier barrier_id(%barrier3A)
    %mul3A_1 = arith.constant 2 : i32
    %mul3A_2 = arith.muli %arg1, %mul3A_1 : i32
    %add3A = arith.addi %mul3A_2, %arg0 : i32
    %mul3A_3 = arith.constant 40 : i32
    %mul3A_4 = arith.muli %add3A, %mul3A_3 : i32
    "tpu.region"() ({
      %run_scoped3A_47 = tpu.sem_alloc : memref<!tpu.dma_semaphore, #tpu.memory_space<semaphore_mem>>
      %dma_start3A = arith.constant 0 : i32
      %dma_start3A_48 = tpu.memref_slice %arg2[%mul3A_4, %dma_start3A] : memref<1280x128xi32, #tpu.memory_space<hbm>> -> memref<40x128xi32, #tpu.memory_space<hbm>>
      %dma_start3A_49 = arith.constant 0 : i32
      %dma_start3A_50 = tpu.memref_slice %arg2[%mul3A_4, %dma_start3A_49] : memref<1280x128xi32, #tpu.memory_space<hbm>> -> memref<40x128xi32, #tpu.memory_space<hbm>>
      tpu.enqueue_dma source(%dma_start3A_50 : memref<40x128xi32, #tpu.memory_space<hbm>>) target(%arg6 : memref<40x128xi32, #tpu.memory_space<vmem>>) target_semaphore(%run_scoped3A_47 : memref<!tpu.dma_semaphore, #tpu.memory_space<semaphore_mem>>)
      %dma_wait3A = arith.constant 0 : i32
      %dma_wait3A_51 = tpu.memref_slice %arg2[%mul3A_4, %dma_wait3A] : memref<1280x128xi32, #tpu.memory_space<hbm>> -> memref<40x128xi32, #tpu.memory_space<hbm>>
      %dma_wait3A_52 = arith.constant 0 : i32
      %dma_wait3A_53 = tpu.memref_slice %arg2[%mul3A_4, %dma_wait3A_52] : memref<1280x128xi32, #tpu.memory_space<hbm>> -> memref<40x128xi32, #tpu.memory_space<hbm>>
      tpu.wait_dma2 semaphore(%run_scoped3A_47 : memref<!tpu.dma_semaphore, #tpu.memory_space<semaphore_mem>>) src(%dma_wait3A_53 : memref<40x128xi32, #tpu.memory_space<hbm>>) dst(%arg6 : memref<40x128xi32, #tpu.memory_space<vmem>>)
      tpu.yield
    }) : () -> ()
    %run_scoped3A = arith.constant 0 : i32
    "tpu.region"() ({
      %run_scoped3A_47 = tpu.sem_alloc : memref<!tpu.dma_semaphore, #tpu.memory_space<semaphore_mem>>
      %dma_start3A = arith.constant 0 : i32
      %dma_start3A_48 = tpu.memref_slice %arg6[%run_scoped3A, %dma_start3A] : memref<40x128xi32, #tpu.memory_space<vmem>> -> memref<1x128xi32, #tpu.memory_space<vmem>>
      %dma_start3A_49 = tpu.memref_squeeze %dma_start3A_48 : memref<1x128xi32, #tpu.memory_space<vmem>> -> memref<128xi32, #tpu.memory_space<vmem>>
      %dma_start3A_50 = arith.constant 0 : i32
      %dma_start3A_51 = arith.constant 0 : i32
      %dma_start3A_52 = tpu.memref_slice %arg8[%dma_start3A_50, %dma_start3A_51] : memref<10112x128xf32, #tpu.memory_space<vmem_shared>> -> memref<10112x128xf32, #tpu.memory_space<vmem_shared>>
      tpu.enqueue_indirect_dma source(%arg7 : memref<128x128xf32, #tpu.memory_space<vmem>>) target(%dma_start3A_52 : memref<10112x128xf32, #tpu.memory_space<vmem_shared>>) offsets(%dma_start3A_49 : memref<128xi32, #tpu.memory_space<vmem>>) semaphore(%run_scoped3A_47 : memref<!tpu.dma_semaphore, #tpu.memory_space<semaphore_mem>>) {add = true}
      %dma_wait3A = arith.constant 0 : i32
      %dma_wait3A_53 = tpu.memref_slice %arg6[%run_scoped3A, %dma_wait3A] : memref<40x128xi32, #tpu.memory_space<vmem>> -> memref<1x128xi32, #tpu.memory_space<vmem>>
      %dma_wait3A_54 = tpu.memref_squeeze %dma_wait3A_53 : memref<1x128xi32, #tpu.memory_space<vmem>> -> memref<128xi32, #tpu.memory_space<vmem>>
      %dma_wait3A_55 = arith.constant 0 : i32
      %dma_wait3A_56 = arith.constant 0 : i32
      %dma_wait3A_57 = tpu.memref_slice %arg8[%dma_wait3A_55, %dma_wait3A_56] : memref<10112x128xf32, #tpu.memory_space<vmem_shared>> -> memref<10112x128xf32, #tpu.memory_space<vmem_shared>>
      tpu.wait_indirect_dma semaphore(%run_scoped3A_47 : memref<!tpu.dma_semaphore, #tpu.memory_space<semaphore_mem>>) src(%arg7 : memref<128x128xf32, #tpu.memory_space<vmem>>) dst(%dma_wait3A_57 : memref<10112x128xf32, #tpu.memory_space<vmem_shared>>)
      tpu.yield
    }) : () -> ()
    %run_scoped3A_5 = arith.constant 1 : i32
    "tpu.region"() ({
      %run_scoped3A_47 = tpu.sem_alloc : memref<!tpu.dma_semaphore, #tpu.memory_space<semaphore_mem>>
      %dma_start3A = arith.constant 0 : i32
      %dma_start3A_48 = tpu.memref_slice %arg6[%run_scoped3A_5, %dma_start3A] : memref<40x128xi32, #tpu.memory_space<vmem>> -> memref<1x128xi32, #tpu.memory_space<vmem>>
      %dma_start3A_49 = tpu.memref_squeeze %dma_start3A_48 : memref<1x128xi32, #tpu.memory_space<vmem>> -> memref<128xi32, #tpu.memory_space<vmem>>
      %dma_start3A_50 = arith.constant 0 : i32
      %dma_start3A_51 = arith.constant 0 : i32
      %dma_start3A_52 = tpu.memref_slice %arg8[%dma_start3A_50, %dma_start3A_51] : memref<10112x128xf32, #tpu.memory_space<vmem_shared>> -> memref<10112x128xf32, #tpu.memory_space<vmem_shared>>
      tpu.enqueue_indirect_dma source(%arg7 : memref<128x128xf32, #tpu.memory_space<vmem>>) target(%dma_start3A_52 : memref<10112x128xf32, #tpu.memory_space<vmem_shared>>) offsets(%dma_start3A_49 : memref<128xi32, #tpu.memory_space<vmem>>) semaphore(%run_scoped3A_47 : memref<!tpu.dma_semaphore, #tpu.memory_space<semaphore_mem>>) {add = true}
      %dma_wait3A = arith.constant 0 : i32
      %dma_wait3A_53 = tpu.memref_slice %arg6[%run_scoped3A_5, %dma_wait3A] : memref<40x128xi32, #tpu.memory_space<vmem>> -> memref<1x128xi32, #tpu.memory_space<vmem>>
      %dma_wait3A_54 = tpu.memref_squeeze %dma_wait3A_53 : memref<1x128xi32, #tpu.memory_space<vmem>> -> memref<128xi32, #tpu.memory_space<vmem>>
      %dma_wait3A_55 = arith.constant 0 : i32
      %dma_wait3A_56 = arith.constant 0 : i32
      %dma_wait3A_57 = tpu.memref_slice %arg8[%dma_wait3A_55, %dma_wait3A_56] : memref<10112x128xf32, #tpu.memory_space<vmem_shared>> -> memref<10112x128xf32, #tpu.memory_space<vmem_shared>>
      tpu.wait_indirect_dma semaphore(%run_scoped3A_47 : memref<!tpu.dma_semaphore, #tpu.memory_space<semaphore_mem>>) src(%arg7 : memref<128x128xf32, #tpu.memory_space<vmem>>) dst(%dma_wait3A_57 : memref<10112x128xf32, #tpu.memory_space<vmem_shared>>)
      tpu.yield
    }) : () -> ()
    %run_scoped3A_6 = arith.constant 2 : i32
    "tpu.region"() ({
      %run_scoped3A_47 = tpu.sem_alloc : memref<!tpu.dma_semaphore, #tpu.memory_space<semaphore_mem>>
      %dma_start3A = arith.constant 0 : i32
      %dma_start3A_48 = tpu.memref_slice %arg6[%run_scoped3A_6, %dma_start3A] : memref<40x128xi32, #tpu.memory_space<vmem>> -> memref<1x128xi32, #tpu.memory_space<vmem>>
      %dma_start3A_49 = tpu.memref_squeeze %dma_start3A_48 : memref<1x128xi32, #tpu.memory_space<vmem>> -> memref<128xi32, #tpu.memory_space<vmem>>
      %dma_start3A_50 = arith.constant 0 : i32
      %dma_start3A_51 = arith.constant 0 : i32
      %dma_start3A_52 = tpu.memref_slice %arg8[%dma_start3A_50, %dma_start3A_51] : memref<10112x128xf32, #tpu.memory_space<vmem_shared>> -> memref<10112x128xf32, #tpu.memory_space<vmem_shared>>
      tpu.enqueue_indirect_dma source(%arg7 : memref<128x128xf32, #tpu.memory_space<vmem>>) target(%dma_start3A_52 : memref<10112x128xf32, #tpu.memory_space<vmem_shared>>) offsets(%dma_start3A_49 : memref<128xi32, #tpu.memory_space<vmem>>) semaphore(%run_scoped3A_47 : memref<!tpu.dma_semaphore, #tpu.memory_space<semaphore_mem>>) {add = true}
      %dma_wait3A = arith.constant 0 : i32
      %dma_wait3A_53 = tpu.memref_slice %arg6[%run_scoped3A_6, %dma_wait3A] : memref<40x128xi32, #tpu.memory_space<vmem>> -> memref<1x128xi32, #tpu.memory_space<vmem>>
      %dma_wait3A_54 = tpu.memref_squeeze %dma_wait3A_53 : memref<1x128xi32, #tpu.memory_space<vmem>> -> memref<128xi32, #tpu.memory_space<vmem>>
      %dma_wait3A_55 = arith.constant 0 : i32
      %dma_wait3A_56 = arith.constant 0 : i32
      %dma_wait3A_57 = tpu.memref_slice %arg8[%dma_wait3A_55, %dma_wait3A_56] : memref<10112x128xf32, #tpu.memory_space<vmem_shared>> -> memref<10112x128xf32, #tpu.memory_space<vmem_shared>>
      tpu.wait_indirect_dma semaphore(%run_scoped3A_47 : memref<!tpu.dma_semaphore, #tpu.memory_space<semaphore_mem>>) src(%arg7 : memref<128x128xf32, #tpu.memory_space<vmem>>) dst(%dma_wait3A_57 : memref<10112x128xf32, #tpu.memory_space<vmem_shared>>)
      tpu.yield
    }) : () -> ()
    %run_scoped3A_7 = arith.constant 3 : i32
    "tpu.region"() ({
      %run_scoped3A_47 = tpu.sem_alloc : memref<!tpu.dma_semaphore, #tpu.memory_space<semaphore_mem>>
      %dma_start3A = arith.constant 0 : i32
      %dma_start3A_48 = tpu.memref_slice %arg6[%run_scoped3A_7, %dma_start3A] : memref<40x128xi32, #tpu.memory_space<vmem>> -> memref<1x128xi32, #tpu.memory_space<vmem>>
      %dma_start3A_49 = tpu.memref_squeeze %dma_start3A_48 : memref<1x128xi32, #tpu.memory_space<vmem>> -> memref<128xi32, #tpu.memory_space<vmem>>
      %dma_start3A_50 = arith.constant 0 : i32
      %dma_start3A_51 = arith.constant 0 : i32
      %dma_start3A_52 = tpu.memref_slice %arg8[%dma_start3A_50, %dma_start3A_51] : memref<10112x128xf32, #tpu.memory_space<vmem_shared>> -> memref<10112x128xf32, #tpu.memory_space<vmem_shared>>
      tpu.enqueue_indirect_dma source(%arg7 : memref<128x128xf32, #tpu.memory_space<vmem>>) target(%dma_start3A_52 : memref<10112x128xf32, #tpu.memory_space<vmem_shared>>) offsets(%dma_start3A_49 : memref<128xi32, #tpu.memory_space<vmem>>) semaphore(%run_scoped3A_47 : memref<!tpu.dma_semaphore, #tpu.memory_space<semaphore_mem>>) {add = true}
      %dma_wait3A = arith.constant 0 : i32
      %dma_wait3A_53 = tpu.memref_slice %arg6[%run_scoped3A_7, %dma_wait3A] : memref<40x128xi32, #tpu.memory_space<vmem>> -> memref<1x128xi32, #tpu.memory_space<vmem>>
      %dma_wait3A_54 = tpu.memref_squeeze %dma_wait3A_53 : memref<1x128xi32, #tpu.memory_space<vmem>> -> memref<128xi32, #tpu.memory_space<vmem>>
      %dma_wait3A_55 = arith.constant 0 : i32
      %dma_wait3A_56 = arith.constant 0 : i32
      %dma_wait3A_57 = tpu.memref_slice %arg8[%dma_wait3A_55, %dma_wait3A_56] : memref<10112x128xf32, #tpu.memory_space<vmem_shared>> -> memref<10112x128xf32, #tpu.memory_space<vmem_shared>>
      tpu.wait_indirect_dma semaphore(%run_scoped3A_47 : memref<!tpu.dma_semaphore, #tpu.memory_space<semaphore_mem>>) src(%arg7 : memref<128x128xf32, #tpu.memory_space<vmem>>) dst(%dma_wait3A_57 : memref<10112x128xf32, #tpu.memory_space<vmem_shared>>)
      tpu.yield
    }) : () -> ()
    %run_scoped3A_8 = arith.constant 4 : i32
    "tpu.region"() ({
      %run_scoped3A_47 = tpu.sem_alloc : memref<!tpu.dma_semaphore, #tpu.memory_space<semaphore_mem>>
      %dma_start3A = arith.constant 0 : i32
      %dma_start3A_48 = tpu.memref_slice %arg6[%run_scoped3A_8, %dma_start3A] : memref<40x128xi32, #tpu.memory_space<vmem>> -> memref<1x128xi32, #tpu.memory_space<vmem>>
      %dma_start3A_49 = tpu.memref_squeeze %dma_start3A_48 : memref<1x128xi32, #tpu.memory_space<vmem>> -> memref<128xi32, #tpu.memory_space<vmem>>
      %dma_start3A_50 = arith.constant 0 : i32
      %dma_start3A_51 = arith.constant 0 : i32
      %dma_start3A_52 = tpu.memref_slice %arg8[%dma_start3A_50, %dma_start3A_51] : memref<10112x128xf32, #tpu.memory_space<vmem_shared>> -> memref<10112x128xf32, #tpu.memory_space<vmem_shared>>
      tpu.enqueue_indirect_dma source(%arg7 : memref<128x128xf32, #tpu.memory_space<vmem>>) target(%dma_start3A_52 : memref<10112x128xf32, #tpu.memory_space<vmem_shared>>) offsets(%dma_start3A_49 : memref<128xi32, #tpu.memory_space<vmem>>) semaphore(%run_scoped3A_47 : memref<!tpu.dma_semaphore, #tpu.memory_space<semaphore_mem>>) {add = true}
      %dma_wait3A = arith.constant 0 : i32
      %dma_wait3A_53 = tpu.memref_slice %arg6[%run_scoped3A_8, %dma_wait3A] : memref<40x128xi32, #tpu.memory_space<vmem>> -> memref<1x128xi32, #tpu.memory_space<vmem>>
      %dma_wait3A_54 = tpu.memref_squeeze %dma_wait3A_53 : memref<1x128xi32, #tpu.memory_space<vmem>> -> memref<128xi32, #tpu.memory_space<vmem>>
      %dma_wait3A_55 = arith.constant 0 : i32
      %dma_wait3A_56 = arith.constant 0 : i32
      %dma_wait3A_57 = tpu.memref_slice %arg8[%dma_wait3A_55, %dma_wait3A_56] : memref<10112x128xf32, #tpu.memory_space<vmem_shared>> -> memref<10112x128xf32, #tpu.memory_space<vmem_shared>>
      tpu.wait_indirect_dma semaphore(%run_scoped3A_47 : memref<!tpu.dma_semaphore, #tpu.memory_space<semaphore_mem>>) src(%arg7 : memref<128x128xf32, #tpu.memory_space<vmem>>) dst(%dma_wait3A_57 : memref<10112x128xf32, #tpu.memory_space<vmem_shared>>)
      tpu.yield
    }) : () -> ()
    %run_scoped3A_9 = arith.constant 5 : i32
    "tpu.region"() ({
      %run_scoped3A_47 = tpu.sem_alloc : memref<!tpu.dma_semaphore, #tpu.memory_space<semaphore_mem>>
      %dma_start3A = arith.constant 0 : i32
      %dma_start3A_48 = tpu.memref_slice %arg6[%run_scoped3A_9, %dma_start3A] : memref<40x128xi32, #tpu.memory_space<vmem>> -> memref<1x128xi32, #tpu.memory_space<vmem>>
      %dma_start3A_49 = tpu.memref_squeeze %dma_start3A_48 : memref<1x128xi32, #tpu.memory_space<vmem>> -> memref<128xi32, #tpu.memory_space<vmem>>
      %dma_start3A_50 = arith.constant 0 : i32
      %dma_start3A_51 = arith.constant 0 : i32
      %dma_start3A_52 = tpu.memref_slice %arg8[%dma_start3A_50, %dma_start3A_51] : memref<10112x128xf32, #tpu.memory_space<vmem_shared>> -> memref<10112x128xf32, #tpu.memory_space<vmem_shared>>
      tpu.enqueue_indirect_dma source(%arg7 : memref<128x128xf32, #tpu.memory_space<vmem>>) target(%dma_start3A_52 : memref<10112x128xf32, #tpu.memory_space<vmem_shared>>) offsets(%dma_start3A_49 : memref<128xi32, #tpu.memory_space<vmem>>) semaphore(%run_scoped3A_47 : memref<!tpu.dma_semaphore, #tpu.memory_space<semaphore_mem>>) {add = true}
      %dma_wait3A = arith.constant 0 : i32
      %dma_wait3A_53 = tpu.memref_slice %arg6[%run_scoped3A_9, %dma_wait3A] : memref<40x128xi32, #tpu.memory_space<vmem>> -> memref<1x128xi32, #tpu.memory_space<vmem>>
      %dma_wait3A_54 = tpu.memref_squeeze %dma_wait3A_53 : memref<1x128xi32, #tpu.memory_space<vmem>> -> memref<128xi32, #tpu.memory_space<vmem>>
      %dma_wait3A_55 = arith.constant 0 : i32
      %dma_wait3A_56 = arith.constant 0 : i32
      %dma_wait3A_57 = tpu.memref_slice %arg8[%dma_wait3A_55, %dma_wait3A_56] : memref<10112x128xf32, #tpu.memory_space<vmem_shared>> -> memref<10112x128xf32, #tpu.memory_space<vmem_shared>>
      tpu.wait_indirect_dma semaphore(%run_scoped3A_47 : memref<!tpu.dma_semaphore, #tpu.memory_space<semaphore_mem>>) src(%arg7 : memref<128x128xf32, #tpu.memory_space<vmem>>) dst(%dma_wait3A_57 : memref<10112x128xf32, #tpu.memory_space<vmem_shared>>)
      tpu.yield
    }) : () -> ()
    %run_scoped3A_10 = arith.constant 6 : i32
    "tpu.region"() ({
      %run_scoped3A_47 = tpu.sem_alloc : memref<!tpu.dma_semaphore, #tpu.memory_space<semaphore_mem>>
      %dma_start3A = arith.constant 0 : i32
      %dma_start3A_48 = tpu.memref_slice %arg6[%run_scoped3A_10, %dma_start3A] : memref<40x128xi32, #tpu.memory_space<vmem>> -> memref<1x128xi32, #tpu.memory_space<vmem>>
      %dma_start3A_49 = tpu.memref_squeeze %dma_start3A_48 : memref<1x128xi32, #tpu.memory_space<vmem>> -> memref<128xi32, #tpu.memory_space<vmem>>
      %dma_start3A_50 = arith.constant 0 : i32
      %dma_start3A_51 = arith.constant 0 : i32
      %dma_start3A_52 = tpu.memref_slice %arg8[%dma_start3A_50, %dma_start3A_51] : memref<10112x128xf32, #tpu.memory_space<vmem_shared>> -> memref<10112x128xf32, #tpu.memory_space<vmem_shared>>
      tpu.enqueue_indirect_dma source(%arg7 : memref<128x128xf32, #tpu.memory_space<vmem>>) target(%dma_start3A_52 : memref<10112x128xf32, #tpu.memory_space<vmem_shared>>) offsets(%dma_start3A_49 : memref<128xi32, #tpu.memory_space<vmem>>) semaphore(%run_scoped3A_47 : memref<!tpu.dma_semaphore, #tpu.memory_space<semaphore_mem>>) {add = true}
      %dma_wait3A = arith.constant 0 : i32
      %dma_wait3A_53 = tpu.memref_slice %arg6[%run_scoped3A_10, %dma_wait3A] : memref<40x128xi32, #tpu.memory_space<vmem>> -> memref<1x128xi32, #tpu.memory_space<vmem>>
      %dma_wait3A_54 = tpu.memref_squeeze %dma_wait3A_53 : memref<1x128xi32, #tpu.memory_space<vmem>> -> memref<128xi32, #tpu.memory_space<vmem>>
      %dma_wait3A_55 = arith.constant 0 : i32
      %dma_wait3A_56 = arith.constant 0 : i32
      %dma_wait3A_57 = tpu.memref_slice %arg8[%dma_wait3A_55, %dma_wait3A_56] : memref<10112x128xf32, #tpu.memory_space<vmem_shared>> -> memref<10112x128xf32, #tpu.memory_space<vmem_shared>>
      tpu.wait_indirect_dma semaphore(%run_scoped3A_47 : memref<!tpu.dma_semaphore, #tpu.memory_space<semaphore_mem>>) src(%arg7 : memref<128x128xf32, #tpu.memory_space<vmem>>) dst(%dma_wait3A_57 : memref<10112x128xf32, #tpu.memory_space<vmem_shared>>)
      tpu.yield
    }) : () -> ()
    %run_scoped3A_11 = arith.constant 7 : i32
    "tpu.region"() ({
      %run_scoped3A_47 = tpu.sem_alloc : memref<!tpu.dma_semaphore, #tpu.memory_space<semaphore_mem>>
      %dma_start3A = arith.constant 0 : i32
      %dma_start3A_48 = tpu.memref_slice %arg6[%run_scoped3A_11, %dma_start3A] : memref<40x128xi32, #tpu.memory_space<vmem>> -> memref<1x128xi32, #tpu.memory_space<vmem>>
      %dma_start3A_49 = tpu.memref_squeeze %dma_start3A_48 : memref<1x128xi32, #tpu.memory_space<vmem>> -> memref<128xi32, #tpu.memory_space<vmem>>
      %dma_start3A_50 = arith.constant 0 : i32
      %dma_start3A_51 = arith.constant 0 : i32
      %dma_start3A_52 = tpu.memref_slice %arg8[%dma_start3A_50, %dma_start3A_51] : memref<10112x128xf32, #tpu.memory_space<vmem_shared>> -> memref<10112x128xf32, #tpu.memory_space<vmem_shared>>
      tpu.enqueue_indirect_dma source(%arg7 : memref<128x128xf32, #tpu.memory_space<vmem>>) target(%dma_start3A_52 : memref<10112x128xf32, #tpu.memory_space<vmem_shared>>) offsets(%dma_start3A_49 : memref<128xi32, #tpu.memory_space<vmem>>) semaphore(%run_scoped3A_47 : memref<!tpu.dma_semaphore, #tpu.memory_space<semaphore_mem>>) {add = true}
      %dma_wait3A = arith.constant 0 : i32
      %dma_wait3A_53 = tpu.memref_slice %arg6[%run_scoped3A_11, %dma_wait3A] : memref<40x128xi32, #tpu.memory_space<vmem>> -> memref<1x128xi32, #tpu.memory_space<vmem>>
      %dma_wait3A_54 = tpu.memref_squeeze %dma_wait3A_53 : memref<1x128xi32, #tpu.memory_space<vmem>> -> memref<128xi32, #tpu.memory_space<vmem>>
      %dma_wait3A_55 = arith.constant 0 : i32
      %dma_wait3A_56 = arith.constant 0 : i32
      %dma_wait3A_57 = tpu.memref_slice %arg8[%dma_wait3A_55, %dma_wait3A_56] : memref<10112x128xf32, #tpu.memory_space<vmem_shared>> -> memref<10112x128xf32, #tpu.memory_space<vmem_shared>>
      tpu.wait_indirect_dma semaphore(%run_scoped3A_47 : memref<!tpu.dma_semaphore, #tpu.memory_space<semaphore_mem>>) src(%arg7 : memref<128x128xf32, #tpu.memory_space<vmem>>) dst(%dma_wait3A_57 : memref<10112x128xf32, #tpu.memory_space<vmem_shared>>)
      tpu.yield
    }) : () -> ()
    %run_scoped3A_12 = arith.constant 8 : i32
    "tpu.region"() ({
      %run_scoped3A_47 = tpu.sem_alloc : memref<!tpu.dma_semaphore, #tpu.memory_space<semaphore_mem>>
      %dma_start3A = arith.constant 0 : i32
      %dma_start3A_48 = tpu.memref_slice %arg6[%run_scoped3A_12, %dma_start3A] : memref<40x128xi32, #tpu.memory_space<vmem>> -> memref<1x128xi32, #tpu.memory_space<vmem>>
      %dma_start3A_49 = tpu.memref_squeeze %dma_start3A_48 : memref<1x128xi32, #tpu.memory_space<vmem>> -> memref<128xi32, #tpu.memory_space<vmem>>
      %dma_start3A_50 = arith.constant 0 : i32
      %dma_start3A_51 = arith.constant 0 : i32
      %dma_start3A_52 = tpu.memref_slice %arg8[%dma_start3A_50, %dma_start3A_51] : memref<10112x128xf32, #tpu.memory_space<vmem_shared>> -> memref<10112x128xf32, #tpu.memory_space<vmem_shared>>
      tpu.enqueue_indirect_dma source(%arg7 : memref<128x128xf32, #tpu.memory_space<vmem>>) target(%dma_start3A_52 : memref<10112x128xf32, #tpu.memory_space<vmem_shared>>) offsets(%dma_start3A_49 : memref<128xi32, #tpu.memory_space<vmem>>) semaphore(%run_scoped3A_47 : memref<!tpu.dma_semaphore, #tpu.memory_space<semaphore_mem>>) {add = true}
      %dma_wait3A = arith.constant 0 : i32
      %dma_wait3A_53 = tpu.memref_slice %arg6[%run_scoped3A_12, %dma_wait3A] : memref<40x128xi32, #tpu.memory_space<vmem>> -> memref<1x128xi32, #tpu.memory_space<vmem>>
      %dma_wait3A_54 = tpu.memref_squeeze %dma_wait3A_53 : memref<1x128xi32, #tpu.memory_space<vmem>> -> memref<128xi32, #tpu.memory_space<vmem>>
      %dma_wait3A_55 = arith.constant 0 : i32
      %dma_wait3A_56 = arith.constant 0 : i32
      %dma_wait3A_57 = tpu.memref_slice %arg8[%dma_wait3A_55, %dma_wait3A_56] : memref<10112x128xf32, #tpu.memory_space<vmem_shared>> -> memref<10112x128xf32, #tpu.memory_space<vmem_shared>>
      tpu.wait_indirect_dma semaphore(%run_scoped3A_47 : memref<!tpu.dma_semaphore, #tpu.memory_space<semaphore_mem>>) src(%arg7 : memref<128x128xf32, #tpu.memory_space<vmem>>) dst(%dma_wait3A_57 : memref<10112x128xf32, #tpu.memory_space<vmem_shared>>)
      tpu.yield
    }) : () -> ()
    %run_scoped3A_13 = arith.constant 9 : i32
    "tpu.region"() ({
      %run_scoped3A_47 = tpu.sem_alloc : memref<!tpu.dma_semaphore, #tpu.memory_space<semaphore_mem>>
      %dma_start3A = arith.constant 0 : i32
      %dma_start3A_48 = tpu.memref_slice %arg6[%run_scoped3A_13, %dma_start3A] : memref<40x128xi32, #tpu.memory_space<vmem>> -> memref<1x128xi32, #tpu.memory_space<vmem>>
      %dma_start3A_49 = tpu.memref_squeeze %dma_start3A_48 : memref<1x128xi32, #tpu.memory_space<vmem>> -> memref<128xi32, #tpu.memory_space<vmem>>
      %dma_start3A_50 = arith.constant 0 : i32
      %dma_start3A_51 = arith.constant 0 : i32
      %dma_start3A_52 = tpu.memref_slice %arg8[%dma_start3A_50, %dma_start3A_51] : memref<10112x128xf32, #tpu.memory_space<vmem_shared>> -> memref<10112x128xf32, #tpu.memory_space<vmem_shared>>
      tpu.enqueue_indirect_dma source(%arg7 : memref<128x128xf32, #tpu.memory_space<vmem>>) target(%dma_start3A_52 : memref<10112x128xf32, #tpu.memory_space<vmem_shared>>) offsets(%dma_start3A_49 : memref<128xi32, #tpu.memory_space<vmem>>) semaphore(%run_scoped3A_47 : memref<!tpu.dma_semaphore, #tpu.memory_space<semaphore_mem>>) {add = true}
      %dma_wait3A = arith.constant 0 : i32
      %dma_wait3A_53 = tpu.memref_slice %arg6[%run_scoped3A_13, %dma_wait3A] : memref<40x128xi32, #tpu.memory_space<vmem>> -> memref<1x128xi32, #tpu.memory_space<vmem>>
      %dma_wait3A_54 = tpu.memref_squeeze %dma_wait3A_53 : memref<1x128xi32, #tpu.memory_space<vmem>> -> memref<128xi32, #tpu.memory_space<vmem>>
      %dma_wait3A_55 = arith.constant 0 : i32
      %dma_wait3A_56 = arith.constant 0 : i32
      %dma_wait3A_57 = tpu.memref_slice %arg8[%dma_wait3A_55, %dma_wait3A_56] : memref<10112x128xf32, #tpu.memory_space<vmem_shared>> -> memref<10112x128xf32, #tpu.memory_space<vmem_shared>>
      tpu.wait_indirect_dma semaphore(%run_scoped3A_47 : memref<!tpu.dma_semaphore, #tpu.memory_space<semaphore_mem>>) src(%arg7 : memref<128x128xf32, #tpu.memory_space<vmem>>) dst(%dma_wait3A_57 : memref<10112x128xf32, #tpu.memory_space<vmem_shared>>)
      tpu.yield
    }) : () -> ()
    %run_scoped3A_14 = arith.constant 10 : i32
    "tpu.region"() ({
      %run_scoped3A_47 = tpu.sem_alloc : memref<!tpu.dma_semaphore, #tpu.memory_space<semaphore_mem>>
      %dma_start3A = arith.constant 0 : i32
      %dma_start3A_48 = tpu.memref_slice %arg6[%run_scoped3A_14, %dma_start3A] : memref<40x128xi32, #tpu.memory_space<vmem>> -> memref<1x128xi32, #tpu.memory_space<vmem>>
      %dma_start3A_49 = tpu.memref_squeeze %dma_start3A_48 : memref<1x128xi32, #tpu.memory_space<vmem>> -> memref<128xi32, #tpu.memory_space<vmem>>
      %dma_start3A_50 = arith.constant 0 : i32
      %dma_start3A_51 = arith.constant 0 : i32
      %dma_start3A_52 = tpu.memref_slice %arg8[%dma_start3A_50, %dma_start3A_51] : memref<10112x128xf32, #tpu.memory_space<vmem_shared>> -> memref<10112x128xf32, #tpu.memory_space<vmem_shared>>
      tpu.enqueue_indirect_dma source(%arg7 : memref<128x128xf32, #tpu.memory_space<vmem>>) target(%dma_start3A_52 : memref<10112x128xf32, #tpu.memory_space<vmem_shared>>) offsets(%dma_start3A_49 : memref<128xi32, #tpu.memory_space<vmem>>) semaphore(%run_scoped3A_47 : memref<!tpu.dma_semaphore, #tpu.memory_space<semaphore_mem>>) {add = true}
      %dma_wait3A = arith.constant 0 : i32
      %dma_wait3A_53 = tpu.memref_slice %arg6[%run_scoped3A_14, %dma_wait3A] : memref<40x128xi32, #tpu.memory_space<vmem>> -> memref<1x128xi32, #tpu.memory_space<vmem>>
      %dma_wait3A_54 = tpu.memref_squeeze %dma_wait3A_53 : memref<1x128xi32, #tpu.memory_space<vmem>> -> memref<128xi32, #tpu.memory_space<vmem>>
      %dma_wait3A_55 = arith.constant 0 : i32
      %dma_wait3A_56 = arith.constant 0 : i32
      %dma_wait3A_57 = tpu.memref_slice %arg8[%dma_wait3A_55, %dma_wait3A_56] : memref<10112x128xf32, #tpu.memory_space<vmem_shared>> -> memref<10112x128xf32, #tpu.memory_space<vmem_shared>>
      tpu.wait_indirect_dma semaphore(%run_scoped3A_47 : memref<!tpu.dma_semaphore, #tpu.memory_space<semaphore_mem>>) src(%arg7 : memref<128x128xf32, #tpu.memory_space<vmem>>) dst(%dma_wait3A_57 : memref<10112x128xf32, #tpu.memory_space<vmem_shared>>)
      tpu.yield
    }) : () -> ()
    %run_scoped3A_15 = arith.constant 11 : i32
    "tpu.region"() ({
      %run_scoped3A_47 = tpu.sem_alloc : memref<!tpu.dma_semaphore, #tpu.memory_space<semaphore_mem>>
      %dma_start3A = arith.constant 0 : i32
      %dma_start3A_48 = tpu.memref_slice %arg6[%run_scoped3A_15, %dma_start3A] : memref<40x128xi32, #tpu.memory_space<vmem>> -> memref<1x128xi32, #tpu.memory_space<vmem>>
      %dma_start3A_49 = tpu.memref_squeeze %dma_start3A_48 : memref<1x128xi32, #tpu.memory_space<vmem>> -> memref<128xi32, #tpu.memory_space<vmem>>
      %dma_start3A_50 = arith.constant 0 : i32
      %dma_start3A_51 = arith.constant 0 : i32
      %dma_start3A_52 = tpu.memref_slice %arg8[%dma_start3A_50, %dma_start3A_51] : memref<10112x128xf32, #tpu.memory_space<vmem_shared>> -> memref<10112x128xf32, #tpu.memory_space<vmem_shared>>
      tpu.enqueue_indirect_dma source(%arg7 : memref<128x128xf32, #tpu.memory_space<vmem>>) target(%dma_start3A_52 : memref<10112x128xf32, #tpu.memory_space<vmem_shared>>) offsets(%dma_start3A_49 : memref<128xi32, #tpu.memory_space<vmem>>) semaphore(%run_scoped3A_47 : memref<!tpu.dma_semaphore, #tpu.memory_space<semaphore_mem>>) {add = true}
      %dma_wait3A = arith.constant 0 : i32
      %dma_wait3A_53 = tpu.memref_slice %arg6[%run_scoped3A_15, %dma_wait3A] : memref<40x128xi32, #tpu.memory_space<vmem>> -> memref<1x128xi32, #tpu.memory_space<vmem>>
      %dma_wait3A_54 = tpu.memref_squeeze %dma_wait3A_53 : memref<1x128xi32, #tpu.memory_space<vmem>> -> memref<128xi32, #tpu.memory_space<vmem>>
      %dma_wait3A_55 = arith.constant 0 : i32
      %dma_wait3A_56 = arith.constant 0 : i32
      %dma_wait3A_57 = tpu.memref_slice %arg8[%dma_wait3A_55, %dma_wait3A_56] : memref<10112x128xf32, #tpu.memory_space<vmem_shared>> -> memref<10112x128xf32, #tpu.memory_space<vmem_shared>>
      tpu.wait_indirect_dma semaphore(%run_scoped3A_47 : memref<!tpu.dma_semaphore, #tpu.memory_space<semaphore_mem>>) src(%arg7 : memref<128x128xf32, #tpu.memory_space<vmem>>) dst(%dma_wait3A_57 : memref<10112x128xf32, #tpu.memory_space<vmem_shared>>)
      tpu.yield
    }) : () -> ()
    %run_scoped3A_16 = arith.constant 12 : i32
    "tpu.region"() ({
      %run_scoped3A_47 = tpu.sem_alloc : memref<!tpu.dma_semaphore, #tpu.memory_space<semaphore_mem>>
      %dma_start3A = arith.constant 0 : i32
      %dma_start3A_48 = tpu.memref_slice %arg6[%run_scoped3A_16, %dma_start3A] : memref<40x128xi32, #tpu.memory_space<vmem>> -> memref<1x128xi32, #tpu.memory_space<vmem>>
      %dma_start3A_49 = tpu.memref_squeeze %dma_start3A_48 : memref<1x128xi32, #tpu.memory_space<vmem>> -> memref<128xi32, #tpu.memory_space<vmem>>
      %dma_start3A_50 = arith.constant 0 : i32
      %dma_start3A_51 = arith.constant 0 : i32
      %dma_start3A_52 = tpu.memref_slice %arg8[%dma_start3A_50, %dma_start3A_51] : memref<10112x128xf32, #tpu.memory_space<vmem_shared>> -> memref<10112x128xf32, #tpu.memory_space<vmem_shared>>
      tpu.enqueue_indirect_dma source(%arg7 : memref<128x128xf32, #tpu.memory_space<vmem>>) target(%dma_start3A_52 : memref<10112x128xf32, #tpu.memory_space<vmem_shared>>) offsets(%dma_start3A_49 : memref<128xi32, #tpu.memory_space<vmem>>) semaphore(%run_scoped3A_47 : memref<!tpu.dma_semaphore, #tpu.memory_space<semaphore_mem>>) {add = true}
      %dma_wait3A = arith.constant 0 : i32
      %dma_wait3A_53 = tpu.memref_slice %arg6[%run_scoped3A_16, %dma_wait3A] : memref<40x128xi32, #tpu.memory_space<vmem>> -> memref<1x128xi32, #tpu.memory_space<vmem>>
      %dma_wait3A_54 = tpu.memref_squeeze %dma_wait3A_53 : memref<1x128xi32, #tpu.memory_space<vmem>> -> memref<128xi32, #tpu.memory_space<vmem>>
      %dma_wait3A_55 = arith.constant 0 : i32
      %dma_wait3A_56 = arith.constant 0 : i32
      %dma_wait3A_57 = tpu.memref_slice %arg8[%dma_wait3A_55, %dma_wait3A_56] : memref<10112x128xf32, #tpu.memory_space<vmem_shared>> -> memref<10112x128xf32, #tpu.memory_space<vmem_shared>>
      tpu.wait_indirect_dma semaphore(%run_scoped3A_47 : memref<!tpu.dma_semaphore, #tpu.memory_space<semaphore_mem>>) src(%arg7 : memref<128x128xf32, #tpu.memory_space<vmem>>) dst(%dma_wait3A_57 : memref<10112x128xf32, #tpu.memory_space<vmem_shared>>)
      tpu.yield
    }) : () -> ()
    %run_scoped3A_17 = arith.constant 13 : i32
    "tpu.region"() ({
      %run_scoped3A_47 = tpu.sem_alloc : memref<!tpu.dma_semaphore, #tpu.memory_space<semaphore_mem>>
      %dma_start3A = arith.constant 0 : i32
      %dma_start3A_48 = tpu.memref_slice %arg6[%run_scoped3A_17, %dma_start3A] : memref<40x128xi32, #tpu.memory_space<vmem>> -> memref<1x128xi32, #tpu.memory_space<vmem>>
      %dma_start3A_49 = tpu.memref_squeeze %dma_start3A_48 : memref<1x128xi32, #tpu.memory_space<vmem>> -> memref<128xi32, #tpu.memory_space<vmem>>
      %dma_start3A_50 = arith.constant 0 : i32
      %dma_start3A_51 = arith.constant 0 : i32
      %dma_start3A_52 = tpu.memref_slice %arg8[%dma_start3A_50, %dma_start3A_51] : memref<10112x128xf32, #tpu.memory_space<vmem_shared>> -> memref<10112x128xf32, #tpu.memory_space<vmem_shared>>
      tpu.enqueue_indirect_dma source(%arg7 : memref<128x128xf32, #tpu.memory_space<vmem>>) target(%dma_start3A_52 : memref<10112x128xf32, #tpu.memory_space<vmem_shared>>) offsets(%dma_start3A_49 : memref<128xi32, #tpu.memory_space<vmem>>) semaphore(%run_scoped3A_47 : memref<!tpu.dma_semaphore, #tpu.memory_space<semaphore_mem>>) {add = true}
      %dma_wait3A = arith.constant 0 : i32
      %dma_wait3A_53 = tpu.memref_slice %arg6[%run_scoped3A_17, %dma_wait3A] : memref<40x128xi32, #tpu.memory_space<vmem>> -> memref<1x128xi32, #tpu.memory_space<vmem>>
      %dma_wait3A_54 = tpu.memref_squeeze %dma_wait3A_53 : memref<1x128xi32, #tpu.memory_space<vmem>> -> memref<128xi32, #tpu.memory_space<vmem>>
      %dma_wait3A_55 = arith.constant 0 : i32
      %dma_wait3A_56 = arith.constant 0 : i32
      %dma_wait3A_57 = tpu.memref_slice %arg8[%dma_wait3A_55, %dma_wait3A_56] : memref<10112x128xf32, #tpu.memory_space<vmem_shared>> -> memref<10112x128xf32, #tpu.memory_space<vmem_shared>>
      tpu.wait_indirect_dma semaphore(%run_scoped3A_47 : memref<!tpu.dma_semaphore, #tpu.memory_space<semaphore_mem>>) src(%arg7 : memref<128x128xf32, #tpu.memory_space<vmem>>) dst(%dma_wait3A_57 : memref<10112x128xf32, #tpu.memory_space<vmem_shared>>)
      tpu.yield
    }) : () -> ()
    %run_scoped3A_18 = arith.constant 14 : i32
    "tpu.region"() ({
      %run_scoped3A_47 = tpu.sem_alloc : memref<!tpu.dma_semaphore, #tpu.memory_space<semaphore_mem>>
      %dma_start3A = arith.constant 0 : i32
      %dma_start3A_48 = tpu.memref_slice %arg6[%run_scoped3A_18, %dma_start3A] : memref<40x128xi32, #tpu.memory_space<vmem>> -> memref<1x128xi32, #tpu.memory_space<vmem>>
      %dma_start3A_49 = tpu.memref_squeeze %dma_start3A_48 : memref<1x128xi32, #tpu.memory_space<vmem>> -> memref<128xi32, #tpu.memory_space<vmem>>
      %dma_start3A_50 = arith.constant 0 : i32
      %dma_start3A_51 = arith.constant 0 : i32
      %dma_start3A_52 = tpu.memref_slice %arg8[%dma_start3A_50, %dma_start3A_51] : memref<10112x128xf32, #tpu.memory_space<vmem_shared>> -> memref<10112x128xf32, #tpu.memory_space<vmem_shared>>
      tpu.enqueue_indirect_dma source(%arg7 : memref<128x128xf32, #tpu.memory_space<vmem>>) target(%dma_start3A_52 : memref<10112x128xf32, #tpu.memory_space<vmem_shared>>) offsets(%dma_start3A_49 : memref<128xi32, #tpu.memory_space<vmem>>) semaphore(%run_scoped3A_47 : memref<!tpu.dma_semaphore, #tpu.memory_space<semaphore_mem>>) {add = true}
      %dma_wait3A = arith.constant 0 : i32
      %dma_wait3A_53 = tpu.memref_slice %arg6[%run_scoped3A_18, %dma_wait3A] : memref<40x128xi32, #tpu.memory_space<vmem>> -> memref<1x128xi32, #tpu.memory_space<vmem>>
      %dma_wait3A_54 = tpu.memref_squeeze %dma_wait3A_53 : memref<1x128xi32, #tpu.memory_space<vmem>> -> memref<128xi32, #tpu.memory_space<vmem>>
      %dma_wait3A_55 = arith.constant 0 : i32
      %dma_wait3A_56 = arith.constant 0 : i32
      %dma_wait3A_57 = tpu.memref_slice %arg8[%dma_wait3A_55, %dma_wait3A_56] : memref<10112x128xf32, #tpu.memory_space<vmem_shared>> -> memref<10112x128xf32, #tpu.memory_space<vmem_shared>>
      tpu.wait_indirect_dma semaphore(%run_scoped3A_47 : memref<!tpu.dma_semaphore, #tpu.memory_space<semaphore_mem>>) src(%arg7 : memref<128x128xf32, #tpu.memory_space<vmem>>) dst(%dma_wait3A_57 : memref<10112x128xf32, #tpu.memory_space<vmem_shared>>)
      tpu.yield
    }) : () -> ()
    %run_scoped3A_19 = arith.constant 15 : i32
    "tpu.region"() ({
      %run_scoped3A_47 = tpu.sem_alloc : memref<!tpu.dma_semaphore, #tpu.memory_space<semaphore_mem>>
      %dma_start3A = arith.constant 0 : i32
      %dma_start3A_48 = tpu.memref_slice %arg6[%run_scoped3A_19, %dma_start3A] : memref<40x128xi32, #tpu.memory_space<vmem>> -> memref<1x128xi32, #tpu.memory_space<vmem>>
      %dma_start3A_49 = tpu.memref_squeeze %dma_start3A_48 : memref<1x128xi32, #tpu.memory_space<vmem>> -> memref<128xi32, #tpu.memory_space<vmem>>
      %dma_start3A_50 = arith.constant 0 : i32
      %dma_start3A_51 = arith.constant 0 : i32
      %dma_start3A_52 = tpu.memref_slice %arg8[%dma_start3A_50, %dma_start3A_51] : memref<10112x128xf32, #tpu.memory_space<vmem_shared>> -> memref<10112x128xf32, #tpu.memory_space<vmem_shared>>
      tpu.enqueue_indirect_dma source(%arg7 : memref<128x128xf32, #tpu.memory_space<vmem>>) target(%dma_start3A_52 : memref<10112x128xf32, #tpu.memory_space<vmem_shared>>) offsets(%dma_start3A_49 : memref<128xi32, #tpu.memory_space<vmem>>) semaphore(%run_scoped3A_47 : memref<!tpu.dma_semaphore, #tpu.memory_space<semaphore_mem>>) {add = true}
      %dma_wait3A = arith.constant 0 : i32
      %dma_wait3A_53 = tpu.memref_slice %arg6[%run_scoped3A_19, %dma_wait3A] : memref<40x128xi32, #tpu.memory_space<vmem>> -> memref<1x128xi32, #tpu.memory_space<vmem>>
      %dma_wait3A_54 = tpu.memref_squeeze %dma_wait3A_53 : memref<1x128xi32, #tpu.memory_space<vmem>> -> memref<128xi32, #tpu.memory_space<vmem>>
      %dma_wait3A_55 = arith.constant 0 : i32
      %dma_wait3A_56 = arith.constant 0 : i32
      %dma_wait3A_57 = tpu.memref_slice %arg8[%dma_wait3A_55, %dma_wait3A_56] : memref<10112x128xf32, #tpu.memory_space<vmem_shared>> -> memref<10112x128xf32, #tpu.memory_space<vmem_shared>>
      tpu.wait_indirect_dma semaphore(%run_scoped3A_47 : memref<!tpu.dma_semaphore, #tpu.memory_space<semaphore_mem>>) src(%arg7 : memref<128x128xf32, #tpu.memory_space<vmem>>) dst(%dma_wait3A_57 : memref<10112x128xf32, #tpu.memory_space<vmem_shared>>)
      tpu.yield
    }) : () -> ()
    %run_scoped3A_20 = arith.constant 16 : i32
    "tpu.region"() ({
      %run_scoped3A_47 = tpu.sem_alloc : memref<!tpu.dma_semaphore, #tpu.memory_space<semaphore_mem>>
      %dma_start3A = arith.constant 0 : i32
      %dma_start3A_48 = tpu.memref_slice %arg6[%run_scoped3A_20, %dma_start3A] : memref<40x128xi32, #tpu.memory_space<vmem>> -> memref<1x128xi32, #tpu.memory_space<vmem>>
      %dma_start3A_49 = tpu.memref_squeeze %dma_start3A_48 : memref<1x128xi32, #tpu.memory_space<vmem>> -> memref<128xi32, #tpu.memory_space<vmem>>
      %dma_start3A_50 = arith.constant 0 : i32
      %dma_start3A_51 = arith.constant 0 : i32
      %dma_start3A_52 = tpu.memref_slice %arg8[%dma_start3A_50, %dma_start3A_51] : memref<10112x128xf32, #tpu.memory_space<vmem_shared>> -> memref<10112x128xf32, #tpu.memory_space<vmem_shared>>
      tpu.enqueue_indirect_dma source(%arg7 : memref<128x128xf32, #tpu.memory_space<vmem>>) target(%dma_start3A_52 : memref<10112x128xf32, #tpu.memory_space<vmem_shared>>) offsets(%dma_start3A_49 : memref<128xi32, #tpu.memory_space<vmem>>) semaphore(%run_scoped3A_47 : memref<!tpu.dma_semaphore, #tpu.memory_space<semaphore_mem>>) {add = true}
      %dma_wait3A = arith.constant 0 : i32
      %dma_wait3A_53 = tpu.memref_slice %arg6[%run_scoped3A_20, %dma_wait3A] : memref<40x128xi32, #tpu.memory_space<vmem>> -> memref<1x128xi32, #tpu.memory_space<vmem>>
      %dma_wait3A_54 = tpu.memref_squeeze %dma_wait3A_53 : memref<1x128xi32, #tpu.memory_space<vmem>> -> memref<128xi32, #tpu.memory_space<vmem>>
      %dma_wait3A_55 = arith.constant 0 : i32
      %dma_wait3A_56 = arith.constant 0 : i32
      %dma_wait3A_57 = tpu.memref_slice %arg8[%dma_wait3A_55, %dma_wait3A_56] : memref<10112x128xf32, #tpu.memory_space<vmem_shared>> -> memref<10112x128xf32, #tpu.memory_space<vmem_shared>>
      tpu.wait_indirect_dma semaphore(%run_scoped3A_47 : memref<!tpu.dma_semaphore, #tpu.memory_space<semaphore_mem>>) src(%arg7 : memref<128x128xf32, #tpu.memory_space<vmem>>) dst(%dma_wait3A_57 : memref<10112x128xf32, #tpu.memory_space<vmem_shared>>)
      tpu.yield
    }) : () -> ()
    %run_scoped3A_21 = arith.constant 17 : i32
    "tpu.region"() ({
      %run_scoped3A_47 = tpu.sem_alloc : memref<!tpu.dma_semaphore, #tpu.memory_space<semaphore_mem>>
      %dma_start3A = arith.constant 0 : i32
      %dma_start3A_48 = tpu.memref_slice %arg6[%run_scoped3A_21, %dma_start3A] : memref<40x128xi32, #tpu.memory_space<vmem>> -> memref<1x128xi32, #tpu.memory_space<vmem>>
      %dma_start3A_49 = tpu.memref_squeeze %dma_start3A_48 : memref<1x128xi32, #tpu.memory_space<vmem>> -> memref<128xi32, #tpu.memory_space<vmem>>
      %dma_start3A_50 = arith.constant 0 : i32
      %dma_start3A_51 = arith.constant 0 : i32
      %dma_start3A_52 = tpu.memref_slice %arg8[%dma_start3A_50, %dma_start3A_51] : memref<10112x128xf32, #tpu.memory_space<vmem_shared>> -> memref<10112x128xf32, #tpu.memory_space<vmem_shared>>
      tpu.enqueue_indirect_dma source(%arg7 : memref<128x128xf32, #tpu.memory_space<vmem>>) target(%dma_start3A_52 : memref<10112x128xf32, #tpu.memory_space<vmem_shared>>) offsets(%dma_start3A_49 : memref<128xi32, #tpu.memory_space<vmem>>) semaphore(%run_scoped3A_47 : memref<!tpu.dma_semaphore, #tpu.memory_space<semaphore_mem>>) {add = true}
      %dma_wait3A = arith.constant 0 : i32
      %dma_wait3A_53 = tpu.memref_slice %arg6[%run_scoped3A_21, %dma_wait3A] : memref<40x128xi32, #tpu.memory_space<vmem>> -> memref<1x128xi32, #tpu.memory_space<vmem>>
      %dma_wait3A_54 = tpu.memref_squeeze %dma_wait3A_53 : memref<1x128xi32, #tpu.memory_space<vmem>> -> memref<128xi32, #tpu.memory_space<vmem>>
      %dma_wait3A_55 = arith.constant 0 : i32
      %dma_wait3A_56 = arith.constant 0 : i32
      %dma_wait3A_57 = tpu.memref_slice %arg8[%dma_wait3A_55, %dma_wait3A_56] : memref<10112x128xf32, #tpu.memory_space<vmem_shared>> -> memref<10112x128xf32, #tpu.memory_space<vmem_shared>>
      tpu.wait_indirect_dma semaphore(%run_scoped3A_47 : memref<!tpu.dma_semaphore, #tpu.memory_space<semaphore_mem>>) src(%arg7 : memref<128x128xf32, #tpu.memory_space<vmem>>) dst(%dma_wait3A_57 : memref<10112x128xf32, #tpu.memory_space<vmem_shared>>)
      tpu.yield
    }) : () -> ()
    %run_scoped3A_22 = arith.constant 18 : i32
    "tpu.region"() ({
      %run_scoped3A_47 = tpu.sem_alloc : memref<!tpu.dma_semaphore, #tpu.memory_space<semaphore_mem>>
      %dma_start3A = arith.constant 0 : i32
      %dma_start3A_48 = tpu.memref_slice %arg6[%run_scoped3A_22, %dma_start3A] : memref<40x128xi32, #tpu.memory_space<vmem>> -> memref<1x128xi32, #tpu.memory_space<vmem>>
      %dma_start3A_49 = tpu.memref_squeeze %dma_start3A_48 : memref<1x128xi32, #tpu.memory_space<vmem>> -> memref<128xi32, #tpu.memory_space<vmem>>
      %dma_start3A_50 = arith.constant 0 : i32
      %dma_start3A_51 = arith.constant 0 : i32
      %dma_start3A_52 = tpu.memref_slice %arg8[%dma_start3A_50, %dma_start3A_51] : memref<10112x128xf32, #tpu.memory_space<vmem_shared>> -> memref<10112x128xf32, #tpu.memory_space<vmem_shared>>
      tpu.enqueue_indirect_dma source(%arg7 : memref<128x128xf32, #tpu.memory_space<vmem>>) target(%dma_start3A_52 : memref<10112x128xf32, #tpu.memory_space<vmem_shared>>) offsets(%dma_start3A_49 : memref<128xi32, #tpu.memory_space<vmem>>) semaphore(%run_scoped3A_47 : memref<!tpu.dma_semaphore, #tpu.memory_space<semaphore_mem>>) {add = true}
      %dma_wait3A = arith.constant 0 : i32
      %dma_wait3A_53 = tpu.memref_slice %arg6[%run_scoped3A_22, %dma_wait3A] : memref<40x128xi32, #tpu.memory_space<vmem>> -> memref<1x128xi32, #tpu.memory_space<vmem>>
      %dma_wait3A_54 = tpu.memref_squeeze %dma_wait3A_53 : memref<1x128xi32, #tpu.memory_space<vmem>> -> memref<128xi32, #tpu.memory_space<vmem>>
      %dma_wait3A_55 = arith.constant 0 : i32
      %dma_wait3A_56 = arith.constant 0 : i32
      %dma_wait3A_57 = tpu.memref_slice %arg8[%dma_wait3A_55, %dma_wait3A_56] : memref<10112x128xf32, #tpu.memory_space<vmem_shared>> -> memref<10112x128xf32, #tpu.memory_space<vmem_shared>>
      tpu.wait_indirect_dma semaphore(%run_scoped3A_47 : memref<!tpu.dma_semaphore, #tpu.memory_space<semaphore_mem>>) src(%arg7 : memref<128x128xf32, #tpu.memory_space<vmem>>) dst(%dma_wait3A_57 : memref<10112x128xf32, #tpu.memory_space<vmem_shared>>)
      tpu.yield
    }) : () -> ()
    %run_scoped3A_23 = arith.constant 19 : i32
    "tpu.region"() ({
      %run_scoped3A_47 = tpu.sem_alloc : memref<!tpu.dma_semaphore, #tpu.memory_space<semaphore_mem>>
      %dma_start3A = arith.constant 0 : i32
      %dma_start3A_48 = tpu.memref_slice %arg6[%run_scoped3A_23, %dma_start3A] : memref<40x128xi32, #tpu.memory_space<vmem>> -> memref<1x128xi32, #tpu.memory_space<vmem>>
      %dma_start3A_49 = tpu.memref_squeeze %dma_start3A_48 : memref<1x128xi32, #tpu.memory_space<vmem>> -> memref<128xi32, #tpu.memory_space<vmem>>
      %dma_start3A_50 = arith.constant 0 : i32
      %dma_start3A_51 = arith.constant 0 : i32
      %dma_start3A_52 = tpu.memref_slice %arg8[%dma_start3A_50, %dma_start3A_51] : memref<10112x128xf32, #tpu.memory_space<vmem_shared>> -> memref<10112x128xf32, #tpu.memory_space<vmem_shared>>
      tpu.enqueue_indirect_dma source(%arg7 : memref<128x128xf32, #tpu.memory_space<vmem>>) target(%dma_start3A_52 : memref<10112x128xf32, #tpu.memory_space<vmem_shared>>) offsets(%dma_start3A_49 : memref<128xi32, #tpu.memory_space<vmem>>) semaphore(%run_scoped3A_47 : memref<!tpu.dma_semaphore, #tpu.memory_space<semaphore_mem>>) {add = true}
      %dma_wait3A = arith.constant 0 : i32
      %dma_wait3A_53 = tpu.memref_slice %arg6[%run_scoped3A_23, %dma_wait3A] : memref<40x128xi32, #tpu.memory_space<vmem>> -> memref<1x128xi32, #tpu.memory_space<vmem>>
      %dma_wait3A_54 = tpu.memref_squeeze %dma_wait3A_53 : memref<1x128xi32, #tpu.memory_space<vmem>> -> memref<128xi32, #tpu.memory_space<vmem>>
      %dma_wait3A_55 = arith.constant 0 : i32
      %dma_wait3A_56 = arith.constant 0 : i32
      %dma_wait3A_57 = tpu.memref_slice %arg8[%dma_wait3A_55, %dma_wait3A_56] : memref<10112x128xf32, #tpu.memory_space<vmem_shared>> -> memref<10112x128xf32, #tpu.memory_space<vmem_shared>>
      tpu.wait_indirect_dma semaphore(%run_scoped3A_47 : memref<!tpu.dma_semaphore, #tpu.memory_space<semaphore_mem>>) src(%arg7 : memref<128x128xf32, #tpu.memory_space<vmem>>) dst(%dma_wait3A_57 : memref<10112x128xf32, #tpu.memory_space<vmem_shared>>)
      tpu.yield
    }) : () -> ()
    %run_scoped3A_24 = arith.constant 20 : i32
    "tpu.region"() ({
      %run_scoped3A_47 = tpu.sem_alloc : memref<!tpu.dma_semaphore, #tpu.memory_space<semaphore_mem>>
      %dma_start3A = arith.constant 0 : i32
      %dma_start3A_48 = tpu.memref_slice %arg6[%run_scoped3A_24, %dma_start3A] : memref<40x128xi32, #tpu.memory_space<vmem>> -> memref<1x128xi32, #tpu.memory_space<vmem>>
      %dma_start3A_49 = tpu.memref_squeeze %dma_start3A_48 : memref<1x128xi32, #tpu.memory_space<vmem>> -> memref<128xi32, #tpu.memory_space<vmem>>
      %dma_start3A_50 = arith.constant 0 : i32
      %dma_start3A_51 = arith.constant 0 : i32
      %dma_start3A_52 = tpu.memref_slice %arg8[%dma_start3A_50, %dma_start3A_51] : memref<10112x128xf32, #tpu.memory_space<vmem_shared>> -> memref<10112x128xf32, #tpu.memory_space<vmem_shared>>
      tpu.enqueue_indirect_dma source(%arg7 : memref<128x128xf32, #tpu.memory_space<vmem>>) target(%dma_start3A_52 : memref<10112x128xf32, #tpu.memory_space<vmem_shared>>) offsets(%dma_start3A_49 : memref<128xi32, #tpu.memory_space<vmem>>) semaphore(%run_scoped3A_47 : memref<!tpu.dma_semaphore, #tpu.memory_space<semaphore_mem>>) {add = true}
      %dma_wait3A = arith.constant 0 : i32
      %dma_wait3A_53 = tpu.memref_slice %arg6[%run_scoped3A_24, %dma_wait3A] : memref<40x128xi32, #tpu.memory_space<vmem>> -> memref<1x128xi32, #tpu.memory_space<vmem>>
      %dma_wait3A_54 = tpu.memref_squeeze %dma_wait3A_53 : memref<1x128xi32, #tpu.memory_space<vmem>> -> memref<128xi32, #tpu.memory_space<vmem>>
      %dma_wait3A_55 = arith.constant 0 : i32
      %dma_wait3A_56 = arith.constant 0 : i32
      %dma_wait3A_57 = tpu.memref_slice %arg8[%dma_wait3A_55, %dma_wait3A_56] : memref<10112x128xf32, #tpu.memory_space<vmem_shared>> -> memref<10112x128xf32, #tpu.memory_space<vmem_shared>>
      tpu.wait_indirect_dma semaphore(%run_scoped3A_47 : memref<!tpu.dma_semaphore, #tpu.memory_space<semaphore_mem>>) src(%arg7 : memref<128x128xf32, #tpu.memory_space<vmem>>) dst(%dma_wait3A_57 : memref<10112x128xf32, #tpu.memory_space<vmem_shared>>)
      tpu.yield
    }) : () -> ()
    %run_scoped3A_25 = arith.constant 21 : i32
    "tpu.region"() ({
      %run_scoped3A_47 = tpu.sem_alloc : memref<!tpu.dma_semaphore, #tpu.memory_space<semaphore_mem>>
      %dma_start3A = arith.constant 0 : i32
      %dma_start3A_48 = tpu.memref_slice %arg6[%run_scoped3A_25, %dma_start3A] : memref<40x128xi32, #tpu.memory_space<vmem>> -> memref<1x128xi32, #tpu.memory_space<vmem>>
      %dma_start3A_49 = tpu.memref_squeeze %dma_start3A_48 : memref<1x128xi32, #tpu.memory_space<vmem>> -> memref<128xi32, #tpu.memory_space<vmem>>
      %dma_start3A_50 = arith.constant 0 : i32
      %dma_start3A_51 = arith.constant 0 : i32
      %dma_start3A_52 = tpu.memref_slice %arg8[%dma_start3A_50, %dma_start3A_51] : memref<10112x128xf32, #tpu.memory_space<vmem_shared>> -> memref<10112x128xf32, #tpu.memory_space<vmem_shared>>
      tpu.enqueue_indirect_dma source(%arg7 : memref<128x128xf32, #tpu.memory_space<vmem>>) target(%dma_start3A_52 : memref<10112x128xf32, #tpu.memory_space<vmem_shared>>) offsets(%dma_start3A_49 : memref<128xi32, #tpu.memory_space<vmem>>) semaphore(%run_scoped3A_47 : memref<!tpu.dma_semaphore, #tpu.memory_space<semaphore_mem>>) {add = true}
      %dma_wait3A = arith.constant 0 : i32
      %dma_wait3A_53 = tpu.memref_slice %arg6[%run_scoped3A_25, %dma_wait3A] : memref<40x128xi32, #tpu.memory_space<vmem>> -> memref<1x128xi32, #tpu.memory_space<vmem>>
      %dma_wait3A_54 = tpu.memref_squeeze %dma_wait3A_53 : memref<1x128xi32, #tpu.memory_space<vmem>> -> memref<128xi32, #tpu.memory_space<vmem>>
      %dma_wait3A_55 = arith.constant 0 : i32
      %dma_wait3A_56 = arith.constant 0 : i32
      %dma_wait3A_57 = tpu.memref_slice %arg8[%dma_wait3A_55, %dma_wait3A_56] : memref<10112x128xf32, #tpu.memory_space<vmem_shared>> -> memref<10112x128xf32, #tpu.memory_space<vmem_shared>>
      tpu.wait_indirect_dma semaphore(%run_scoped3A_47 : memref<!tpu.dma_semaphore, #tpu.memory_space<semaphore_mem>>) src(%arg7 : memref<128x128xf32, #tpu.memory_space<vmem>>) dst(%dma_wait3A_57 : memref<10112x128xf32, #tpu.memory_space<vmem_shared>>)
      tpu.yield
    }) : () -> ()
    %run_scoped3A_26 = arith.constant 22 : i32
    "tpu.region"() ({
      %run_scoped3A_47 = tpu.sem_alloc : memref<!tpu.dma_semaphore, #tpu.memory_space<semaphore_mem>>
      %dma_start3A = arith.constant 0 : i32
      %dma_start3A_48 = tpu.memref_slice %arg6[%run_scoped3A_26, %dma_start3A] : memref<40x128xi32, #tpu.memory_space<vmem>> -> memref<1x128xi32, #tpu.memory_space<vmem>>
      %dma_start3A_49 = tpu.memref_squeeze %dma_start3A_48 : memref<1x128xi32, #tpu.memory_space<vmem>> -> memref<128xi32, #tpu.memory_space<vmem>>
      %dma_start3A_50 = arith.constant 0 : i32
      %dma_start3A_51 = arith.constant 0 : i32
      %dma_start3A_52 = tpu.memref_slice %arg8[%dma_start3A_50, %dma_start3A_51] : memref<10112x128xf32, #tpu.memory_space<vmem_shared>> -> memref<10112x128xf32, #tpu.memory_space<vmem_shared>>
      tpu.enqueue_indirect_dma source(%arg7 : memref<128x128xf32, #tpu.memory_space<vmem>>) target(%dma_start3A_52 : memref<10112x128xf32, #tpu.memory_space<vmem_shared>>) offsets(%dma_start3A_49 : memref<128xi32, #tpu.memory_space<vmem>>) semaphore(%run_scoped3A_47 : memref<!tpu.dma_semaphore, #tpu.memory_space<semaphore_mem>>) {add = true}
      %dma_wait3A = arith.constant 0 : i32
      %dma_wait3A_53 = tpu.memref_slice %arg6[%run_scoped3A_26, %dma_wait3A] : memref<40x128xi32, #tpu.memory_space<vmem>> -> memref<1x128xi32, #tpu.memory_space<vmem>>
      %dma_wait3A_54 = tpu.memref_squeeze %dma_wait3A_53 : memref<1x128xi32, #tpu.memory_space<vmem>> -> memref<128xi32, #tpu.memory_space<vmem>>
      %dma_wait3A_55 = arith.constant 0 : i32
      %dma_wait3A_56 = arith.constant 0 : i32
      %dma_wait3A_57 = tpu.memref_slice %arg8[%dma_wait3A_55, %dma_wait3A_56] : memref<10112x128xf32, #tpu.memory_space<vmem_shared>> -> memref<10112x128xf32, #tpu.memory_space<vmem_shared>>
      tpu.wait_indirect_dma semaphore(%run_scoped3A_47 : memref<!tpu.dma_semaphore, #tpu.memory_space<semaphore_mem>>) src(%arg7 : memref<128x128xf32, #tpu.memory_space<vmem>>) dst(%dma_wait3A_57 : memref<10112x128xf32, #tpu.memory_space<vmem_shared>>)
      tpu.yield
    }) : () -> ()
    %run_scoped3A_27 = arith.constant 23 : i32
    "tpu.region"() ({
      %run_scoped3A_47 = tpu.sem_alloc : memref<!tpu.dma_semaphore, #tpu.memory_space<semaphore_mem>>
      %dma_start3A = arith.constant 0 : i32
      %dma_start3A_48 = tpu.memref_slice %arg6[%run_scoped3A_27, %dma_start3A] : memref<40x128xi32, #tpu.memory_space<vmem>> -> memref<1x128xi32, #tpu.memory_space<vmem>>
      %dma_start3A_49 = tpu.memref_squeeze %dma_start3A_48 : memref<1x128xi32, #tpu.memory_space<vmem>> -> memref<128xi32, #tpu.memory_space<vmem>>
      %dma_start3A_50 = arith.constant 0 : i32
      %dma_start3A_51 = arith.constant 0 : i32
      %dma_start3A_52 = tpu.memref_slice %arg8[%dma_start3A_50, %dma_start3A_51] : memref<10112x128xf32, #tpu.memory_space<vmem_shared>> -> memref<10112x128xf32, #tpu.memory_space<vmem_shared>>
      tpu.enqueue_indirect_dma source(%arg7 : memref<128x128xf32, #tpu.memory_space<vmem>>) target(%dma_start3A_52 : memref<10112x128xf32, #tpu.memory_space<vmem_shared>>) offsets(%dma_start3A_49 : memref<128xi32, #tpu.memory_space<vmem>>) semaphore(%run_scoped3A_47 : memref<!tpu.dma_semaphore, #tpu.memory_space<semaphore_mem>>) {add = true}
      %dma_wait3A = arith.constant 0 : i32
      %dma_wait3A_53 = tpu.memref_slice %arg6[%run_scoped3A_27, %dma_wait3A] : memref<40x128xi32, #tpu.memory_space<vmem>> -> memref<1x128xi32, #tpu.memory_space<vmem>>
      %dma_wait3A_54 = tpu.memref_squeeze %dma_wait3A_53 : memref<1x128xi32, #tpu.memory_space<vmem>> -> memref<128xi32, #tpu.memory_space<vmem>>
      %dma_wait3A_55 = arith.constant 0 : i32
      %dma_wait3A_56 = arith.constant 0 : i32
      %dma_wait3A_57 = tpu.memref_slice %arg8[%dma_wait3A_55, %dma_wait3A_56] : memref<10112x128xf32, #tpu.memory_space<vmem_shared>> -> memref<10112x128xf32, #tpu.memory_space<vmem_shared>>
      tpu.wait_indirect_dma semaphore(%run_scoped3A_47 : memref<!tpu.dma_semaphore, #tpu.memory_space<semaphore_mem>>) src(%arg7 : memref<128x128xf32, #tpu.memory_space<vmem>>) dst(%dma_wait3A_57 : memref<10112x128xf32, #tpu.memory_space<vmem_shared>>)
      tpu.yield
    }) : () -> ()
    %run_scoped3A_28 = arith.constant 24 : i32
    "tpu.region"() ({
      %run_scoped3A_47 = tpu.sem_alloc : memref<!tpu.dma_semaphore, #tpu.memory_space<semaphore_mem>>
      %dma_start3A = arith.constant 0 : i32
      %dma_start3A_48 = tpu.memref_slice %arg6[%run_scoped3A_28, %dma_start3A] : memref<40x128xi32, #tpu.memory_space<vmem>> -> memref<1x128xi32, #tpu.memory_space<vmem>>
      %dma_start3A_49 = tpu.memref_squeeze %dma_start3A_48 : memref<1x128xi32, #tpu.memory_space<vmem>> -> memref<128xi32, #tpu.memory_space<vmem>>
      %dma_start3A_50 = arith.constant 0 : i32
      %dma_start3A_51 = arith.constant 0 : i32
      %dma_start3A_52 = tpu.memref_slice %arg8[%dma_start3A_50, %dma_start3A_51] : memref<10112x128xf32, #tpu.memory_space<vmem_shared>> -> memref<10112x128xf32, #tpu.memory_space<vmem_shared>>
      tpu.enqueue_indirect_dma source(%arg7 : memref<128x128xf32, #tpu.memory_space<vmem>>) target(%dma_start3A_52 : memref<10112x128xf32, #tpu.memory_space<vmem_shared>>) offsets(%dma_start3A_49 : memref<128xi32, #tpu.memory_space<vmem>>) semaphore(%run_scoped3A_47 : memref<!tpu.dma_semaphore, #tpu.memory_space<semaphore_mem>>) {add = true}
      %dma_wait3A = arith.constant 0 : i32
      %dma_wait3A_53 = tpu.memref_slice %arg6[%run_scoped3A_28, %dma_wait3A] : memref<40x128xi32, #tpu.memory_space<vmem>> -> memref<1x128xi32, #tpu.memory_space<vmem>>
      %dma_wait3A_54 = tpu.memref_squeeze %dma_wait3A_53 : memref<1x128xi32, #tpu.memory_space<vmem>> -> memref<128xi32, #tpu.memory_space<vmem>>
      %dma_wait3A_55 = arith.constant 0 : i32
      %dma_wait3A_56 = arith.constant 0 : i32
      %dma_wait3A_57 = tpu.memref_slice %arg8[%dma_wait3A_55, %dma_wait3A_56] : memref<10112x128xf32, #tpu.memory_space<vmem_shared>> -> memref<10112x128xf32, #tpu.memory_space<vmem_shared>>
      tpu.wait_indirect_dma semaphore(%run_scoped3A_47 : memref<!tpu.dma_semaphore, #tpu.memory_space<semaphore_mem>>) src(%arg7 : memref<128x128xf32, #tpu.memory_space<vmem>>) dst(%dma_wait3A_57 : memref<10112x128xf32, #tpu.memory_space<vmem_shared>>)
      tpu.yield
    }) : () -> ()
    %run_scoped3A_29 = arith.constant 25 : i32
    "tpu.region"() ({
      %run_scoped3A_47 = tpu.sem_alloc : memref<!tpu.dma_semaphore, #tpu.memory_space<semaphore_mem>>
      %dma_start3A = arith.constant 0 : i32
      %dma_start3A_48 = tpu.memref_slice %arg6[%run_scoped3A_29, %dma_start3A] : memref<40x128xi32, #tpu.memory_space<vmem>> -> memref<1x128xi32, #tpu.memory_space<vmem>>
      %dma_start3A_49 = tpu.memref_squeeze %dma_start3A_48 : memref<1x128xi32, #tpu.memory_space<vmem>> -> memref<128xi32, #tpu.memory_space<vmem>>
      %dma_start3A_50 = arith.constant 0 : i32
      %dma_start3A_51 = arith.constant 0 : i32
      %dma_start3A_52 = tpu.memref_slice %arg8[%dma_start3A_50, %dma_start3A_51] : memref<10112x128xf32, #tpu.memory_space<vmem_shared>> -> memref<10112x128xf32, #tpu.memory_space<vmem_shared>>
      tpu.enqueue_indirect_dma source(%arg7 : memref<128x128xf32, #tpu.memory_space<vmem>>) target(%dma_start3A_52 : memref<10112x128xf32, #tpu.memory_space<vmem_shared>>) offsets(%dma_start3A_49 : memref<128xi32, #tpu.memory_space<vmem>>) semaphore(%run_scoped3A_47 : memref<!tpu.dma_semaphore, #tpu.memory_space<semaphore_mem>>) {add = true}
      %dma_wait3A = arith.constant 0 : i32
      %dma_wait3A_53 = tpu.memref_slice %arg6[%run_scoped3A_29, %dma_wait3A] : memref<40x128xi32, #tpu.memory_space<vmem>> -> memref<1x128xi32, #tpu.memory_space<vmem>>
      %dma_wait3A_54 = tpu.memref_squeeze %dma_wait3A_53 : memref<1x128xi32, #tpu.memory_space<vmem>> -> memref<128xi32, #tpu.memory_space<vmem>>
      %dma_wait3A_55 = arith.constant 0 : i32
      %dma_wait3A_56 = arith.constant 0 : i32
      %dma_wait3A_57 = tpu.memref_slice %arg8[%dma_wait3A_55, %dma_wait3A_56] : memref<10112x128xf32, #tpu.memory_space<vmem_shared>> -> memref<10112x128xf32, #tpu.memory_space<vmem_shared>>
      tpu.wait_indirect_dma semaphore(%run_scoped3A_47 : memref<!tpu.dma_semaphore, #tpu.memory_space<semaphore_mem>>) src(%arg7 : memref<128x128xf32, #tpu.memory_space<vmem>>) dst(%dma_wait3A_57 : memref<10112x128xf32, #tpu.memory_space<vmem_shared>>)
      tpu.yield
    }) : () -> ()
    %run_scoped3A_30 = arith.constant 26 : i32
    "tpu.region"() ({
      %run_scoped3A_47 = tpu.sem_alloc : memref<!tpu.dma_semaphore, #tpu.memory_space<semaphore_mem>>
      %dma_start3A = arith.constant 0 : i32
      %dma_start3A_48 = tpu.memref_slice %arg6[%run_scoped3A_30, %dma_start3A] : memref<40x128xi32, #tpu.memory_space<vmem>> -> memref<1x128xi32, #tpu.memory_space<vmem>>
      %dma_start3A_49 = tpu.memref_squeeze %dma_start3A_48 : memref<1x128xi32, #tpu.memory_space<vmem>> -> memref<128xi32, #tpu.memory_space<vmem>>
      %dma_start3A_50 = arith.constant 0 : i32
      %dma_start3A_51 = arith.constant 0 : i32
      %dma_start3A_52 = tpu.memref_slice %arg8[%dma_start3A_50, %dma_start3A_51] : memref<10112x128xf32, #tpu.memory_space<vmem_shared>> -> memref<10112x128xf32, #tpu.memory_space<vmem_shared>>
      tpu.enqueue_indirect_dma source(%arg7 : memref<128x128xf32, #tpu.memory_space<vmem>>) target(%dma_start3A_52 : memref<10112x128xf32, #tpu.memory_space<vmem_shared>>) offsets(%dma_start3A_49 : memref<128xi32, #tpu.memory_space<vmem>>) semaphore(%run_scoped3A_47 : memref<!tpu.dma_semaphore, #tpu.memory_space<semaphore_mem>>) {add = true}
      %dma_wait3A = arith.constant 0 : i32
      %dma_wait3A_53 = tpu.memref_slice %arg6[%run_scoped3A_30, %dma_wait3A] : memref<40x128xi32, #tpu.memory_space<vmem>> -> memref<1x128xi32, #tpu.memory_space<vmem>>
      %dma_wait3A_54 = tpu.memref_squeeze %dma_wait3A_53 : memref<1x128xi32, #tpu.memory_space<vmem>> -> memref<128xi32, #tpu.memory_space<vmem>>
      %dma_wait3A_55 = arith.constant 0 : i32
      %dma_wait3A_56 = arith.constant 0 : i32
      %dma_wait3A_57 = tpu.memref_slice %arg8[%dma_wait3A_55, %dma_wait3A_56] : memref<10112x128xf32, #tpu.memory_space<vmem_shared>> -> memref<10112x128xf32, #tpu.memory_space<vmem_shared>>
      tpu.wait_indirect_dma semaphore(%run_scoped3A_47 : memref<!tpu.dma_semaphore, #tpu.memory_space<semaphore_mem>>) src(%arg7 : memref<128x128xf32, #tpu.memory_space<vmem>>) dst(%dma_wait3A_57 : memref<10112x128xf32, #tpu.memory_space<vmem_shared>>)
      tpu.yield
    }) : () -> ()
    %run_scoped3A_31 = arith.constant 27 : i32
    "tpu.region"() ({
      %run_scoped3A_47 = tpu.sem_alloc : memref<!tpu.dma_semaphore, #tpu.memory_space<semaphore_mem>>
      %dma_start3A = arith.constant 0 : i32
      %dma_start3A_48 = tpu.memref_slice %arg6[%run_scoped3A_31, %dma_start3A] : memref<40x128xi32, #tpu.memory_space<vmem>> -> memref<1x128xi32, #tpu.memory_space<vmem>>
      %dma_start3A_49 = tpu.memref_squeeze %dma_start3A_48 : memref<1x128xi32, #tpu.memory_space<vmem>> -> memref<128xi32, #tpu.memory_space<vmem>>
      %dma_start3A_50 = arith.constant 0 : i32
      %dma_start3A_51 = arith.constant 0 : i32
      %dma_start3A_52 = tpu.memref_slice %arg8[%dma_start3A_50, %dma_start3A_51] : memref<10112x128xf32, #tpu.memory_space<vmem_shared>> -> memref<10112x128xf32, #tpu.memory_space<vmem_shared>>
      tpu.enqueue_indirect_dma source(%arg7 : memref<128x128xf32, #tpu.memory_space<vmem>>) target(%dma_start3A_52 : memref<10112x128xf32, #tpu.memory_space<vmem_shared>>) offsets(%dma_start3A_49 : memref<128xi32, #tpu.memory_space<vmem>>) semaphore(%run_scoped3A_47 : memref<!tpu.dma_semaphore, #tpu.memory_space<semaphore_mem>>) {add = true}
      %dma_wait3A = arith.constant 0 : i32
      %dma_wait3A_53 = tpu.memref_slice %arg6[%run_scoped3A_31, %dma_wait3A] : memref<40x128xi32, #tpu.memory_space<vmem>> -> memref<1x128xi32, #tpu.memory_space<vmem>>
      %dma_wait3A_54 = tpu.memref_squeeze %dma_wait3A_53 : memref<1x128xi32, #tpu.memory_space<vmem>> -> memref<128xi32, #tpu.memory_space<vmem>>
      %dma_wait3A_55 = arith.constant 0 : i32
      %dma_wait3A_56 = arith.constant 0 : i32
      %dma_wait3A_57 = tpu.memref_slice %arg8[%dma_wait3A_55, %dma_wait3A_56] : memref<10112x128xf32, #tpu.memory_space<vmem_shared>> -> memref<10112x128xf32, #tpu.memory_space<vmem_shared>>
      tpu.wait_indirect_dma semaphore(%run_scoped3A_47 : memref<!tpu.dma_semaphore, #tpu.memory_space<semaphore_mem>>) src(%arg7 : memref<128x128xf32, #tpu.memory_space<vmem>>) dst(%dma_wait3A_57 : memref<10112x128xf32, #tpu.memory_space<vmem_shared>>)
      tpu.yield
    }) : () -> ()
    %run_scoped3A_32 = arith.constant 28 : i32
    "tpu.region"() ({
      %run_scoped3A_47 = tpu.sem_alloc : memref<!tpu.dma_semaphore, #tpu.memory_space<semaphore_mem>>
      %dma_start3A = arith.constant 0 : i32
      %dma_start3A_48 = tpu.memref_slice %arg6[%run_scoped3A_32, %dma_start3A] : memref<40x128xi32, #tpu.memory_space<vmem>> -> memref<1x128xi32, #tpu.memory_space<vmem>>
      %dma_start3A_49 = tpu.memref_squeeze %dma_start3A_48 : memref<1x128xi32, #tpu.memory_space<vmem>> -> memref<128xi32, #tpu.memory_space<vmem>>
      %dma_start3A_50 = arith.constant 0 : i32
      %dma_start3A_51 = arith.constant 0 : i32
      %dma_start3A_52 = tpu.memref_slice %arg8[%dma_start3A_50, %dma_start3A_51] : memref<10112x128xf32, #tpu.memory_space<vmem_shared>> -> memref<10112x128xf32, #tpu.memory_space<vmem_shared>>
      tpu.enqueue_indirect_dma source(%arg7 : memref<128x128xf32, #tpu.memory_space<vmem>>) target(%dma_start3A_52 : memref<10112x128xf32, #tpu.memory_space<vmem_shared>>) offsets(%dma_start3A_49 : memref<128xi32, #tpu.memory_space<vmem>>) semaphore(%run_scoped3A_47 : memref<!tpu.dma_semaphore, #tpu.memory_space<semaphore_mem>>) {add = true}
      %dma_wait3A = arith.constant 0 : i32
      %dma_wait3A_53 = tpu.memref_slice %arg6[%run_scoped3A_32, %dma_wait3A] : memref<40x128xi32, #tpu.memory_space<vmem>> -> memref<1x128xi32, #tpu.memory_space<vmem>>
      %dma_wait3A_54 = tpu.memref_squeeze %dma_wait3A_53 : memref<1x128xi32, #tpu.memory_space<vmem>> -> memref<128xi32, #tpu.memory_space<vmem>>
      %dma_wait3A_55 = arith.constant 0 : i32
      %dma_wait3A_56 = arith.constant 0 : i32
      %dma_wait3A_57 = tpu.memref_slice %arg8[%dma_wait3A_55, %dma_wait3A_56] : memref<10112x128xf32, #tpu.memory_space<vmem_shared>> -> memref<10112x128xf32, #tpu.memory_space<vmem_shared>>
      tpu.wait_indirect_dma semaphore(%run_scoped3A_47 : memref<!tpu.dma_semaphore, #tpu.memory_space<semaphore_mem>>) src(%arg7 : memref<128x128xf32, #tpu.memory_space<vmem>>) dst(%dma_wait3A_57 : memref<10112x128xf32, #tpu.memory_space<vmem_shared>>)
      tpu.yield
    }) : () -> ()
    %run_scoped3A_33 = arith.constant 29 : i32
    "tpu.region"() ({
      %run_scoped3A_47 = tpu.sem_alloc : memref<!tpu.dma_semaphore, #tpu.memory_space<semaphore_mem>>
      %dma_start3A = arith.constant 0 : i32
      %dma_start3A_48 = tpu.memref_slice %arg6[%run_scoped3A_33, %dma_start3A] : memref<40x128xi32, #tpu.memory_space<vmem>> -> memref<1x128xi32, #tpu.memory_space<vmem>>
      %dma_start3A_49 = tpu.memref_squeeze %dma_start3A_48 : memref<1x128xi32, #tpu.memory_space<vmem>> -> memref<128xi32, #tpu.memory_space<vmem>>
      %dma_start3A_50 = arith.constant 0 : i32
      %dma_start3A_51 = arith.constant 0 : i32
      %dma_start3A_52 = tpu.memref_slice %arg8[%dma_start3A_50, %dma_start3A_51] : memref<10112x128xf32, #tpu.memory_space<vmem_shared>> -> memref<10112x128xf32, #tpu.memory_space<vmem_shared>>
      tpu.enqueue_indirect_dma source(%arg7 : memref<128x128xf32, #tpu.memory_space<vmem>>) target(%dma_start3A_52 : memref<10112x128xf32, #tpu.memory_space<vmem_shared>>) offsets(%dma_start3A_49 : memref<128xi32, #tpu.memory_space<vmem>>) semaphore(%run_scoped3A_47 : memref<!tpu.dma_semaphore, #tpu.memory_space<semaphore_mem>>) {add = true}
      %dma_wait3A = arith.constant 0 : i32
      %dma_wait3A_53 = tpu.memref_slice %arg6[%run_scoped3A_33, %dma_wait3A] : memref<40x128xi32, #tpu.memory_space<vmem>> -> memref<1x128xi32, #tpu.memory_space<vmem>>
      %dma_wait3A_54 = tpu.memref_squeeze %dma_wait3A_53 : memref<1x128xi32, #tpu.memory_space<vmem>> -> memref<128xi32, #tpu.memory_space<vmem>>
      %dma_wait3A_55 = arith.constant 0 : i32
      %dma_wait3A_56 = arith.constant 0 : i32
      %dma_wait3A_57 = tpu.memref_slice %arg8[%dma_wait3A_55, %dma_wait3A_56] : memref<10112x128xf32, #tpu.memory_space<vmem_shared>> -> memref<10112x128xf32, #tpu.memory_space<vmem_shared>>
      tpu.wait_indirect_dma semaphore(%run_scoped3A_47 : memref<!tpu.dma_semaphore, #tpu.memory_space<semaphore_mem>>) src(%arg7 : memref<128x128xf32, #tpu.memory_space<vmem>>) dst(%dma_wait3A_57 : memref<10112x128xf32, #tpu.memory_space<vmem_shared>>)
      tpu.yield
    }) : () -> ()
    %run_scoped3A_34 = arith.constant 30 : i32
    "tpu.region"() ({
      %run_scoped3A_47 = tpu.sem_alloc : memref<!tpu.dma_semaphore, #tpu.memory_space<semaphore_mem>>
      %dma_start3A = arith.constant 0 : i32
      %dma_start3A_48 = tpu.memref_slice %arg6[%run_scoped3A_34, %dma_start3A] : memref<40x128xi32, #tpu.memory_space<vmem>> -> memref<1x128xi32, #tpu.memory_space<vmem>>
      %dma_start3A_49 = tpu.memref_squeeze %dma_start3A_48 : memref<1x128xi32, #tpu.memory_space<vmem>> -> memref<128xi32, #tpu.memory_space<vmem>>
      %dma_start3A_50 = arith.constant 0 : i32
      %dma_start3A_51 = arith.constant 0 : i32
      %dma_start3A_52 = tpu.memref_slice %arg8[%dma_start3A_50, %dma_start3A_51] : memref<10112x128xf32, #tpu.memory_space<vmem_shared>> -> memref<10112x128xf32, #tpu.memory_space<vmem_shared>>
      tpu.enqueue_indirect_dma source(%arg7 : memref<128x128xf32, #tpu.memory_space<vmem>>) target(%dma_start3A_52 : memref<10112x128xf32, #tpu.memory_space<vmem_shared>>) offsets(%dma_start3A_49 : memref<128xi32, #tpu.memory_space<vmem>>) semaphore(%run_scoped3A_47 : memref<!tpu.dma_semaphore, #tpu.memory_space<semaphore_mem>>) {add = true}
      %dma_wait3A = arith.constant 0 : i32
      %dma_wait3A_53 = tpu.memref_slice %arg6[%run_scoped3A_34, %dma_wait3A] : memref<40x128xi32, #tpu.memory_space<vmem>> -> memref<1x128xi32, #tpu.memory_space<vmem>>
      %dma_wait3A_54 = tpu.memref_squeeze %dma_wait3A_53 : memref<1x128xi32, #tpu.memory_space<vmem>> -> memref<128xi32, #tpu.memory_space<vmem>>
      %dma_wait3A_55 = arith.constant 0 : i32
      %dma_wait3A_56 = arith.constant 0 : i32
      %dma_wait3A_57 = tpu.memref_slice %arg8[%dma_wait3A_55, %dma_wait3A_56] : memref<10112x128xf32, #tpu.memory_space<vmem_shared>> -> memref<10112x128xf32, #tpu.memory_space<vmem_shared>>
      tpu.wait_indirect_dma semaphore(%run_scoped3A_47 : memref<!tpu.dma_semaphore, #tpu.memory_space<semaphore_mem>>) src(%arg7 : memref<128x128xf32, #tpu.memory_space<vmem>>) dst(%dma_wait3A_57 : memref<10112x128xf32, #tpu.memory_space<vmem_shared>>)
      tpu.yield
    }) : () -> ()
    %run_scoped3A_35 = arith.constant 31 : i32
    "tpu.region"() ({
      %run_scoped3A_47 = tpu.sem_alloc : memref<!tpu.dma_semaphore, #tpu.memory_space<semaphore_mem>>
      %dma_start3A = arith.constant 0 : i32
      %dma_start3A_48 = tpu.memref_slice %arg6[%run_scoped3A_35, %dma_start3A] : memref<40x128xi32, #tpu.memory_space<vmem>> -> memref<1x128xi32, #tpu.memory_space<vmem>>
      %dma_start3A_49 = tpu.memref_squeeze %dma_start3A_48 : memref<1x128xi32, #tpu.memory_space<vmem>> -> memref<128xi32, #tpu.memory_space<vmem>>
      %dma_start3A_50 = arith.constant 0 : i32
      %dma_start3A_51 = arith.constant 0 : i32
      %dma_start3A_52 = tpu.memref_slice %arg8[%dma_start3A_50, %dma_start3A_51] : memref<10112x128xf32, #tpu.memory_space<vmem_shared>> -> memref<10112x128xf32, #tpu.memory_space<vmem_shared>>
      tpu.enqueue_indirect_dma source(%arg7 : memref<128x128xf32, #tpu.memory_space<vmem>>) target(%dma_start3A_52 : memref<10112x128xf32, #tpu.memory_space<vmem_shared>>) offsets(%dma_start3A_49 : memref<128xi32, #tpu.memory_space<vmem>>) semaphore(%run_scoped3A_47 : memref<!tpu.dma_semaphore, #tpu.memory_space<semaphore_mem>>) {add = true}
      %dma_wait3A = arith.constant 0 : i32
      %dma_wait3A_53 = tpu.memref_slice %arg6[%run_scoped3A_35, %dma_wait3A] : memref<40x128xi32, #tpu.memory_space<vmem>> -> memref<1x128xi32, #tpu.memory_space<vmem>>
      %dma_wait3A_54 = tpu.memref_squeeze %dma_wait3A_53 : memref<1x128xi32, #tpu.memory_space<vmem>> -> memref<128xi32, #tpu.memory_space<vmem>>
      %dma_wait3A_55 = arith.constant 0 : i32
      %dma_wait3A_56 = arith.constant 0 : i32
      %dma_wait3A_57 = tpu.memref_slice %arg8[%dma_wait3A_55, %dma_wait3A_56] : memref<10112x128xf32, #tpu.memory_space<vmem_shared>> -> memref<10112x128xf32, #tpu.memory_space<vmem_shared>>
      tpu.wait_indirect_dma semaphore(%run_scoped3A_47 : memref<!tpu.dma_semaphore, #tpu.memory_space<semaphore_mem>>) src(%arg7 : memref<128x128xf32, #tpu.memory_space<vmem>>) dst(%dma_wait3A_57 : memref<10112x128xf32, #tpu.memory_space<vmem_shared>>)
      tpu.yield
    }) : () -> ()
    %run_scoped3A_36 = arith.constant 32 : i32
    "tpu.region"() ({
      %run_scoped3A_47 = tpu.sem_alloc : memref<!tpu.dma_semaphore, #tpu.memory_space<semaphore_mem>>
      %dma_start3A = arith.constant 0 : i32
      %dma_start3A_48 = tpu.memref_slice %arg6[%run_scoped3A_36, %dma_start3A] : memref<40x128xi32, #tpu.memory_space<vmem>> -> memref<1x128xi32, #tpu.memory_space<vmem>>
      %dma_start3A_49 = tpu.memref_squeeze %dma_start3A_48 : memref<1x128xi32, #tpu.memory_space<vmem>> -> memref<128xi32, #tpu.memory_space<vmem>>
      %dma_start3A_50 = arith.constant 0 : i32
      %dma_start3A_51 = arith.constant 0 : i32
      %dma_start3A_52 = tpu.memref_slice %arg8[%dma_start3A_50, %dma_start3A_51] : memref<10112x128xf32, #tpu.memory_space<vmem_shared>> -> memref<10112x128xf32, #tpu.memory_space<vmem_shared>>
      tpu.enqueue_indirect_dma source(%arg7 : memref<128x128xf32, #tpu.memory_space<vmem>>) target(%dma_start3A_52 : memref<10112x128xf32, #tpu.memory_space<vmem_shared>>) offsets(%dma_start3A_49 : memref<128xi32, #tpu.memory_space<vmem>>) semaphore(%run_scoped3A_47 : memref<!tpu.dma_semaphore, #tpu.memory_space<semaphore_mem>>) {add = true}
      %dma_wait3A = arith.constant 0 : i32
      %dma_wait3A_53 = tpu.memref_slice %arg6[%run_scoped3A_36, %dma_wait3A] : memref<40x128xi32, #tpu.memory_space<vmem>> -> memref<1x128xi32, #tpu.memory_space<vmem>>
      %dma_wait3A_54 = tpu.memref_squeeze %dma_wait3A_53 : memref<1x128xi32, #tpu.memory_space<vmem>> -> memref<128xi32, #tpu.memory_space<vmem>>
      %dma_wait3A_55 = arith.constant 0 : i32
      %dma_wait3A_56 = arith.constant 0 : i32
      %dma_wait3A_57 = tpu.memref_slice %arg8[%dma_wait3A_55, %dma_wait3A_56] : memref<10112x128xf32, #tpu.memory_space<vmem_shared>> -> memref<10112x128xf32, #tpu.memory_space<vmem_shared>>
      tpu.wait_indirect_dma semaphore(%run_scoped3A_47 : memref<!tpu.dma_semaphore, #tpu.memory_space<semaphore_mem>>) src(%arg7 : memref<128x128xf32, #tpu.memory_space<vmem>>) dst(%dma_wait3A_57 : memref<10112x128xf32, #tpu.memory_space<vmem_shared>>)
      tpu.yield
    }) : () -> ()
    %run_scoped3A_37 = arith.constant 33 : i32
    "tpu.region"() ({
      %run_scoped3A_47 = tpu.sem_alloc : memref<!tpu.dma_semaphore, #tpu.memory_space<semaphore_mem>>
      %dma_start3A = arith.constant 0 : i32
      %dma_start3A_48 = tpu.memref_slice %arg6[%run_scoped3A_37, %dma_start3A] : memref<40x128xi32, #tpu.memory_space<vmem>> -> memref<1x128xi32, #tpu.memory_space<vmem>>
      %dma_start3A_49 = tpu.memref_squeeze %dma_start3A_48 : memref<1x128xi32, #tpu.memory_space<vmem>> -> memref<128xi32, #tpu.memory_space<vmem>>
      %dma_start3A_50 = arith.constant 0 : i32
      %dma_start3A_51 = arith.constant 0 : i32
      %dma_start3A_52 = tpu.memref_slice %arg8[%dma_start3A_50, %dma_start3A_51] : memref<10112x128xf32, #tpu.memory_space<vmem_shared>> -> memref<10112x128xf32, #tpu.memory_space<vmem_shared>>
      tpu.enqueue_indirect_dma source(%arg7 : memref<128x128xf32, #tpu.memory_space<vmem>>) target(%dma_start3A_52 : memref<10112x128xf32, #tpu.memory_space<vmem_shared>>) offsets(%dma_start3A_49 : memref<128xi32, #tpu.memory_space<vmem>>) semaphore(%run_scoped3A_47 : memref<!tpu.dma_semaphore, #tpu.memory_space<semaphore_mem>>) {add = true}
      %dma_wait3A = arith.constant 0 : i32
      %dma_wait3A_53 = tpu.memref_slice %arg6[%run_scoped3A_37, %dma_wait3A] : memref<40x128xi32, #tpu.memory_space<vmem>> -> memref<1x128xi32, #tpu.memory_space<vmem>>
      %dma_wait3A_54 = tpu.memref_squeeze %dma_wait3A_53 : memref<1x128xi32, #tpu.memory_space<vmem>> -> memref<128xi32, #tpu.memory_space<vmem>>
      %dma_wait3A_55 = arith.constant 0 : i32
      %dma_wait3A_56 = arith.constant 0 : i32
      %dma_wait3A_57 = tpu.memref_slice %arg8[%dma_wait3A_55, %dma_wait3A_56] : memref<10112x128xf32, #tpu.memory_space<vmem_shared>> -> memref<10112x128xf32, #tpu.memory_space<vmem_shared>>
      tpu.wait_indirect_dma semaphore(%run_scoped3A_47 : memref<!tpu.dma_semaphore, #tpu.memory_space<semaphore_mem>>) src(%arg7 : memref<128x128xf32, #tpu.memory_space<vmem>>) dst(%dma_wait3A_57 : memref<10112x128xf32, #tpu.memory_space<vmem_shared>>)
      tpu.yield
    }) : () -> ()
    %run_scoped3A_38 = arith.constant 34 : i32
    "tpu.region"() ({
      %run_scoped3A_47 = tpu.sem_alloc : memref<!tpu.dma_semaphore, #tpu.memory_space<semaphore_mem>>
      %dma_start3A = arith.constant 0 : i32
      %dma_start3A_48 = tpu.memref_slice %arg6[%run_scoped3A_38, %dma_start3A] : memref<40x128xi32, #tpu.memory_space<vmem>> -> memref<1x128xi32, #tpu.memory_space<vmem>>
      %dma_start3A_49 = tpu.memref_squeeze %dma_start3A_48 : memref<1x128xi32, #tpu.memory_space<vmem>> -> memref<128xi32, #tpu.memory_space<vmem>>
      %dma_start3A_50 = arith.constant 0 : i32
      %dma_start3A_51 = arith.constant 0 : i32
      %dma_start3A_52 = tpu.memref_slice %arg8[%dma_start3A_50, %dma_start3A_51] : memref<10112x128xf32, #tpu.memory_space<vmem_shared>> -> memref<10112x128xf32, #tpu.memory_space<vmem_shared>>
      tpu.enqueue_indirect_dma source(%arg7 : memref<128x128xf32, #tpu.memory_space<vmem>>) target(%dma_start3A_52 : memref<10112x128xf32, #tpu.memory_space<vmem_shared>>) offsets(%dma_start3A_49 : memref<128xi32, #tpu.memory_space<vmem>>) semaphore(%run_scoped3A_47 : memref<!tpu.dma_semaphore, #tpu.memory_space<semaphore_mem>>) {add = true}
      %dma_wait3A = arith.constant 0 : i32
      %dma_wait3A_53 = tpu.memref_slice %arg6[%run_scoped3A_38, %dma_wait3A] : memref<40x128xi32, #tpu.memory_space<vmem>> -> memref<1x128xi32, #tpu.memory_space<vmem>>
      %dma_wait3A_54 = tpu.memref_squeeze %dma_wait3A_53 : memref<1x128xi32, #tpu.memory_space<vmem>> -> memref<128xi32, #tpu.memory_space<vmem>>
      %dma_wait3A_55 = arith.constant 0 : i32
      %dma_wait3A_56 = arith.constant 0 : i32
      %dma_wait3A_57 = tpu.memref_slice %arg8[%dma_wait3A_55, %dma_wait3A_56] : memref<10112x128xf32, #tpu.memory_space<vmem_shared>> -> memref<10112x128xf32, #tpu.memory_space<vmem_shared>>
      tpu.wait_indirect_dma semaphore(%run_scoped3A_47 : memref<!tpu.dma_semaphore, #tpu.memory_space<semaphore_mem>>) src(%arg7 : memref<128x128xf32, #tpu.memory_space<vmem>>) dst(%dma_wait3A_57 : memref<10112x128xf32, #tpu.memory_space<vmem_shared>>)
      tpu.yield
    }) : () -> ()
    %run_scoped3A_39 = arith.constant 35 : i32
    "tpu.region"() ({
      %run_scoped3A_47 = tpu.sem_alloc : memref<!tpu.dma_semaphore, #tpu.memory_space<semaphore_mem>>
      %dma_start3A = arith.constant 0 : i32
      %dma_start3A_48 = tpu.memref_slice %arg6[%run_scoped3A_39, %dma_start3A] : memref<40x128xi32, #tpu.memory_space<vmem>> -> memref<1x128xi32, #tpu.memory_space<vmem>>
      %dma_start3A_49 = tpu.memref_squeeze %dma_start3A_48 : memref<1x128xi32, #tpu.memory_space<vmem>> -> memref<128xi32, #tpu.memory_space<vmem>>
      %dma_start3A_50 = arith.constant 0 : i32
      %dma_start3A_51 = arith.constant 0 : i32
      %dma_start3A_52 = tpu.memref_slice %arg8[%dma_start3A_50, %dma_start3A_51] : memref<10112x128xf32, #tpu.memory_space<vmem_shared>> -> memref<10112x128xf32, #tpu.memory_space<vmem_shared>>
      tpu.enqueue_indirect_dma source(%arg7 : memref<128x128xf32, #tpu.memory_space<vmem>>) target(%dma_start3A_52 : memref<10112x128xf32, #tpu.memory_space<vmem_shared>>) offsets(%dma_start3A_49 : memref<128xi32, #tpu.memory_space<vmem>>) semaphore(%run_scoped3A_47 : memref<!tpu.dma_semaphore, #tpu.memory_space<semaphore_mem>>) {add = true}
      %dma_wait3A = arith.constant 0 : i32
      %dma_wait3A_53 = tpu.memref_slice %arg6[%run_scoped3A_39, %dma_wait3A] : memref<40x128xi32, #tpu.memory_space<vmem>> -> memref<1x128xi32, #tpu.memory_space<vmem>>
      %dma_wait3A_54 = tpu.memref_squeeze %dma_wait3A_53 : memref<1x128xi32, #tpu.memory_space<vmem>> -> memref<128xi32, #tpu.memory_space<vmem>>
      %dma_wait3A_55 = arith.constant 0 : i32
      %dma_wait3A_56 = arith.constant 0 : i32
      %dma_wait3A_57 = tpu.memref_slice %arg8[%dma_wait3A_55, %dma_wait3A_56] : memref<10112x128xf32, #tpu.memory_space<vmem_shared>> -> memref<10112x128xf32, #tpu.memory_space<vmem_shared>>
      tpu.wait_indirect_dma semaphore(%run_scoped3A_47 : memref<!tpu.dma_semaphore, #tpu.memory_space<semaphore_mem>>) src(%arg7 : memref<128x128xf32, #tpu.memory_space<vmem>>) dst(%dma_wait3A_57 : memref<10112x128xf32, #tpu.memory_space<vmem_shared>>)
      tpu.yield
    }) : () -> ()
    %run_scoped3A_40 = arith.constant 36 : i32
    "tpu.region"() ({
      %run_scoped3A_47 = tpu.sem_alloc : memref<!tpu.dma_semaphore, #tpu.memory_space<semaphore_mem>>
      %dma_start3A = arith.constant 0 : i32
      %dma_start3A_48 = tpu.memref_slice %arg6[%run_scoped3A_40, %dma_start3A] : memref<40x128xi32, #tpu.memory_space<vmem>> -> memref<1x128xi32, #tpu.memory_space<vmem>>
      %dma_start3A_49 = tpu.memref_squeeze %dma_start3A_48 : memref<1x128xi32, #tpu.memory_space<vmem>> -> memref<128xi32, #tpu.memory_space<vmem>>
      %dma_start3A_50 = arith.constant 0 : i32
      %dma_start3A_51 = arith.constant 0 : i32
      %dma_start3A_52 = tpu.memref_slice %arg8[%dma_start3A_50, %dma_start3A_51] : memref<10112x128xf32, #tpu.memory_space<vmem_shared>> -> memref<10112x128xf32, #tpu.memory_space<vmem_shared>>
      tpu.enqueue_indirect_dma source(%arg7 : memref<128x128xf32, #tpu.memory_space<vmem>>) target(%dma_start3A_52 : memref<10112x128xf32, #tpu.memory_space<vmem_shared>>) offsets(%dma_start3A_49 : memref<128xi32, #tpu.memory_space<vmem>>) semaphore(%run_scoped3A_47 : memref<!tpu.dma_semaphore, #tpu.memory_space<semaphore_mem>>) {add = true}
      %dma_wait3A = arith.constant 0 : i32
      %dma_wait3A_53 = tpu.memref_slice %arg6[%run_scoped3A_40, %dma_wait3A] : memref<40x128xi32, #tpu.memory_space<vmem>> -> memref<1x128xi32, #tpu.memory_space<vmem>>
      %dma_wait3A_54 = tpu.memref_squeeze %dma_wait3A_53 : memref<1x128xi32, #tpu.memory_space<vmem>> -> memref<128xi32, #tpu.memory_space<vmem>>
      %dma_wait3A_55 = arith.constant 0 : i32
      %dma_wait3A_56 = arith.constant 0 : i32
      %dma_wait3A_57 = tpu.memref_slice %arg8[%dma_wait3A_55, %dma_wait3A_56] : memref<10112x128xf32, #tpu.memory_space<vmem_shared>> -> memref<10112x128xf32, #tpu.memory_space<vmem_shared>>
      tpu.wait_indirect_dma semaphore(%run_scoped3A_47 : memref<!tpu.dma_semaphore, #tpu.memory_space<semaphore_mem>>) src(%arg7 : memref<128x128xf32, #tpu.memory_space<vmem>>) dst(%dma_wait3A_57 : memref<10112x128xf32, #tpu.memory_space<vmem_shared>>)
      tpu.yield
    }) : () -> ()
    %run_scoped3A_41 = arith.constant 37 : i32
    "tpu.region"() ({
      %run_scoped3A_47 = tpu.sem_alloc : memref<!tpu.dma_semaphore, #tpu.memory_space<semaphore_mem>>
      %dma_start3A = arith.constant 0 : i32
      %dma_start3A_48 = tpu.memref_slice %arg6[%run_scoped3A_41, %dma_start3A] : memref<40x128xi32, #tpu.memory_space<vmem>> -> memref<1x128xi32, #tpu.memory_space<vmem>>
      %dma_start3A_49 = tpu.memref_squeeze %dma_start3A_48 : memref<1x128xi32, #tpu.memory_space<vmem>> -> memref<128xi32, #tpu.memory_space<vmem>>
      %dma_start3A_50 = arith.constant 0 : i32
      %dma_start3A_51 = arith.constant 0 : i32
      %dma_start3A_52 = tpu.memref_slice %arg8[%dma_start3A_50, %dma_start3A_51] : memref<10112x128xf32, #tpu.memory_space<vmem_shared>> -> memref<10112x128xf32, #tpu.memory_space<vmem_shared>>
      tpu.enqueue_indirect_dma source(%arg7 : memref<128x128xf32, #tpu.memory_space<vmem>>) target(%dma_start3A_52 : memref<10112x128xf32, #tpu.memory_space<vmem_shared>>) offsets(%dma_start3A_49 : memref<128xi32, #tpu.memory_space<vmem>>) semaphore(%run_scoped3A_47 : memref<!tpu.dma_semaphore, #tpu.memory_space<semaphore_mem>>) {add = true}
      %dma_wait3A = arith.constant 0 : i32
      %dma_wait3A_53 = tpu.memref_slice %arg6[%run_scoped3A_41, %dma_wait3A] : memref<40x128xi32, #tpu.memory_space<vmem>> -> memref<1x128xi32, #tpu.memory_space<vmem>>
      %dma_wait3A_54 = tpu.memref_squeeze %dma_wait3A_53 : memref<1x128xi32, #tpu.memory_space<vmem>> -> memref<128xi32, #tpu.memory_space<vmem>>
      %dma_wait3A_55 = arith.constant 0 : i32
      %dma_wait3A_56 = arith.constant 0 : i32
      %dma_wait3A_57 = tpu.memref_slice %arg8[%dma_wait3A_55, %dma_wait3A_56] : memref<10112x128xf32, #tpu.memory_space<vmem_shared>> -> memref<10112x128xf32, #tpu.memory_space<vmem_shared>>
      tpu.wait_indirect_dma semaphore(%run_scoped3A_47 : memref<!tpu.dma_semaphore, #tpu.memory_space<semaphore_mem>>) src(%arg7 : memref<128x128xf32, #tpu.memory_space<vmem>>) dst(%dma_wait3A_57 : memref<10112x128xf32, #tpu.memory_space<vmem_shared>>)
      tpu.yield
    }) : () -> ()
    %run_scoped3A_42 = arith.constant 38 : i32
    "tpu.region"() ({
      %run_scoped3A_47 = tpu.sem_alloc : memref<!tpu.dma_semaphore, #tpu.memory_space<semaphore_mem>>
      %dma_start3A = arith.constant 0 : i32
      %dma_start3A_48 = tpu.memref_slice %arg6[%run_scoped3A_42, %dma_start3A] : memref<40x128xi32, #tpu.memory_space<vmem>> -> memref<1x128xi32, #tpu.memory_space<vmem>>
      %dma_start3A_49 = tpu.memref_squeeze %dma_start3A_48 : memref<1x128xi32, #tpu.memory_space<vmem>> -> memref<128xi32, #tpu.memory_space<vmem>>
      %dma_start3A_50 = arith.constant 0 : i32
      %dma_start3A_51 = arith.constant 0 : i32
      %dma_start3A_52 = tpu.memref_slice %arg8[%dma_start3A_50, %dma_start3A_51] : memref<10112x128xf32, #tpu.memory_space<vmem_shared>> -> memref<10112x128xf32, #tpu.memory_space<vmem_shared>>
      tpu.enqueue_indirect_dma source(%arg7 : memref<128x128xf32, #tpu.memory_space<vmem>>) target(%dma_start3A_52 : memref<10112x128xf32, #tpu.memory_space<vmem_shared>>) offsets(%dma_start3A_49 : memref<128xi32, #tpu.memory_space<vmem>>) semaphore(%run_scoped3A_47 : memref<!tpu.dma_semaphore, #tpu.memory_space<semaphore_mem>>) {add = true}
      %dma_wait3A = arith.constant 0 : i32
      %dma_wait3A_53 = tpu.memref_slice %arg6[%run_scoped3A_42, %dma_wait3A] : memref<40x128xi32, #tpu.memory_space<vmem>> -> memref<1x128xi32, #tpu.memory_space<vmem>>
      %dma_wait3A_54 = tpu.memref_squeeze %dma_wait3A_53 : memref<1x128xi32, #tpu.memory_space<vmem>> -> memref<128xi32, #tpu.memory_space<vmem>>
      %dma_wait3A_55 = arith.constant 0 : i32
      %dma_wait3A_56 = arith.constant 0 : i32
      %dma_wait3A_57 = tpu.memref_slice %arg8[%dma_wait3A_55, %dma_wait3A_56] : memref<10112x128xf32, #tpu.memory_space<vmem_shared>> -> memref<10112x128xf32, #tpu.memory_space<vmem_shared>>
      tpu.wait_indirect_dma semaphore(%run_scoped3A_47 : memref<!tpu.dma_semaphore, #tpu.memory_space<semaphore_mem>>) src(%arg7 : memref<128x128xf32, #tpu.memory_space<vmem>>) dst(%dma_wait3A_57 : memref<10112x128xf32, #tpu.memory_space<vmem_shared>>)
      tpu.yield
    }) : () -> ()
    %run_scoped3A_43 = arith.constant 39 : i32
    "tpu.region"() ({
      %run_scoped3A_47 = tpu.sem_alloc : memref<!tpu.dma_semaphore, #tpu.memory_space<semaphore_mem>>
      %dma_start3A = arith.constant 0 : i32
      %dma_start3A_48 = tpu.memref_slice %arg6[%run_scoped3A_43, %dma_start3A] : memref<40x128xi32, #tpu.memory_space<vmem>> -> memref<1x128xi32, #tpu.memory_space<vmem>>
      %dma_start3A_49 = tpu.memref_squeeze %dma_start3A_48 : memref<1x128xi32, #tpu.memory_space<vmem>> -> memref<128xi32, #tpu.memory_space<vmem>>
      %dma_start3A_50 = arith.constant 0 : i32
      %dma_start3A_51 = arith.constant 0 : i32
      %dma_start3A_52 = tpu.memref_slice %arg8[%dma_start3A_50, %dma_start3A_51] : memref<10112x128xf32, #tpu.memory_space<vmem_shared>> -> memref<10112x128xf32, #tpu.memory_space<vmem_shared>>
      tpu.enqueue_indirect_dma source(%arg7 : memref<128x128xf32, #tpu.memory_space<vmem>>) target(%dma_start3A_52 : memref<10112x128xf32, #tpu.memory_space<vmem_shared>>) offsets(%dma_start3A_49 : memref<128xi32, #tpu.memory_space<vmem>>) semaphore(%run_scoped3A_47 : memref<!tpu.dma_semaphore, #tpu.memory_space<semaphore_mem>>) {add = true}
      %dma_wait3A = arith.constant 0 : i32
      %dma_wait3A_53 = tpu.memref_slice %arg6[%run_scoped3A_43, %dma_wait3A] : memref<40x128xi32, #tpu.memory_space<vmem>> -> memref<1x128xi32, #tpu.memory_space<vmem>>
      %dma_wait3A_54 = tpu.memref_squeeze %dma_wait3A_53 : memref<1x128xi32, #tpu.memory_space<vmem>> -> memref<128xi32, #tpu.memory_space<vmem>>
      %dma_wait3A_55 = arith.constant 0 : i32
      %dma_wait3A_56 = arith.constant 0 : i32
      %dma_wait3A_57 = tpu.memref_slice %arg8[%dma_wait3A_55, %dma_wait3A_56] : memref<10112x128xf32, #tpu.memory_space<vmem_shared>> -> memref<10112x128xf32, #tpu.memory_space<vmem_shared>>
      tpu.wait_indirect_dma semaphore(%run_scoped3A_47 : memref<!tpu.dma_semaphore, #tpu.memory_space<semaphore_mem>>) src(%arg7 : memref<128x128xf32, #tpu.memory_space<vmem>>) dst(%dma_wait3A_57 : memref<10112x128xf32, #tpu.memory_space<vmem_shared>>)
      tpu.yield
    }) : () -> ()
    %barrier3A_44 = arith.constant 0 : index
    tpu.barrier barrier_id(%barrier3A_44)
    %mul3A_45 = arith.constant 632 : i32
    %mul3A_46 = arith.muli %arg1, %mul3A_45 : i32
    "tpu.region"() ({
      %run_scoped3A_47 = tpu.sem_alloc : memref<!tpu.dma_semaphore, #tpu.memory_space<semaphore_mem>>
      %dma_start3A = arith.constant 0 : i32
      %dma_start3A_48 = tpu.memref_slice %arg5[%arg0, %mul3A_46, %dma_start3A] : memref<2x10112x128xf32, #tpu.memory_space<hbm>> -> memref<1x632x128xf32, #tpu.memory_space<hbm>>
      %dma_start3A_49 = tpu.memref_squeeze %dma_start3A_48 : memref<1x632x128xf32, #tpu.memory_space<hbm>> -> memref<632x128xf32, #tpu.memory_space<hbm>>
      %dma_start3A_50 = arith.constant 0 : i32
      %dma_start3A_51 = tpu.memref_slice %arg8[%mul3A_46, %dma_start3A_50] : memref<10112x128xf32, #tpu.memory_space<vmem_shared>> -> memref<632x128xf32, #tpu.memory_space<vmem_shared>>
      tpu.enqueue_dma source(%dma_start3A_51 : memref<632x128xf32, #tpu.memory_space<vmem_shared>>) target(%dma_start3A_49 : memref<632x128xf32, #tpu.memory_space<hbm>>) target_semaphore(%run_scoped3A_47 : memref<!tpu.dma_semaphore, #tpu.memory_space<semaphore_mem>>)
      %dma_wait3A = arith.constant 0 : i32
      %dma_wait3A_52 = tpu.memref_slice %arg5[%arg0, %mul3A_46, %dma_wait3A] : memref<2x10112x128xf32, #tpu.memory_space<hbm>> -> memref<1x632x128xf32, #tpu.memory_space<hbm>>
      %dma_wait3A_53 = tpu.memref_squeeze %dma_wait3A_52 : memref<1x632x128xf32, #tpu.memory_space<hbm>> -> memref<632x128xf32, #tpu.memory_space<hbm>>
      %dma_wait3A_54 = arith.constant 0 : i32
      %dma_wait3A_55 = tpu.memref_slice %arg8[%mul3A_46, %dma_wait3A_54] : memref<10112x128xf32, #tpu.memory_space<vmem_shared>> -> memref<632x128xf32, #tpu.memory_space<vmem_shared>>
      tpu.wait_dma2 semaphore(%run_scoped3A_47 : memref<!tpu.dma_semaphore, #tpu.memory_space<semaphore_mem>>) src(%dma_wait3A_55 : memref<632x128xf32, #tpu.memory_space<vmem_shared>>) dst(%dma_wait3A_53 : memref<632x128xf32, #tpu.memory_space<hbm>>)
      tpu.yield
    }) : () -> ()
    return
  }
}

#map = affine_map<(d0, d1) -> (0, 0, 0)>
#map1 = affine_map<(d0, d1) -> (0, 0)>
module attributes {stable_mosaic.version = 14 : i64} {
  func.func @k(%arg0: i32, %arg1: i32, %arg2: memref<2x1280x128xi32, #tpu.memory_space<hbm>>, %arg3: memref<1280x128xi32, #tpu.memory_space<hbm>>, %arg4: memref<20224x128xf32, #tpu.memory_space<hbm>>, %arg5: memref<632x128xf32, #tpu.memory_space<hbm>>, %arg6: memref<2x10112x128xf32, #tpu.memory_space<hbm>>, %arg7: memref<40x128xi32, #tpu.memory_space<vmem>>, %arg8: memref<40x128xi32, #tpu.memory_space<vmem>>, %arg9: memref<128x128xf32, #tpu.memory_space<vmem>>, %arg10: memref<128x128xf32, #tpu.memory_space<vmem>>, %arg11: memref<!tpu.dma_semaphore, #tpu.memory_space<semaphore_mem>>, %arg12: memref<!tpu.dma_semaphore, #tpu.memory_space<semaphore_mem>>, %arg13: memref<10112x128xf32, #tpu.memory_space<vmem_shared>>) attributes {dimension_semantics = [#tpu.dimension_semantics<core_parallel>, #tpu.dimension_semantics<subcore_parallel>], iteration_bounds = array<i64: 2, 16>, scalar_prefetch = 0 : i64, scratch_operands = 7 : i64, tpu.core_type = #tpu.core_type<sc_vector_subcore>, window_params = [{transform_indices = #map}, {transform_indices = #map1}, {transform_indices = #map1}, {transform_indices = #map1}, {transform_indices = #map}]} {
    %mul3A = arith.constant 632 : i32
    %mul3A_0 = arith.muli %arg1, %mul3A : i32
    "tpu.region"() ({
      %run_scoped3A_79 = tpu.sem_alloc : memref<!tpu.dma_semaphore, #tpu.memory_space<semaphore_mem>>
      %dma_start3A_80 = arith.constant 0 : i32
      %dma_start3A_81 = tpu.memref_slice %arg13[%mul3A_0, %dma_start3A_80] : memref<10112x128xf32, #tpu.memory_space<vmem_shared>> -> memref<632x128xf32, #tpu.memory_space<vmem_shared>>
      tpu.enqueue_dma source(%arg5 : memref<632x128xf32, #tpu.memory_space<hbm>>) target(%dma_start3A_81 : memref<632x128xf32, #tpu.memory_space<vmem_shared>>) target_semaphore(%run_scoped3A_79 : memref<!tpu.dma_semaphore, #tpu.memory_space<semaphore_mem>>)
      %dma_wait3A_82 = arith.constant 0 : i32
      %dma_wait3A_83 = tpu.memref_slice %arg13[%mul3A_0, %dma_wait3A_82] : memref<10112x128xf32, #tpu.memory_space<vmem_shared>> -> memref<632x128xf32, #tpu.memory_space<vmem_shared>>
      tpu.wait_dma2 semaphore(%run_scoped3A_79 : memref<!tpu.dma_semaphore, #tpu.memory_space<semaphore_mem>>) src(%arg5 : memref<632x128xf32, #tpu.memory_space<hbm>>) dst(%dma_wait3A_83 : memref<632x128xf32, #tpu.memory_space<vmem_shared>>)
      tpu.yield
    }) : () -> ()
    %barrier3A = arith.constant 0 : index
    tpu.barrier barrier_id(%barrier3A)
    %mul3A_1 = arith.constant 80 : i32
    %mul3A_2 = arith.muli %arg1, %mul3A_1 : i32
    %add3A = arith.constant 0 : i32
    %add3A_3 = arith.addi %mul3A_2, %add3A : i32
    "tpu.region"() ({
      %run_scoped3A_79 = tpu.sem_alloc : memref<!tpu.dma_semaphore, #tpu.memory_space<semaphore_mem>>
      %dma_start3A_80 = arith.constant 0 : i32
      %dma_start3A_81 = tpu.memref_slice %arg2[%arg0, %add3A_3, %dma_start3A_80] : memref<2x1280x128xi32, #tpu.memory_space<hbm>> -> memref<1x40x128xi32, #tpu.memory_space<hbm>>
      %dma_start3A_82 = tpu.memref_squeeze %dma_start3A_81 : memref<1x40x128xi32, #tpu.memory_space<hbm>> -> memref<40x128xi32, #tpu.memory_space<hbm>>
      %dma_start3A_83 = arith.constant 0 : i32
      %dma_start3A_84 = tpu.memref_slice %arg2[%arg0, %add3A_3, %dma_start3A_83] : memref<2x1280x128xi32, #tpu.memory_space<hbm>> -> memref<1x40x128xi32, #tpu.memory_space<hbm>>
      %dma_start3A_85 = tpu.memref_squeeze %dma_start3A_84 : memref<1x40x128xi32, #tpu.memory_space<hbm>> -> memref<40x128xi32, #tpu.memory_space<hbm>>
      tpu.enqueue_dma source(%dma_start3A_85 : memref<40x128xi32, #tpu.memory_space<hbm>>) target(%arg7 : memref<40x128xi32, #tpu.memory_space<vmem>>) target_semaphore(%run_scoped3A_79 : memref<!tpu.dma_semaphore, #tpu.memory_space<semaphore_mem>>)
      %dma_wait3A_86 = arith.constant 0 : i32
      %dma_wait3A_87 = tpu.memref_slice %arg2[%arg0, %add3A_3, %dma_wait3A_86] : memref<2x1280x128xi32, #tpu.memory_space<hbm>> -> memref<1x40x128xi32, #tpu.memory_space<hbm>>
      %dma_wait3A_88 = tpu.memref_squeeze %dma_wait3A_87 : memref<1x40x128xi32, #tpu.memory_space<hbm>> -> memref<40x128xi32, #tpu.memory_space<hbm>>
      %dma_wait3A_89 = arith.constant 0 : i32
      %dma_wait3A_90 = tpu.memref_slice %arg2[%arg0, %add3A_3, %dma_wait3A_89] : memref<2x1280x128xi32, #tpu.memory_space<hbm>> -> memref<1x40x128xi32, #tpu.memory_space<hbm>>
      %dma_wait3A_91 = tpu.memref_squeeze %dma_wait3A_90 : memref<1x40x128xi32, #tpu.memory_space<hbm>> -> memref<40x128xi32, #tpu.memory_space<hbm>>
      tpu.wait_dma2 semaphore(%run_scoped3A_79 : memref<!tpu.dma_semaphore, #tpu.memory_space<semaphore_mem>>) src(%dma_wait3A_91 : memref<40x128xi32, #tpu.memory_space<hbm>>) dst(%arg7 : memref<40x128xi32, #tpu.memory_space<vmem>>)
      tpu.yield
    }) : () -> ()
    "tpu.region"() ({
      %run_scoped3A_79 = tpu.sem_alloc : memref<!tpu.dma_semaphore, #tpu.memory_space<semaphore_mem>>
      %dma_start3A_80 = arith.constant 0 : i32
      %dma_start3A_81 = tpu.memref_slice %arg3[%add3A_3, %dma_start3A_80] : memref<1280x128xi32, #tpu.memory_space<hbm>> -> memref<40x128xi32, #tpu.memory_space<hbm>>
      %dma_start3A_82 = arith.constant 0 : i32
      %dma_start3A_83 = tpu.memref_slice %arg3[%add3A_3, %dma_start3A_82] : memref<1280x128xi32, #tpu.memory_space<hbm>> -> memref<40x128xi32, #tpu.memory_space<hbm>>
      tpu.enqueue_dma source(%dma_start3A_83 : memref<40x128xi32, #tpu.memory_space<hbm>>) target(%arg8 : memref<40x128xi32, #tpu.memory_space<vmem>>) target_semaphore(%run_scoped3A_79 : memref<!tpu.dma_semaphore, #tpu.memory_space<semaphore_mem>>)
      %dma_wait3A_84 = arith.constant 0 : i32
      %dma_wait3A_85 = tpu.memref_slice %arg3[%add3A_3, %dma_wait3A_84] : memref<1280x128xi32, #tpu.memory_space<hbm>> -> memref<40x128xi32, #tpu.memory_space<hbm>>
      %dma_wait3A_86 = arith.constant 0 : i32
      %dma_wait3A_87 = tpu.memref_slice %arg3[%add3A_3, %dma_wait3A_86] : memref<1280x128xi32, #tpu.memory_space<hbm>> -> memref<40x128xi32, #tpu.memory_space<hbm>>
      tpu.wait_dma2 semaphore(%run_scoped3A_79 : memref<!tpu.dma_semaphore, #tpu.memory_space<semaphore_mem>>) src(%dma_wait3A_87 : memref<40x128xi32, #tpu.memory_space<hbm>>) dst(%arg8 : memref<40x128xi32, #tpu.memory_space<vmem>>)
      tpu.yield
    }) : () -> ()
    %dma_start3A = arith.constant 0 : i32
    %dma_start3A_4 = arith.constant 0 : i32
    %dma_start3A_5 = tpu.memref_slice %arg7[%dma_start3A, %dma_start3A_4] : memref<40x128xi32, #tpu.memory_space<vmem>> -> memref<1x128xi32, #tpu.memory_space<vmem>>
    %dma_start3A_6 = tpu.memref_squeeze %dma_start3A_5 : memref<1x128xi32, #tpu.memory_space<vmem>> -> memref<128xi32, #tpu.memory_space<vmem>>
    %dma_start3A_7 = arith.constant 0 : i32
    %dma_start3A_8 = arith.constant 0 : i32
    %dma_start3A_9 = tpu.memref_slice %arg4[%dma_start3A_7, %dma_start3A_8] : memref<20224x128xf32, #tpu.memory_space<hbm>> -> memref<20224x128xf32, #tpu.memory_space<hbm>>
    tpu.enqueue_indirect_dma source(%dma_start3A_9 : memref<20224x128xf32, #tpu.memory_space<hbm>>) target(%arg9 : memref<128x128xf32, #tpu.memory_space<vmem>>) offsets(%dma_start3A_6 : memref<128xi32, #tpu.memory_space<vmem>>) semaphore(%arg11 : memref<!tpu.dma_semaphore, #tpu.memory_space<semaphore_mem>>)
    %dma_start3A_10 = arith.constant 1 : i32
    %dma_start3A_11 = arith.constant 0 : i32
    %dma_start3A_12 = tpu.memref_slice %arg7[%dma_start3A_10, %dma_start3A_11] : memref<40x128xi32, #tpu.memory_space<vmem>> -> memref<1x128xi32, #tpu.memory_space<vmem>>
    %dma_start3A_13 = tpu.memref_squeeze %dma_start3A_12 : memref<1x128xi32, #tpu.memory_space<vmem>> -> memref<128xi32, #tpu.memory_space<vmem>>
    %dma_start3A_14 = arith.constant 0 : i32
    %dma_start3A_15 = arith.constant 0 : i32
    %dma_start3A_16 = tpu.memref_slice %arg4[%dma_start3A_14, %dma_start3A_15] : memref<20224x128xf32, #tpu.memory_space<hbm>> -> memref<20224x128xf32, #tpu.memory_space<hbm>>
    tpu.enqueue_indirect_dma source(%dma_start3A_16 : memref<20224x128xf32, #tpu.memory_space<hbm>>) target(%arg10 : memref<128x128xf32, #tpu.memory_space<vmem>>) offsets(%dma_start3A_13 : memref<128xi32, #tpu.memory_space<vmem>>) semaphore(%arg12 : memref<!tpu.dma_semaphore, #tpu.memory_space<semaphore_mem>>)
    %scan3A = arith.constant 0 : i32
    %scan3A_17 = arith.constant 0 : i32
    %scan3A_18 = arith.constant 19 : i32
    %scan3A_19 = arith.addi %scan3A_17, %scan3A_18 : i32
    %scan3A_20 = arith.constant 1 : i32
    scf.for %scan3A_79 = %scan3A_17 to %scan3A_19 step %scan3A_20  : i32 {
      %mul3A_80 = arith.constant 2 : i32
      %mul3A_81 = arith.muli %scan3A_79, %mul3A_80 : i32
      %dma_wait3A_82 = arith.constant 0 : i32
      %dma_wait3A_83 = tpu.memref_slice %arg7[%mul3A_81, %dma_wait3A_82] : memref<40x128xi32, #tpu.memory_space<vmem>> -> memref<1x128xi32, #tpu.memory_space<vmem>>
      %dma_wait3A_84 = tpu.memref_squeeze %dma_wait3A_83 : memref<1x128xi32, #tpu.memory_space<vmem>> -> memref<128xi32, #tpu.memory_space<vmem>>
      %dma_wait3A_85 = arith.constant 0 : i32
      %dma_wait3A_86 = arith.constant 0 : i32
      %dma_wait3A_87 = tpu.memref_slice %arg4[%dma_wait3A_85, %dma_wait3A_86] : memref<20224x128xf32, #tpu.memory_space<hbm>> -> memref<20224x128xf32, #tpu.memory_space<hbm>>
      tpu.wait_indirect_dma semaphore(%arg11 : memref<!tpu.dma_semaphore, #tpu.memory_space<semaphore_mem>>) src(%dma_wait3A_87 : memref<20224x128xf32, #tpu.memory_space<hbm>>) dst(%arg9 : memref<128x128xf32, #tpu.memory_space<vmem>>)
      "tpu.region"() ({
        %run_scoped3A_114 = tpu.sem_alloc : memref<!tpu.dma_semaphore, #tpu.memory_space<semaphore_mem>>
        %dma_start3A_115 = arith.constant 0 : i32
        %dma_start3A_116 = tpu.memref_slice %arg8[%mul3A_81, %dma_start3A_115] : memref<40x128xi32, #tpu.memory_space<vmem>> -> memref<1x128xi32, #tpu.memory_space<vmem>>
        %dma_start3A_117 = tpu.memref_squeeze %dma_start3A_116 : memref<1x128xi32, #tpu.memory_space<vmem>> -> memref<128xi32, #tpu.memory_space<vmem>>
        %dma_start3A_118 = arith.constant 0 : i32
        %dma_start3A_119 = arith.constant 0 : i32
        %dma_start3A_120 = tpu.memref_slice %arg13[%dma_start3A_118, %dma_start3A_119] : memref<10112x128xf32, #tpu.memory_space<vmem_shared>> -> memref<10112x128xf32, #tpu.memory_space<vmem_shared>>
        tpu.enqueue_indirect_dma source(%arg9 : memref<128x128xf32, #tpu.memory_space<vmem>>) target(%dma_start3A_120 : memref<10112x128xf32, #tpu.memory_space<vmem_shared>>) offsets(%dma_start3A_117 : memref<128xi32, #tpu.memory_space<vmem>>) semaphore(%run_scoped3A_114 : memref<!tpu.dma_semaphore, #tpu.memory_space<semaphore_mem>>) {add = true}
        %dma_wait3A_121 = arith.constant 0 : i32
        %dma_wait3A_122 = tpu.memref_slice %arg8[%mul3A_81, %dma_wait3A_121] : memref<40x128xi32, #tpu.memory_space<vmem>> -> memref<1x128xi32, #tpu.memory_space<vmem>>
        %dma_wait3A_123 = tpu.memref_squeeze %dma_wait3A_122 : memref<1x128xi32, #tpu.memory_space<vmem>> -> memref<128xi32, #tpu.memory_space<vmem>>
        %dma_wait3A_124 = arith.constant 0 : i32
        %dma_wait3A_125 = arith.constant 0 : i32
        %dma_wait3A_126 = tpu.memref_slice %arg13[%dma_wait3A_124, %dma_wait3A_125] : memref<10112x128xf32, #tpu.memory_space<vmem_shared>> -> memref<10112x128xf32, #tpu.memory_space<vmem_shared>>
        tpu.wait_indirect_dma semaphore(%run_scoped3A_114 : memref<!tpu.dma_semaphore, #tpu.memory_space<semaphore_mem>>) src(%arg9 : memref<128x128xf32, #tpu.memory_space<vmem>>) dst(%dma_wait3A_126 : memref<10112x128xf32, #tpu.memory_space<vmem_shared>>)
        tpu.yield
      }) : () -> ()
      %add3A_88 = arith.constant 2 : i32
      %add3A_89 = arith.addi %mul3A_81, %add3A_88 : i32
      %dma_start3A_90 = arith.constant 0 : i32
      %dma_start3A_91 = tpu.memref_slice %arg7[%add3A_89, %dma_start3A_90] : memref<40x128xi32, #tpu.memory_space<vmem>> -> memref<1x128xi32, #tpu.memory_space<vmem>>
      %dma_start3A_92 = tpu.memref_squeeze %dma_start3A_91 : memref<1x128xi32, #tpu.memory_space<vmem>> -> memref<128xi32, #tpu.memory_space<vmem>>
      %dma_start3A_93 = arith.constant 0 : i32
      %dma_start3A_94 = arith.constant 0 : i32
      %dma_start3A_95 = tpu.memref_slice %arg4[%dma_start3A_93, %dma_start3A_94] : memref<20224x128xf32, #tpu.memory_space<hbm>> -> memref<20224x128xf32, #tpu.memory_space<hbm>>
      tpu.enqueue_indirect_dma source(%dma_start3A_95 : memref<20224x128xf32, #tpu.memory_space<hbm>>) target(%arg9 : memref<128x128xf32, #tpu.memory_space<vmem>>) offsets(%dma_start3A_92 : memref<128xi32, #tpu.memory_space<vmem>>) semaphore(%arg11 : memref<!tpu.dma_semaphore, #tpu.memory_space<semaphore_mem>>)
      %add3A_96 = arith.constant 1 : i32
      %add3A_97 = arith.addi %mul3A_81, %add3A_96 : i32
      %dma_wait3A_98 = arith.constant 0 : i32
      %dma_wait3A_99 = tpu.memref_slice %arg7[%add3A_97, %dma_wait3A_98] : memref<40x128xi32, #tpu.memory_space<vmem>> -> memref<1x128xi32, #tpu.memory_space<vmem>>
      %dma_wait3A_100 = tpu.memref_squeeze %dma_wait3A_99 : memref<1x128xi32, #tpu.memory_space<vmem>> -> memref<128xi32, #tpu.memory_space<vmem>>
      %dma_wait3A_101 = arith.constant 0 : i32
      %dma_wait3A_102 = arith.constant 0 : i32
      %dma_wait3A_103 = tpu.memref_slice %arg4[%dma_wait3A_101, %dma_wait3A_102] : memref<20224x128xf32, #tpu.memory_space<hbm>> -> memref<20224x128xf32, #tpu.memory_space<hbm>>
      tpu.wait_indirect_dma semaphore(%arg12 : memref<!tpu.dma_semaphore, #tpu.memory_space<semaphore_mem>>) src(%dma_wait3A_103 : memref<20224x128xf32, #tpu.memory_space<hbm>>) dst(%arg10 : memref<128x128xf32, #tpu.memory_space<vmem>>)
      %add3A_104 = arith.constant 1 : i32
      %add3A_105 = arith.addi %mul3A_81, %add3A_104 : i32
      "tpu.region"() ({
        %run_scoped3A_114 = tpu.sem_alloc : memref<!tpu.dma_semaphore, #tpu.memory_space<semaphore_mem>>
        %dma_start3A_115 = arith.constant 0 : i32
        %dma_start3A_116 = tpu.memref_slice %arg8[%add3A_105, %dma_start3A_115] : memref<40x128xi32, #tpu.memory_space<vmem>> -> memref<1x128xi32, #tpu.memory_space<vmem>>
        %dma_start3A_117 = tpu.memref_squeeze %dma_start3A_116 : memref<1x128xi32, #tpu.memory_space<vmem>> -> memref<128xi32, #tpu.memory_space<vmem>>
        %dma_start3A_118 = arith.constant 0 : i32
        %dma_start3A_119 = arith.constant 0 : i32
        %dma_start3A_120 = tpu.memref_slice %arg13[%dma_start3A_118, %dma_start3A_119] : memref<10112x128xf32, #tpu.memory_space<vmem_shared>> -> memref<10112x128xf32, #tpu.memory_space<vmem_shared>>
        tpu.enqueue_indirect_dma source(%arg10 : memref<128x128xf32, #tpu.memory_space<vmem>>) target(%dma_start3A_120 : memref<10112x128xf32, #tpu.memory_space<vmem_shared>>) offsets(%dma_start3A_117 : memref<128xi32, #tpu.memory_space<vmem>>) semaphore(%run_scoped3A_114 : memref<!tpu.dma_semaphore, #tpu.memory_space<semaphore_mem>>) {add = true}
        %dma_wait3A_121 = arith.constant 0 : i32
        %dma_wait3A_122 = tpu.memref_slice %arg8[%add3A_105, %dma_wait3A_121] : memref<40x128xi32, #tpu.memory_space<vmem>> -> memref<1x128xi32, #tpu.memory_space<vmem>>
        %dma_wait3A_123 = tpu.memref_squeeze %dma_wait3A_122 : memref<1x128xi32, #tpu.memory_space<vmem>> -> memref<128xi32, #tpu.memory_space<vmem>>
        %dma_wait3A_124 = arith.constant 0 : i32
        %dma_wait3A_125 = arith.constant 0 : i32
        %dma_wait3A_126 = tpu.memref_slice %arg13[%dma_wait3A_124, %dma_wait3A_125] : memref<10112x128xf32, #tpu.memory_space<vmem_shared>> -> memref<10112x128xf32, #tpu.memory_space<vmem_shared>>
        tpu.wait_indirect_dma semaphore(%run_scoped3A_114 : memref<!tpu.dma_semaphore, #tpu.memory_space<semaphore_mem>>) src(%arg10 : memref<128x128xf32, #tpu.memory_space<vmem>>) dst(%dma_wait3A_126 : memref<10112x128xf32, #tpu.memory_space<vmem_shared>>)
        tpu.yield
      }) : () -> ()
      %add3A_106 = arith.constant 3 : i32
      %add3A_107 = arith.addi %mul3A_81, %add3A_106 : i32
      %dma_start3A_108 = arith.constant 0 : i32
      %dma_start3A_109 = tpu.memref_slice %arg7[%add3A_107, %dma_start3A_108] : memref<40x128xi32, #tpu.memory_space<vmem>> -> memref<1x128xi32, #tpu.memory_space<vmem>>
      %dma_start3A_110 = tpu.memref_squeeze %dma_start3A_109 : memref<1x128xi32, #tpu.memory_space<vmem>> -> memref<128xi32, #tpu.memory_space<vmem>>
      %dma_start3A_111 = arith.constant 0 : i32
      %dma_start3A_112 = arith.constant 0 : i32
      %dma_start3A_113 = tpu.memref_slice %arg4[%dma_start3A_111, %dma_start3A_112] : memref<20224x128xf32, #tpu.memory_space<hbm>> -> memref<20224x128xf32, #tpu.memory_space<hbm>>
      tpu.enqueue_indirect_dma source(%dma_start3A_113 : memref<20224x128xf32, #tpu.memory_space<hbm>>) target(%arg10 : memref<128x128xf32, #tpu.memory_space<vmem>>) offsets(%dma_start3A_110 : memref<128xi32, #tpu.memory_space<vmem>>) semaphore(%arg12 : memref<!tpu.dma_semaphore, #tpu.memory_space<semaphore_mem>>)
    }
    %scan3A_21 = arith.constant 19 : i32
    %dma_wait3A = arith.constant 38 : i32
    %dma_wait3A_22 = arith.constant 0 : i32
    %dma_wait3A_23 = tpu.memref_slice %arg7[%dma_wait3A, %dma_wait3A_22] : memref<40x128xi32, #tpu.memory_space<vmem>> -> memref<1x128xi32, #tpu.memory_space<vmem>>
    %dma_wait3A_24 = tpu.memref_squeeze %dma_wait3A_23 : memref<1x128xi32, #tpu.memory_space<vmem>> -> memref<128xi32, #tpu.memory_space<vmem>>
    %dma_wait3A_25 = arith.constant 0 : i32
    %dma_wait3A_26 = arith.constant 0 : i32
    %dma_wait3A_27 = tpu.memref_slice %arg4[%dma_wait3A_25, %dma_wait3A_26] : memref<20224x128xf32, #tpu.memory_space<hbm>> -> memref<20224x128xf32, #tpu.memory_space<hbm>>
    tpu.wait_indirect_dma semaphore(%arg11 : memref<!tpu.dma_semaphore, #tpu.memory_space<semaphore_mem>>) src(%dma_wait3A_27 : memref<20224x128xf32, #tpu.memory_space<hbm>>) dst(%arg9 : memref<128x128xf32, #tpu.memory_space<vmem>>)
    %run_scoped3A = arith.constant 38 : i32
    "tpu.region"() ({
      %run_scoped3A_79 = tpu.sem_alloc : memref<!tpu.dma_semaphore, #tpu.memory_space<semaphore_mem>>
      %dma_start3A_80 = arith.constant 0 : i32
      %dma_start3A_81 = tpu.memref_slice %arg8[%run_scoped3A, %dma_start3A_80] : memref<40x128xi32, #tpu.memory_space<vmem>> -> memref<1x128xi32, #tpu.memory_space<vmem>>
      %dma_start3A_82 = tpu.memref_squeeze %dma_start3A_81 : memref<1x128xi32, #tpu.memory_space<vmem>> -> memref<128xi32, #tpu.memory_space<vmem>>
      %dma_start3A_83 = arith.constant 0 : i32
      %dma_start3A_84 = arith.constant 0 : i32
      %dma_start3A_85 = tpu.memref_slice %arg13[%dma_start3A_83, %dma_start3A_84] : memref<10112x128xf32, #tpu.memory_space<vmem_shared>> -> memref<10112x128xf32, #tpu.memory_space<vmem_shared>>
      tpu.enqueue_indirect_dma source(%arg9 : memref<128x128xf32, #tpu.memory_space<vmem>>) target(%dma_start3A_85 : memref<10112x128xf32, #tpu.memory_space<vmem_shared>>) offsets(%dma_start3A_82 : memref<128xi32, #tpu.memory_space<vmem>>) semaphore(%run_scoped3A_79 : memref<!tpu.dma_semaphore, #tpu.memory_space<semaphore_mem>>) {add = true}
      %dma_wait3A_86 = arith.constant 0 : i32
      %dma_wait3A_87 = tpu.memref_slice %arg8[%run_scoped3A, %dma_wait3A_86] : memref<40x128xi32, #tpu.memory_space<vmem>> -> memref<1x128xi32, #tpu.memory_space<vmem>>
      %dma_wait3A_88 = tpu.memref_squeeze %dma_wait3A_87 : memref<1x128xi32, #tpu.memory_space<vmem>> -> memref<128xi32, #tpu.memory_space<vmem>>
      %dma_wait3A_89 = arith.constant 0 : i32
      %dma_wait3A_90 = arith.constant 0 : i32
      %dma_wait3A_91 = tpu.memref_slice %arg13[%dma_wait3A_89, %dma_wait3A_90] : memref<10112x128xf32, #tpu.memory_space<vmem_shared>> -> memref<10112x128xf32, #tpu.memory_space<vmem_shared>>
      tpu.wait_indirect_dma semaphore(%run_scoped3A_79 : memref<!tpu.dma_semaphore, #tpu.memory_space<semaphore_mem>>) src(%arg9 : memref<128x128xf32, #tpu.memory_space<vmem>>) dst(%dma_wait3A_91 : memref<10112x128xf32, #tpu.memory_space<vmem_shared>>)
      tpu.yield
    }) : () -> ()
    %dma_wait3A_28 = arith.constant 39 : i32
    %dma_wait3A_29 = arith.constant 0 : i32
    %dma_wait3A_30 = tpu.memref_slice %arg7[%dma_wait3A_28, %dma_wait3A_29] : memref<40x128xi32, #tpu.memory_space<vmem>> -> memref<1x128xi32, #tpu.memory_space<vmem>>
    %dma_wait3A_31 = tpu.memref_squeeze %dma_wait3A_30 : memref<1x128xi32, #tpu.memory_space<vmem>> -> memref<128xi32, #tpu.memory_space<vmem>>
    %dma_wait3A_32 = arith.constant 0 : i32
    %dma_wait3A_33 = arith.constant 0 : i32
    %dma_wait3A_34 = tpu.memref_slice %arg4[%dma_wait3A_32, %dma_wait3A_33] : memref<20224x128xf32, #tpu.memory_space<hbm>> -> memref<20224x128xf32, #tpu.memory_space<hbm>>
    tpu.wait_indirect_dma semaphore(%arg12 : memref<!tpu.dma_semaphore, #tpu.memory_space<semaphore_mem>>) src(%dma_wait3A_34 : memref<20224x128xf32, #tpu.memory_space<hbm>>) dst(%arg10 : memref<128x128xf32, #tpu.memory_space<vmem>>)
    %run_scoped3A_35 = arith.constant 39 : i32
    "tpu.region"() ({
      %run_scoped3A_79 = tpu.sem_alloc : memref<!tpu.dma_semaphore, #tpu.memory_space<semaphore_mem>>
      %dma_start3A_80 = arith.constant 0 : i32
      %dma_start3A_81 = tpu.memref_slice %arg8[%run_scoped3A_35, %dma_start3A_80] : memref<40x128xi32, #tpu.memory_space<vmem>> -> memref<1x128xi32, #tpu.memory_space<vmem>>
      %dma_start3A_82 = tpu.memref_squeeze %dma_start3A_81 : memref<1x128xi32, #tpu.memory_space<vmem>> -> memref<128xi32, #tpu.memory_space<vmem>>
      %dma_start3A_83 = arith.constant 0 : i32
      %dma_start3A_84 = arith.constant 0 : i32
      %dma_start3A_85 = tpu.memref_slice %arg13[%dma_start3A_83, %dma_start3A_84] : memref<10112x128xf32, #tpu.memory_space<vmem_shared>> -> memref<10112x128xf32, #tpu.memory_space<vmem_shared>>
      tpu.enqueue_indirect_dma source(%arg10 : memref<128x128xf32, #tpu.memory_space<vmem>>) target(%dma_start3A_85 : memref<10112x128xf32, #tpu.memory_space<vmem_shared>>) offsets(%dma_start3A_82 : memref<128xi32, #tpu.memory_space<vmem>>) semaphore(%run_scoped3A_79 : memref<!tpu.dma_semaphore, #tpu.memory_space<semaphore_mem>>) {add = true}
      %dma_wait3A_86 = arith.constant 0 : i32
      %dma_wait3A_87 = tpu.memref_slice %arg8[%run_scoped3A_35, %dma_wait3A_86] : memref<40x128xi32, #tpu.memory_space<vmem>> -> memref<1x128xi32, #tpu.memory_space<vmem>>
      %dma_wait3A_88 = tpu.memref_squeeze %dma_wait3A_87 : memref<1x128xi32, #tpu.memory_space<vmem>> -> memref<128xi32, #tpu.memory_space<vmem>>
      %dma_wait3A_89 = arith.constant 0 : i32
      %dma_wait3A_90 = arith.constant 0 : i32
      %dma_wait3A_91 = tpu.memref_slice %arg13[%dma_wait3A_89, %dma_wait3A_90] : memref<10112x128xf32, #tpu.memory_space<vmem_shared>> -> memref<10112x128xf32, #tpu.memory_space<vmem_shared>>
      tpu.wait_indirect_dma semaphore(%run_scoped3A_79 : memref<!tpu.dma_semaphore, #tpu.memory_space<semaphore_mem>>) src(%arg10 : memref<128x128xf32, #tpu.memory_space<vmem>>) dst(%dma_wait3A_91 : memref<10112x128xf32, #tpu.memory_space<vmem_shared>>)
      tpu.yield
    }) : () -> ()
    %mul3A_36 = arith.constant 80 : i32
    %mul3A_37 = arith.muli %arg1, %mul3A_36 : i32
    %add3A_38 = arith.constant 40 : i32
    %add3A_39 = arith.addi %mul3A_37, %add3A_38 : i32
    "tpu.region"() ({
      %run_scoped3A_79 = tpu.sem_alloc : memref<!tpu.dma_semaphore, #tpu.memory_space<semaphore_mem>>
      %dma_start3A_80 = arith.constant 0 : i32
      %dma_start3A_81 = tpu.memref_slice %arg2[%arg0, %add3A_39, %dma_start3A_80] : memref<2x1280x128xi32, #tpu.memory_space<hbm>> -> memref<1x40x128xi32, #tpu.memory_space<hbm>>
      %dma_start3A_82 = tpu.memref_squeeze %dma_start3A_81 : memref<1x40x128xi32, #tpu.memory_space<hbm>> -> memref<40x128xi32, #tpu.memory_space<hbm>>
      %dma_start3A_83 = arith.constant 0 : i32
      %dma_start3A_84 = tpu.memref_slice %arg2[%arg0, %add3A_39, %dma_start3A_83] : memref<2x1280x128xi32, #tpu.memory_space<hbm>> -> memref<1x40x128xi32, #tpu.memory_space<hbm>>
      %dma_start3A_85 = tpu.memref_squeeze %dma_start3A_84 : memref<1x40x128xi32, #tpu.memory_space<hbm>> -> memref<40x128xi32, #tpu.memory_space<hbm>>
      tpu.enqueue_dma source(%dma_start3A_85 : memref<40x128xi32, #tpu.memory_space<hbm>>) target(%arg7 : memref<40x128xi32, #tpu.memory_space<vmem>>) target_semaphore(%run_scoped3A_79 : memref<!tpu.dma_semaphore, #tpu.memory_space<semaphore_mem>>)
      %dma_wait3A_86 = arith.constant 0 : i32
      %dma_wait3A_87 = tpu.memref_slice %arg2[%arg0, %add3A_39, %dma_wait3A_86] : memref<2x1280x128xi32, #tpu.memory_space<hbm>> -> memref<1x40x128xi32, #tpu.memory_space<hbm>>
      %dma_wait3A_88 = tpu.memref_squeeze %dma_wait3A_87 : memref<1x40x128xi32, #tpu.memory_space<hbm>> -> memref<40x128xi32, #tpu.memory_space<hbm>>
      %dma_wait3A_89 = arith.constant 0 : i32
      %dma_wait3A_90 = tpu.memref_slice %arg2[%arg0, %add3A_39, %dma_wait3A_89] : memref<2x1280x128xi32, #tpu.memory_space<hbm>> -> memref<1x40x128xi32, #tpu.memory_space<hbm>>
      %dma_wait3A_91 = tpu.memref_squeeze %dma_wait3A_90 : memref<1x40x128xi32, #tpu.memory_space<hbm>> -> memref<40x128xi32, #tpu.memory_space<hbm>>
      tpu.wait_dma2 semaphore(%run_scoped3A_79 : memref<!tpu.dma_semaphore, #tpu.memory_space<semaphore_mem>>) src(%dma_wait3A_91 : memref<40x128xi32, #tpu.memory_space<hbm>>) dst(%arg7 : memref<40x128xi32, #tpu.memory_space<vmem>>)
      tpu.yield
    }) : () -> ()
    "tpu.region"() ({
      %run_scoped3A_79 = tpu.sem_alloc : memref<!tpu.dma_semaphore, #tpu.memory_space<semaphore_mem>>
      %dma_start3A_80 = arith.constant 0 : i32
      %dma_start3A_81 = tpu.memref_slice %arg3[%add3A_39, %dma_start3A_80] : memref<1280x128xi32, #tpu.memory_space<hbm>> -> memref<40x128xi32, #tpu.memory_space<hbm>>
      %dma_start3A_82 = arith.constant 0 : i32
      %dma_start3A_83 = tpu.memref_slice %arg3[%add3A_39, %dma_start3A_82] : memref<1280x128xi32, #tpu.memory_space<hbm>> -> memref<40x128xi32, #tpu.memory_space<hbm>>
      tpu.enqueue_dma source(%dma_start3A_83 : memref<40x128xi32, #tpu.memory_space<hbm>>) target(%arg8 : memref<40x128xi32, #tpu.memory_space<vmem>>) target_semaphore(%run_scoped3A_79 : memref<!tpu.dma_semaphore, #tpu.memory_space<semaphore_mem>>)
      %dma_wait3A_84 = arith.constant 0 : i32
      %dma_wait3A_85 = tpu.memref_slice %arg3[%add3A_39, %dma_wait3A_84] : memref<1280x128xi32, #tpu.memory_space<hbm>> -> memref<40x128xi32, #tpu.memory_space<hbm>>
      %dma_wait3A_86 = arith.constant 0 : i32
      %dma_wait3A_87 = tpu.memref_slice %arg3[%add3A_39, %dma_wait3A_86] : memref<1280x128xi32, #tpu.memory_space<hbm>> -> memref<40x128xi32, #tpu.memory_space<hbm>>
      tpu.wait_dma2 semaphore(%run_scoped3A_79 : memref<!tpu.dma_semaphore, #tpu.memory_space<semaphore_mem>>) src(%dma_wait3A_87 : memref<40x128xi32, #tpu.memory_space<hbm>>) dst(%arg8 : memref<40x128xi32, #tpu.memory_space<vmem>>)
      tpu.yield
    }) : () -> ()
    %dma_start3A_40 = arith.constant 0 : i32
    %dma_start3A_41 = arith.constant 0 : i32
    %dma_start3A_42 = tpu.memref_slice %arg7[%dma_start3A_40, %dma_start3A_41] : memref<40x128xi32, #tpu.memory_space<vmem>> -> memref<1x128xi32, #tpu.memory_space<vmem>>
    %dma_start3A_43 = tpu.memref_squeeze %dma_start3A_42 : memref<1x128xi32, #tpu.memory_space<vmem>> -> memref<128xi32, #tpu.memory_space<vmem>>
    %dma_start3A_44 = arith.constant 0 : i32
    %dma_start3A_45 = arith.constant 0 : i32
    %dma_start3A_46 = tpu.memref_slice %arg4[%dma_start3A_44, %dma_start3A_45] : memref<20224x128xf32, #tpu.memory_space<hbm>> -> memref<20224x128xf32, #tpu.memory_space<hbm>>
    tpu.enqueue_indirect_dma source(%dma_start3A_46 : memref<20224x128xf32, #tpu.memory_space<hbm>>) target(%arg9 : memref<128x128xf32, #tpu.memory_space<vmem>>) offsets(%dma_start3A_43 : memref<128xi32, #tpu.memory_space<vmem>>) semaphore(%arg11 : memref<!tpu.dma_semaphore, #tpu.memory_space<semaphore_mem>>)
    %dma_start3A_47 = arith.constant 1 : i32
    %dma_start3A_48 = arith.constant 0 : i32
    %dma_start3A_49 = tpu.memref_slice %arg7[%dma_start3A_47, %dma_start3A_48] : memref<40x128xi32, #tpu.memory_space<vmem>> -> memref<1x128xi32, #tpu.memory_space<vmem>>
    %dma_start3A_50 = tpu.memref_squeeze %dma_start3A_49 : memref<1x128xi32, #tpu.memory_space<vmem>> -> memref<128xi32, #tpu.memory_space<vmem>>
    %dma_start3A_51 = arith.constant 0 : i32
    %dma_start3A_52 = arith.constant 0 : i32
    %dma_start3A_53 = tpu.memref_slice %arg4[%dma_start3A_51, %dma_start3A_52] : memref<20224x128xf32, #tpu.memory_space<hbm>> -> memref<20224x128xf32, #tpu.memory_space<hbm>>
    tpu.enqueue_indirect_dma source(%dma_start3A_53 : memref<20224x128xf32, #tpu.memory_space<hbm>>) target(%arg10 : memref<128x128xf32, #tpu.memory_space<vmem>>) offsets(%dma_start3A_50 : memref<128xi32, #tpu.memory_space<vmem>>) semaphore(%arg12 : memref<!tpu.dma_semaphore, #tpu.memory_space<semaphore_mem>>)
    %scan3A_54 = arith.constant 0 : i32
    %scan3A_55 = arith.constant 0 : i32
    %scan3A_56 = arith.constant 19 : i32
    %scan3A_57 = arith.addi %scan3A_55, %scan3A_56 : i32
    %scan3A_58 = arith.constant 1 : i32
    scf.for %scan3A_79 = %scan3A_55 to %scan3A_57 step %scan3A_58  : i32 {
      %mul3A_80 = arith.constant 2 : i32
      %mul3A_81 = arith.muli %scan3A_79, %mul3A_80 : i32
      %dma_wait3A_82 = arith.constant 0 : i32
      %dma_wait3A_83 = tpu.memref_slice %arg7[%mul3A_81, %dma_wait3A_82] : memref<40x128xi32, #tpu.memory_space<vmem>> -> memref<1x128xi32, #tpu.memory_space<vmem>>
      %dma_wait3A_84 = tpu.memref_squeeze %dma_wait3A_83 : memref<1x128xi32, #tpu.memory_space<vmem>> -> memref<128xi32, #tpu.memory_space<vmem>>
      %dma_wait3A_85 = arith.constant 0 : i32
      %dma_wait3A_86 = arith.constant 0 : i32
      %dma_wait3A_87 = tpu.memref_slice %arg4[%dma_wait3A_85, %dma_wait3A_86] : memref<20224x128xf32, #tpu.memory_space<hbm>> -> memref<20224x128xf32, #tpu.memory_space<hbm>>
      tpu.wait_indirect_dma semaphore(%arg11 : memref<!tpu.dma_semaphore, #tpu.memory_space<semaphore_mem>>) src(%dma_wait3A_87 : memref<20224x128xf32, #tpu.memory_space<hbm>>) dst(%arg9 : memref<128x128xf32, #tpu.memory_space<vmem>>)
      "tpu.region"() ({
        %run_scoped3A_114 = tpu.sem_alloc : memref<!tpu.dma_semaphore, #tpu.memory_space<semaphore_mem>>
        %dma_start3A_115 = arith.constant 0 : i32
        %dma_start3A_116 = tpu.memref_slice %arg8[%mul3A_81, %dma_start3A_115] : memref<40x128xi32, #tpu.memory_space<vmem>> -> memref<1x128xi32, #tpu.memory_space<vmem>>
        %dma_start3A_117 = tpu.memref_squeeze %dma_start3A_116 : memref<1x128xi32, #tpu.memory_space<vmem>> -> memref<128xi32, #tpu.memory_space<vmem>>
        %dma_start3A_118 = arith.constant 0 : i32
        %dma_start3A_119 = arith.constant 0 : i32
        %dma_start3A_120 = tpu.memref_slice %arg13[%dma_start3A_118, %dma_start3A_119] : memref<10112x128xf32, #tpu.memory_space<vmem_shared>> -> memref<10112x128xf32, #tpu.memory_space<vmem_shared>>
        tpu.enqueue_indirect_dma source(%arg9 : memref<128x128xf32, #tpu.memory_space<vmem>>) target(%dma_start3A_120 : memref<10112x128xf32, #tpu.memory_space<vmem_shared>>) offsets(%dma_start3A_117 : memref<128xi32, #tpu.memory_space<vmem>>) semaphore(%run_scoped3A_114 : memref<!tpu.dma_semaphore, #tpu.memory_space<semaphore_mem>>) {add = true}
        %dma_wait3A_121 = arith.constant 0 : i32
        %dma_wait3A_122 = tpu.memref_slice %arg8[%mul3A_81, %dma_wait3A_121] : memref<40x128xi32, #tpu.memory_space<vmem>> -> memref<1x128xi32, #tpu.memory_space<vmem>>
        %dma_wait3A_123 = tpu.memref_squeeze %dma_wait3A_122 : memref<1x128xi32, #tpu.memory_space<vmem>> -> memref<128xi32, #tpu.memory_space<vmem>>
        %dma_wait3A_124 = arith.constant 0 : i32
        %dma_wait3A_125 = arith.constant 0 : i32
        %dma_wait3A_126 = tpu.memref_slice %arg13[%dma_wait3A_124, %dma_wait3A_125] : memref<10112x128xf32, #tpu.memory_space<vmem_shared>> -> memref<10112x128xf32, #tpu.memory_space<vmem_shared>>
        tpu.wait_indirect_dma semaphore(%run_scoped3A_114 : memref<!tpu.dma_semaphore, #tpu.memory_space<semaphore_mem>>) src(%arg9 : memref<128x128xf32, #tpu.memory_space<vmem>>) dst(%dma_wait3A_126 : memref<10112x128xf32, #tpu.memory_space<vmem_shared>>)
        tpu.yield
      }) : () -> ()
      %add3A_88 = arith.constant 2 : i32
      %add3A_89 = arith.addi %mul3A_81, %add3A_88 : i32
      %dma_start3A_90 = arith.constant 0 : i32
      %dma_start3A_91 = tpu.memref_slice %arg7[%add3A_89, %dma_start3A_90] : memref<40x128xi32, #tpu.memory_space<vmem>> -> memref<1x128xi32, #tpu.memory_space<vmem>>
      %dma_start3A_92 = tpu.memref_squeeze %dma_start3A_91 : memref<1x128xi32, #tpu.memory_space<vmem>> -> memref<128xi32, #tpu.memory_space<vmem>>
      %dma_start3A_93 = arith.constant 0 : i32
      %dma_start3A_94 = arith.constant 0 : i32
      %dma_start3A_95 = tpu.memref_slice %arg4[%dma_start3A_93, %dma_start3A_94] : memref<20224x128xf32, #tpu.memory_space<hbm>> -> memref<20224x128xf32, #tpu.memory_space<hbm>>
      tpu.enqueue_indirect_dma source(%dma_start3A_95 : memref<20224x128xf32, #tpu.memory_space<hbm>>) target(%arg9 : memref<128x128xf32, #tpu.memory_space<vmem>>) offsets(%dma_start3A_92 : memref<128xi32, #tpu.memory_space<vmem>>) semaphore(%arg11 : memref<!tpu.dma_semaphore, #tpu.memory_space<semaphore_mem>>)
      %add3A_96 = arith.constant 1 : i32
      %add3A_97 = arith.addi %mul3A_81, %add3A_96 : i32
      %dma_wait3A_98 = arith.constant 0 : i32
      %dma_wait3A_99 = tpu.memref_slice %arg7[%add3A_97, %dma_wait3A_98] : memref<40x128xi32, #tpu.memory_space<vmem>> -> memref<1x128xi32, #tpu.memory_space<vmem>>
      %dma_wait3A_100 = tpu.memref_squeeze %dma_wait3A_99 : memref<1x128xi32, #tpu.memory_space<vmem>> -> memref<128xi32, #tpu.memory_space<vmem>>
      %dma_wait3A_101 = arith.constant 0 : i32
      %dma_wait3A_102 = arith.constant 0 : i32
      %dma_wait3A_103 = tpu.memref_slice %arg4[%dma_wait3A_101, %dma_wait3A_102] : memref<20224x128xf32, #tpu.memory_space<hbm>> -> memref<20224x128xf32, #tpu.memory_space<hbm>>
      tpu.wait_indirect_dma semaphore(%arg12 : memref<!tpu.dma_semaphore, #tpu.memory_space<semaphore_mem>>) src(%dma_wait3A_103 : memref<20224x128xf32, #tpu.memory_space<hbm>>) dst(%arg10 : memref<128x128xf32, #tpu.memory_space<vmem>>)
      %add3A_104 = arith.constant 1 : i32
      %add3A_105 = arith.addi %mul3A_81, %add3A_104 : i32
      "tpu.region"() ({
        %run_scoped3A_114 = tpu.sem_alloc : memref<!tpu.dma_semaphore, #tpu.memory_space<semaphore_mem>>
        %dma_start3A_115 = arith.constant 0 : i32
        %dma_start3A_116 = tpu.memref_slice %arg8[%add3A_105, %dma_start3A_115] : memref<40x128xi32, #tpu.memory_space<vmem>> -> memref<1x128xi32, #tpu.memory_space<vmem>>
        %dma_start3A_117 = tpu.memref_squeeze %dma_start3A_116 : memref<1x128xi32, #tpu.memory_space<vmem>> -> memref<128xi32, #tpu.memory_space<vmem>>
        %dma_start3A_118 = arith.constant 0 : i32
        %dma_start3A_119 = arith.constant 0 : i32
        %dma_start3A_120 = tpu.memref_slice %arg13[%dma_start3A_118, %dma_start3A_119] : memref<10112x128xf32, #tpu.memory_space<vmem_shared>> -> memref<10112x128xf32, #tpu.memory_space<vmem_shared>>
        tpu.enqueue_indirect_dma source(%arg10 : memref<128x128xf32, #tpu.memory_space<vmem>>) target(%dma_start3A_120 : memref<10112x128xf32, #tpu.memory_space<vmem_shared>>) offsets(%dma_start3A_117 : memref<128xi32, #tpu.memory_space<vmem>>) semaphore(%run_scoped3A_114 : memref<!tpu.dma_semaphore, #tpu.memory_space<semaphore_mem>>) {add = true}
        %dma_wait3A_121 = arith.constant 0 : i32
        %dma_wait3A_122 = tpu.memref_slice %arg8[%add3A_105, %dma_wait3A_121] : memref<40x128xi32, #tpu.memory_space<vmem>> -> memref<1x128xi32, #tpu.memory_space<vmem>>
        %dma_wait3A_123 = tpu.memref_squeeze %dma_wait3A_122 : memref<1x128xi32, #tpu.memory_space<vmem>> -> memref<128xi32, #tpu.memory_space<vmem>>
        %dma_wait3A_124 = arith.constant 0 : i32
        %dma_wait3A_125 = arith.constant 0 : i32
        %dma_wait3A_126 = tpu.memref_slice %arg13[%dma_wait3A_124, %dma_wait3A_125] : memref<10112x128xf32, #tpu.memory_space<vmem_shared>> -> memref<10112x128xf32, #tpu.memory_space<vmem_shared>>
        tpu.wait_indirect_dma semaphore(%run_scoped3A_114 : memref<!tpu.dma_semaphore, #tpu.memory_space<semaphore_mem>>) src(%arg10 : memref<128x128xf32, #tpu.memory_space<vmem>>) dst(%dma_wait3A_126 : memref<10112x128xf32, #tpu.memory_space<vmem_shared>>)
        tpu.yield
      }) : () -> ()
      %add3A_106 = arith.constant 3 : i32
      %add3A_107 = arith.addi %mul3A_81, %add3A_106 : i32
      %dma_start3A_108 = arith.constant 0 : i32
      %dma_start3A_109 = tpu.memref_slice %arg7[%add3A_107, %dma_start3A_108] : memref<40x128xi32, #tpu.memory_space<vmem>> -> memref<1x128xi32, #tpu.memory_space<vmem>>
      %dma_start3A_110 = tpu.memref_squeeze %dma_start3A_109 : memref<1x128xi32, #tpu.memory_space<vmem>> -> memref<128xi32, #tpu.memory_space<vmem>>
      %dma_start3A_111 = arith.constant 0 : i32
      %dma_start3A_112 = arith.constant 0 : i32
      %dma_start3A_113 = tpu.memref_slice %arg4[%dma_start3A_111, %dma_start3A_112] : memref<20224x128xf32, #tpu.memory_space<hbm>> -> memref<20224x128xf32, #tpu.memory_space<hbm>>
      tpu.enqueue_indirect_dma source(%dma_start3A_113 : memref<20224x128xf32, #tpu.memory_space<hbm>>) target(%arg10 : memref<128x128xf32, #tpu.memory_space<vmem>>) offsets(%dma_start3A_110 : memref<128xi32, #tpu.memory_space<vmem>>) semaphore(%arg12 : memref<!tpu.dma_semaphore, #tpu.memory_space<semaphore_mem>>)
    }
    %scan3A_59 = arith.constant 19 : i32
    %dma_wait3A_60 = arith.constant 38 : i32
    %dma_wait3A_61 = arith.constant 0 : i32
    %dma_wait3A_62 = tpu.memref_slice %arg7[%dma_wait3A_60, %dma_wait3A_61] : memref<40x128xi32, #tpu.memory_space<vmem>> -> memref<1x128xi32, #tpu.memory_space<vmem>>
    %dma_wait3A_63 = tpu.memref_squeeze %dma_wait3A_62 : memref<1x128xi32, #tpu.memory_space<vmem>> -> memref<128xi32, #tpu.memory_space<vmem>>
    %dma_wait3A_64 = arith.constant 0 : i32
    %dma_wait3A_65 = arith.constant 0 : i32
    %dma_wait3A_66 = tpu.memref_slice %arg4[%dma_wait3A_64, %dma_wait3A_65] : memref<20224x128xf32, #tpu.memory_space<hbm>> -> memref<20224x128xf32, #tpu.memory_space<hbm>>
    tpu.wait_indirect_dma semaphore(%arg11 : memref<!tpu.dma_semaphore, #tpu.memory_space<semaphore_mem>>) src(%dma_wait3A_66 : memref<20224x128xf32, #tpu.memory_space<hbm>>) dst(%arg9 : memref<128x128xf32, #tpu.memory_space<vmem>>)
    %run_scoped3A_67 = arith.constant 38 : i32
    "tpu.region"() ({
      %run_scoped3A_79 = tpu.sem_alloc : memref<!tpu.dma_semaphore, #tpu.memory_space<semaphore_mem>>
      %dma_start3A_80 = arith.constant 0 : i32
      %dma_start3A_81 = tpu.memref_slice %arg8[%run_scoped3A_67, %dma_start3A_80] : memref<40x128xi32, #tpu.memory_space<vmem>> -> memref<1x128xi32, #tpu.memory_space<vmem>>
      %dma_start3A_82 = tpu.memref_squeeze %dma_start3A_81 : memref<1x128xi32, #tpu.memory_space<vmem>> -> memref<128xi32, #tpu.memory_space<vmem>>
      %dma_start3A_83 = arith.constant 0 : i32
      %dma_start3A_84 = arith.constant 0 : i32
      %dma_start3A_85 = tpu.memref_slice %arg13[%dma_start3A_83, %dma_start3A_84] : memref<10112x128xf32, #tpu.memory_space<vmem_shared>> -> memref<10112x128xf32, #tpu.memory_space<vmem_shared>>
      tpu.enqueue_indirect_dma source(%arg9 : memref<128x128xf32, #tpu.memory_space<vmem>>) target(%dma_start3A_85 : memref<10112x128xf32, #tpu.memory_space<vmem_shared>>) offsets(%dma_start3A_82 : memref<128xi32, #tpu.memory_space<vmem>>) semaphore(%run_scoped3A_79 : memref<!tpu.dma_semaphore, #tpu.memory_space<semaphore_mem>>) {add = true}
      %dma_wait3A_86 = arith.constant 0 : i32
      %dma_wait3A_87 = tpu.memref_slice %arg8[%run_scoped3A_67, %dma_wait3A_86] : memref<40x128xi32, #tpu.memory_space<vmem>> -> memref<1x128xi32, #tpu.memory_space<vmem>>
      %dma_wait3A_88 = tpu.memref_squeeze %dma_wait3A_87 : memref<1x128xi32, #tpu.memory_space<vmem>> -> memref<128xi32, #tpu.memory_space<vmem>>
      %dma_wait3A_89 = arith.constant 0 : i32
      %dma_wait3A_90 = arith.constant 0 : i32
      %dma_wait3A_91 = tpu.memref_slice %arg13[%dma_wait3A_89, %dma_wait3A_90] : memref<10112x128xf32, #tpu.memory_space<vmem_shared>> -> memref<10112x128xf32, #tpu.memory_space<vmem_shared>>
      tpu.wait_indirect_dma semaphore(%run_scoped3A_79 : memref<!tpu.dma_semaphore, #tpu.memory_space<semaphore_mem>>) src(%arg9 : memref<128x128xf32, #tpu.memory_space<vmem>>) dst(%dma_wait3A_91 : memref<10112x128xf32, #tpu.memory_space<vmem_shared>>)
      tpu.yield
    }) : () -> ()
    %dma_wait3A_68 = arith.constant 39 : i32
    %dma_wait3A_69 = arith.constant 0 : i32
    %dma_wait3A_70 = tpu.memref_slice %arg7[%dma_wait3A_68, %dma_wait3A_69] : memref<40x128xi32, #tpu.memory_space<vmem>> -> memref<1x128xi32, #tpu.memory_space<vmem>>
    %dma_wait3A_71 = tpu.memref_squeeze %dma_wait3A_70 : memref<1x128xi32, #tpu.memory_space<vmem>> -> memref<128xi32, #tpu.memory_space<vmem>>
    %dma_wait3A_72 = arith.constant 0 : i32
    %dma_wait3A_73 = arith.constant 0 : i32
    %dma_wait3A_74 = tpu.memref_slice %arg4[%dma_wait3A_72, %dma_wait3A_73] : memref<20224x128xf32, #tpu.memory_space<hbm>> -> memref<20224x128xf32, #tpu.memory_space<hbm>>
    tpu.wait_indirect_dma semaphore(%arg12 : memref<!tpu.dma_semaphore, #tpu.memory_space<semaphore_mem>>) src(%dma_wait3A_74 : memref<20224x128xf32, #tpu.memory_space<hbm>>) dst(%arg10 : memref<128x128xf32, #tpu.memory_space<vmem>>)
    %run_scoped3A_75 = arith.constant 39 : i32
    "tpu.region"() ({
      %run_scoped3A_79 = tpu.sem_alloc : memref<!tpu.dma_semaphore, #tpu.memory_space<semaphore_mem>>
      %dma_start3A_80 = arith.constant 0 : i32
      %dma_start3A_81 = tpu.memref_slice %arg8[%run_scoped3A_75, %dma_start3A_80] : memref<40x128xi32, #tpu.memory_space<vmem>> -> memref<1x128xi32, #tpu.memory_space<vmem>>
      %dma_start3A_82 = tpu.memref_squeeze %dma_start3A_81 : memref<1x128xi32, #tpu.memory_space<vmem>> -> memref<128xi32, #tpu.memory_space<vmem>>
      %dma_start3A_83 = arith.constant 0 : i32
      %dma_start3A_84 = arith.constant 0 : i32
      %dma_start3A_85 = tpu.memref_slice %arg13[%dma_start3A_83, %dma_start3A_84] : memref<10112x128xf32, #tpu.memory_space<vmem_shared>> -> memref<10112x128xf32, #tpu.memory_space<vmem_shared>>
      tpu.enqueue_indirect_dma source(%arg10 : memref<128x128xf32, #tpu.memory_space<vmem>>) target(%dma_start3A_85 : memref<10112x128xf32, #tpu.memory_space<vmem_shared>>) offsets(%dma_start3A_82 : memref<128xi32, #tpu.memory_space<vmem>>) semaphore(%run_scoped3A_79 : memref<!tpu.dma_semaphore, #tpu.memory_space<semaphore_mem>>) {add = true}
      %dma_wait3A_86 = arith.constant 0 : i32
      %dma_wait3A_87 = tpu.memref_slice %arg8[%run_scoped3A_75, %dma_wait3A_86] : memref<40x128xi32, #tpu.memory_space<vmem>> -> memref<1x128xi32, #tpu.memory_space<vmem>>
      %dma_wait3A_88 = tpu.memref_squeeze %dma_wait3A_87 : memref<1x128xi32, #tpu.memory_space<vmem>> -> memref<128xi32, #tpu.memory_space<vmem>>
      %dma_wait3A_89 = arith.constant 0 : i32
      %dma_wait3A_90 = arith.constant 0 : i32
      %dma_wait3A_91 = tpu.memref_slice %arg13[%dma_wait3A_89, %dma_wait3A_90] : memref<10112x128xf32, #tpu.memory_space<vmem_shared>> -> memref<10112x128xf32, #tpu.memory_space<vmem_shared>>
      tpu.wait_indirect_dma semaphore(%run_scoped3A_79 : memref<!tpu.dma_semaphore, #tpu.memory_space<semaphore_mem>>) src(%arg10 : memref<128x128xf32, #tpu.memory_space<vmem>>) dst(%dma_wait3A_91 : memref<10112x128xf32, #tpu.memory_space<vmem_shared>>)
      tpu.yield
    }) : () -> ()
    %barrier3A_76 = arith.constant 0 : index
    tpu.barrier barrier_id(%barrier3A_76)
    %mul3A_77 = arith.constant 632 : i32
    %mul3A_78 = arith.muli %arg1, %mul3A_77 : i32
    "tpu.region"() ({
      %run_scoped3A_79 = tpu.sem_alloc : memref<!tpu.dma_semaphore, #tpu.memory_space<semaphore_mem>>
      %dma_start3A_80 = arith.constant 0 : i32
      %dma_start3A_81 = tpu.memref_slice %arg6[%arg0, %mul3A_78, %dma_start3A_80] : memref<2x10112x128xf32, #tpu.memory_space<hbm>> -> memref<1x632x128xf32, #tpu.memory_space<hbm>>
      %dma_start3A_82 = tpu.memref_squeeze %dma_start3A_81 : memref<1x632x128xf32, #tpu.memory_space<hbm>> -> memref<632x128xf32, #tpu.memory_space<hbm>>
      %dma_start3A_83 = arith.constant 0 : i32
      %dma_start3A_84 = tpu.memref_slice %arg13[%mul3A_78, %dma_start3A_83] : memref<10112x128xf32, #tpu.memory_space<vmem_shared>> -> memref<632x128xf32, #tpu.memory_space<vmem_shared>>
      tpu.enqueue_dma source(%dma_start3A_84 : memref<632x128xf32, #tpu.memory_space<vmem_shared>>) target(%dma_start3A_82 : memref<632x128xf32, #tpu.memory_space<hbm>>) target_semaphore(%run_scoped3A_79 : memref<!tpu.dma_semaphore, #tpu.memory_space<semaphore_mem>>)
      %dma_wait3A_85 = arith.constant 0 : i32
      %dma_wait3A_86 = tpu.memref_slice %arg6[%arg0, %mul3A_78, %dma_wait3A_85] : memref<2x10112x128xf32, #tpu.memory_space<hbm>> -> memref<1x632x128xf32, #tpu.memory_space<hbm>>
      %dma_wait3A_87 = tpu.memref_squeeze %dma_wait3A_86 : memref<1x632x128xf32, #tpu.memory_space<hbm>> -> memref<632x128xf32, #tpu.memory_space<hbm>>
      %dma_wait3A_88 = arith.constant 0 : i32
      %dma_wait3A_89 = tpu.memref_slice %arg13[%mul3A_78, %dma_wait3A_88] : memref<10112x128xf32, #tpu.memory_space<vmem_shared>> -> memref<632x128xf32, #tpu.memory_space<vmem_shared>>
      tpu.wait_dma2 semaphore(%run_scoped3A_79 : memref<!tpu.dma_semaphore, #tpu.memory_space<semaphore_mem>>) src(%dma_wait3A_89 : memref<632x128xf32, #tpu.memory_space<vmem_shared>>) dst(%dma_wait3A_87 : memref<632x128xf32, #tpu.memory_space<hbm>>)
      tpu.yield
    }) : () -> ()
    return
  }
}

module attributes {stable_mosaic.version = 14 : i64} {
  func.func @body(%arg0: i32, %arg1: memref<1264x256xf32, #tpu.memory_space<vmem>>, %arg2: memref<256x256xf32, #tpu.memory_space<vmem>>, %arg3: memref<256xf32, #tpu.memory_space<vmem>>, %arg4: memref<2x1264x128xf32, #tpu.memory_space<vmem>>, %arg5: memref<2x1264x128xf32, #tpu.memory_space<vmem>>) attributes {dimension_semantics = [#tpu.dimension_semantics<arbitrary>], iteration_bounds = array<i64: 8>, scalar_prefetch = 0 : i64, scratch_operands = 0 : i64, tpu.core_type = #tpu.core_type<tc>, window_params = [{transform_indices = @transform_0, window_bounds = array<i64: 1264, 256>}, {pipeline_mode = #tpu.pipeline_mode<synchronous>, transform_indices = @transform_1, window_bounds = array<i64: 256, 256>}, {pipeline_mode = #tpu.pipeline_mode<synchronous>, transform_indices = @transform_2, window_bounds = array<i64: 256>}, {transform_indices = @transform_3, window_bounds = array<i64: 2, 1264, 128>}, {transform_indices = @transform_4, window_bounds = array<i64: 2, 1264, 128>}]} {
    %get3A = arith.constant 0 : index
    %get3A_0 = arith.constant 0 : index
    %get3A_1 = arith.constant 0 : index
    %get3A_2 = vector.load %arg4[%get3A, %get3A_0, %get3A_1] : memref<2x1264x128xf32, #tpu.memory_space<vmem>>, vector<1x1264x1xf32>
    %get3A_3 = vector.shape_cast %get3A_2 : vector<1x1264x1xf32> to vector<1264x1xf32>
    %get3A_4 = arith.constant 1 : index
    %get3A_5 = arith.constant 0 : index
    %get3A_6 = arith.constant 0 : index
    %get3A_7 = vector.load %arg4[%get3A_4, %get3A_5, %get3A_6] : memref<2x1264x128xf32, #tpu.memory_space<vmem>>, vector<1x1264x1xf32>
    %get3A_8 = vector.shape_cast %get3A_7 : vector<1x1264x1xf32> to vector<1264x1xf32>
    %add3A = arith.addf %get3A_3, %get3A_8 : vector<1264x1xf32>
    %add3A_9 = arith.constant 1.000000e+00 : f32
    %add3A_10 = vector.broadcast %add3A_9 : f32 to vector<1264x1xf32>
    %add3A_11 = arith.addf %add3A, %add3A_10 : vector<1264x1xf32>
    %rsqrt3A = math.rsqrt %add3A_11 : vector<1264x1xf32>
    %get3A_12 = arith.constant 0 : index
    %get3A_13 = arith.constant 0 : index
    %get3A_14 = vector.load %arg1[%get3A_12, %get3A_13] : memref<1264x256xf32, #tpu.memory_space<vmem>>, vector<1264x256xf32>
    %get3A_15 = arith.constant 0 : index
    %get3A_16 = arith.constant 0 : index
    %get3A_17 = vector.load %arg2[%get3A_15, %get3A_16] : memref<256x256xf32, #tpu.memory_space<vmem>>, vector<256x256xf32>
    %dot_general3A = arith.constant dense<0.000000e+00> : vector<1264x256xf32>
    %dot_general3A_18 = tpu.matmul %get3A_14, %get3A_17, %dot_general3A {dimension_numbers = #tpu.dot_dimension_numbers<[1], [0], [0], [1], [0, 0, 1, 1], [], []>, transpose_lhs_hint = false} : vector<1264x256xf32>, vector<256x256xf32>, vector<1264x256xf32> -> vector<1264x256xf32>
    %get3A_19 = arith.constant 0 : index
    %get3A_20 = vector.load %arg3[%get3A_19] : memref<256xf32, #tpu.memory_space<vmem>>, vector<256xf32>
    %broadcast_in_dim3A = vector.shape_cast %get3A_20 : vector<256xf32> to vector<1x256xf32>
    %add3A_21 = vector.broadcast %broadcast_in_dim3A : vector<1x256xf32> to vector<1264x256xf32>
    %add3A_22 = arith.addf %dot_general3A_18, %add3A_21 : vector<1264x256xf32>
    %mul3A = arith.constant 1264 : i32
    %mul3A_23 = arith.muli %arg0, %mul3A : i32
    %iota3A = tpu.iota {dimensions = array<i32: 0>} : vector<1264x1xi32>
    %add3A_24 = vector.broadcast %mul3A_23 : i32 to vector<1264x1xi32>
    %add3A_25 = arith.addi %add3A_24, %iota3A : vector<1264x1xi32>
    %lt3A = arith.constant 10000 : i32
    %lt3A_26 = vector.broadcast %lt3A : i32 to vector<1264x1xi32>
    %lt3A_27 = arith.cmpi slt, %add3A_25, %lt3A_26 : vector<1264x1xi32>
    %mul3A_28 = vector.broadcast %rsqrt3A : vector<1264x1xf32> to vector<1264x256xf32>
    %mul3A_29 = arith.mulf %add3A_22, %mul3A_28 : vector<1264x256xf32>
    %jit3A = arith.constant 0.000000e+00 : f32
    %broadcast_in_dim3A_30 = vector.shape_cast %lt3A_27 : vector<1264x1xi1> to vector<1264x1xi1>
    %broadcast_in_dim3A_31 = vector.broadcast %broadcast_in_dim3A_30 : vector<1264x1xi1> to vector<1264x256xi1>
    %broadcast_in_dim3A_32 = vector.broadcast %jit3A : f32 to vector<1264x256xf32>
    %select_n3A = arith.select %broadcast_in_dim3A_31, %mul3A_29, %broadcast_in_dim3A_32 : vector<1264x256xi1>, vector<1264x256xf32>
    %slice3A = vector.extract_strided_slice %select_n3A {offsets = [0, 0], sizes = [1264, 128], strides = [1, 1]} : vector<1264x256xf32> to vector<1264x128xf32>
    %swap3A = arith.constant 0 : index
    %swap3A_33 = arith.constant 0 : index
    %swap3A_34 = arith.constant 0 : index
    %swap3A_35 = vector.load %arg5[%swap3A, %swap3A_33, %swap3A_34] : memref<2x1264x128xf32, #tpu.memory_space<vmem>>, vector<1x1264x128xf32>
    %swap3A_36 = vector.shape_cast %swap3A_35 : vector<1x1264x128xf32> to vector<1264x128xf32>
    %swap3A_37 = vector.shape_cast %slice3A : vector<1264x128xf32> to vector<1x1264x128xf32>
    tpu.vector_store %arg5[%swap3A, %swap3A_33, %swap3A_34], %swap3A_37 {strides = array<i32>} : memref<2x1264x128xf32, #tpu.memory_space<vmem>>, vector<1x1264x128xf32>,
    %slice3A_38 = vector.extract_strided_slice %select_n3A {offsets = [0, 128], sizes = [1264, 128], strides = [1, 1]} : vector<1264x256xf32> to vector<1264x128xf32>
    %swap3A_39 = arith.constant 1 : index
    %swap3A_40 = arith.constant 0 : index
    %swap3A_41 = arith.constant 0 : index
    %swap3A_42 = vector.load %arg5[%swap3A_39, %swap3A_40, %swap3A_41] : memref<2x1264x128xf32, #tpu.memory_space<vmem>>, vector<1x1264x128xf32>
    %swap3A_43 = vector.shape_cast %swap3A_42 : vector<1x1264x128xf32> to vector<1264x128xf32>
    %swap3A_44 = vector.shape_cast %slice3A_38 : vector<1264x128xf32> to vector<1x1264x128xf32>
    tpu.vector_store %arg5[%swap3A_39, %swap3A_40, %swap3A_41], %swap3A_44 {strides = array<i32>} : memref<2x1264x128xf32, #tpu.memory_space<vmem>>, vector<1x1264x128xf32>,
    return
  }
  func.func @transform_0(%arg0: i32) -> (i32, i32) {
    %c0_i32 = arith.constant 0 : i32
    %c0_i32_0 = arith.constant 0 : i32
    return %arg0, %c0_i32 : i32, i32
  }
  func.func @transform_1(%arg0: i32) -> (i32, i32) {
    %c0_i32 = arith.constant 0 : i32
    %c0_i32_0 = arith.constant 0 : i32
    %c0_i32_1 = arith.constant 0 : i32
    return %c0_i32, %c0_i32_0 : i32, i32
  }
  func.func @transform_2(%arg0: i32) -> i32 {
    %c0_i32 = arith.constant 0 : i32
    %c0_i32_0 = arith.constant 0 : i32
    return %c0_i32 : i32
  }
  func.func @transform_3(%arg0: i32) -> (i32, i32, i32) {
    %c0_i32 = arith.constant 0 : i32
    %c0_i32_0 = arith.constant 0 : i32
    %c0_i32_1 = arith.constant 0 : i32
    return %c0_i32, %arg0, %c0_i32_0 : i32, i32, i32
  }
  func.func @transform_4(%arg0: i32) -> (i32, i32, i32) {
    %c0_i32 = arith.constant 0 : i32
    %c0_i32_0 = arith.constant 0 : i32
    %c0_i32_1 = arith.constant 0 : i32
    return %c0_i32, %arg0, %c0_i32_0 : i32, i32, i32
  }
}

module attributes {stable_mosaic.version = 14 : i64} {
  func.func @body(%arg0: i32, %arg1: memref<2x1264x128xf32, #tpu.memory_space<vmem>>, %arg2: memref<2x1264x128xf32, #tpu.memory_space<vmem>>, %arg3: memref<2x1264x128xf32, #tpu.memory_space<vmem>>, %arg4: memref<256x256xf32, #tpu.memory_space<vmem>>, %arg5: memref<256xf32, #tpu.memory_space<vmem>>, %arg6: memref<256x256xf32, #tpu.memory_space<vmem>>, %arg7: memref<256xf32, #tpu.memory_space<vmem>>, %arg8: memref<1264x256xf32, #tpu.memory_space<vmem>>, %arg9: memref<1264x256xf32, #tpu.memory_space<vmem>>) attributes {dimension_semantics = [#tpu.dimension_semantics<arbitrary>], iteration_bounds = array<i64: 8>, scalar_prefetch = 0 : i64, scratch_operands = 0 : i64, tpu.core_type = #tpu.core_type<tc>, window_params = [{transform_indices = @transform_0, window_bounds = array<i64: 2, 1264, 128>}, {transform_indices = @transform_1, window_bounds = array<i64: 2, 1264, 128>}, {transform_indices = @transform_2, window_bounds = array<i64: 2, 1264, 128>}, {pipeline_mode = #tpu.pipeline_mode<synchronous>, transform_indices = @transform_3, window_bounds = array<i64: 256, 256>}, {pipeline_mode = #tpu.pipeline_mode<synchronous>, transform_indices = @transform_4, window_bounds = array<i64: 256>}, {pipeline_mode = #tpu.pipeline_mode<synchronous>, transform_indices = @transform_5, window_bounds = array<i64: 256, 256>}, {pipeline_mode = #tpu.pipeline_mode<synchronous>, transform_indices = @transform_6, window_bounds = array<i64: 256>}, {transform_indices = @transform_7, window_bounds = array<i64: 1264, 256>}, {transform_indices = @transform_8, window_bounds = array<i64: 1264, 256>}]} {
    %get3A = arith.constant 0 : index
    %get3A_0 = arith.constant 0 : index
    %get3A_1 = arith.constant 0 : index
    %get3A_2 = vector.load %arg3[%get3A, %get3A_0, %get3A_1] : memref<2x1264x128xf32, #tpu.memory_space<vmem>>, vector<1x1264x1xf32>
    %get3A_3 = vector.shape_cast %get3A_2 : vector<1x1264x1xf32> to vector<1264x1xf32>
    %get3A_4 = arith.constant 1 : index
    %get3A_5 = arith.constant 0 : index
    %get3A_6 = arith.constant 0 : index
    %get3A_7 = vector.load %arg3[%get3A_4, %get3A_5, %get3A_6] : memref<2x1264x128xf32, #tpu.memory_space<vmem>>, vector<1x1264x1xf32>
    %get3A_8 = vector.shape_cast %get3A_7 : vector<1x1264x1xf32> to vector<1264x1xf32>
    %add3A = arith.addf %get3A_3, %get3A_8 : vector<1264x1xf32>
    %add3A_9 = arith.constant 1.000000e+00 : f32
    %add3A_10 = vector.broadcast %add3A_9 : f32 to vector<1264x1xf32>
    %add3A_11 = arith.addf %add3A, %add3A_10 : vector<1264x1xf32>
    %rsqrt3A = math.rsqrt %add3A_11 : vector<1264x1xf32>
    %get3A_12 = arith.constant 0 : index
    %get3A_13 = arith.constant 0 : index
    %get3A_14 = arith.constant 0 : index
    %get3A_15 = vector.load %arg1[%get3A_12, %get3A_13, %get3A_14] : memref<2x1264x128xf32, #tpu.memory_space<vmem>>, vector<1x1264x128xf32>
    %get3A_16 = vector.shape_cast %get3A_15 : vector<1x1264x128xf32> to vector<1264x128xf32>
    %get3A_17 = arith.constant 1 : index
    %get3A_18 = arith.constant 0 : index
    %get3A_19 = arith.constant 0 : index
    %get3A_20 = vector.load %arg1[%get3A_17, %get3A_18, %get3A_19] : memref<2x1264x128xf32, #tpu.memory_space<vmem>>, vector<1x1264x128xf32>
    %get3A_21 = vector.shape_cast %get3A_20 : vector<1x1264x128xf32> to vector<1264x128xf32>
    %concatenate3A = tpu.concatenate %get3A_16, %get3A_21 in 1 : vector<1264x128xf32>, vector<1264x128xf32> -> vector<1264x256xf32>
    %get3A_22 = arith.constant 0 : index
    %get3A_23 = arith.constant 0 : index
    %get3A_24 = arith.constant 0 : index
    %get3A_25 = vector.load %arg2[%get3A_22, %get3A_23, %get3A_24] : memref<2x1264x128xf32, #tpu.memory_space<vmem>>, vector<1x1264x128xf32>
    %get3A_26 = vector.shape_cast %get3A_25 : vector<1x1264x128xf32> to vector<1264x128xf32>
    %get3A_27 = arith.constant 1 : index
    %get3A_28 = arith.constant 0 : index
    %get3A_29 = arith.constant 0 : index
    %get3A_30 = vector.load %arg2[%get3A_27, %get3A_28, %get3A_29] : memref<2x1264x128xf32, #tpu.memory_space<vmem>>, vector<1x1264x128xf32>
    %get3A_31 = vector.shape_cast %get3A_30 : vector<1x1264x128xf32> to vector<1264x128xf32>
    %concatenate3A_32 = tpu.concatenate %get3A_26, %get3A_31 in 1 : vector<1264x128xf32>, vector<1264x128xf32> -> vector<1264x256xf32>
    %add3A_33 = arith.addf %concatenate3A, %concatenate3A_32 : vector<1264x256xf32>
    %mul3A = vector.broadcast %rsqrt3A : vector<1264x1xf32> to vector<1264x256xf32>
    %mul3A_34 = arith.mulf %add3A_33, %mul3A : vector<1264x256xf32>
    %swap3A = arith.constant 0 : index
    %swap3A_35 = arith.constant 0 : index
    %swap3A_36 = vector.load %arg8[%swap3A, %swap3A_35] : memref<1264x256xf32, #tpu.memory_space<vmem>>, vector<1264x256xf32>
    tpu.vector_store %arg8[%swap3A, %swap3A_35], %mul3A_34 {strides = array<i32>} : memref<1264x256xf32, #tpu.memory_space<vmem>>, vector<1264x256xf32>,
    %max3A = arith.constant 0.000000e+00 : f32
    %max3A_37 = vector.broadcast %max3A : f32 to vector<1264x256xf32>
    %max3A_38 = arith.maximumf %mul3A_34, %max3A_37 : vector<1264x256xf32>
    %get3A_39 = arith.constant 0 : index
    %get3A_40 = arith.constant 0 : index
    %get3A_41 = vector.load %arg4[%get3A_39, %get3A_40] : memref<256x256xf32, #tpu.memory_space<vmem>>, vector<256x256xf32>
    %dot_general3A = arith.constant dense<0.000000e+00> : vector<1264x256xf32>
    %dot_general3A_42 = tpu.matmul %max3A_38, %get3A_41, %dot_general3A {dimension_numbers = #tpu.dot_dimension_numbers<[1], [0], [0], [1], [0, 0, 1, 1], [], []>, transpose_lhs_hint = false} : vector<1264x256xf32>, vector<256x256xf32>, vector<1264x256xf32> -> vector<1264x256xf32>
    %get3A_43 = arith.constant 0 : index
    %get3A_44 = vector.load %arg5[%get3A_43] : memref<256xf32, #tpu.memory_space<vmem>>, vector<256xf32>
    %broadcast_in_dim3A = vector.shape_cast %get3A_44 : vector<256xf32> to vector<1x256xf32>
    %add3A_45 = vector.broadcast %broadcast_in_dim3A : vector<1x256xf32> to vector<1264x256xf32>
    %add3A_46 = arith.addf %dot_general3A_42, %add3A_45 : vector<1264x256xf32>
    %get3A_47 = arith.constant 0 : index
    %get3A_48 = arith.constant 0 : index
    %get3A_49 = vector.load %arg6[%get3A_47, %get3A_48] : memref<256x256xf32, #tpu.memory_space<vmem>>, vector<256x256xf32>
    %dot_general3A_50 = arith.constant dense<0.000000e+00> : vector<1264x256xf32>
    %dot_general3A_51 = tpu.matmul %add3A_46, %get3A_49, %dot_general3A_50 {dimension_numbers = #tpu.dot_dimension_numbers<[1], [0], [0], [1], [0, 0, 1, 1], [], []>, transpose_lhs_hint = false} : vector<1264x256xf32>, vector<256x256xf32>, vector<1264x256xf32> -> vector<1264x256xf32>
    %get3A_52 = arith.constant 0 : index
    %get3A_53 = vector.load %arg7[%get3A_52] : memref<256xf32, #tpu.memory_space<vmem>>, vector<256xf32>
    %broadcast_in_dim3A_54 = vector.shape_cast %get3A_53 : vector<256xf32> to vector<1x256xf32>
    %add3A_55 = vector.broadcast %broadcast_in_dim3A_54 : vector<1x256xf32> to vector<1264x256xf32>
    %add3A_56 = arith.addf %dot_general3A_51, %add3A_55 : vector<1264x256xf32>
    %reduce_max3A = arith.constant dense<0xFF800000> : vector<1264xf32>
    %reduce_max3A_57 = vector.multi_reduction <maximumf>, %add3A_56, %reduce_max3A [1] : vector<1264x256xf32> to vector<1264xf32>
    %broadcast_in_dim3A_58 = vector.shape_cast %reduce_max3A_57 : vector<1264xf32> to vector<1264x1xf32>
    %sub3A = vector.broadcast %broadcast_in_dim3A_58 : vector<1264x1xf32> to vector<1264x256xf32>
    %sub3A_59 = arith.subf %add3A_56, %sub3A : vector<1264x256xf32>
    %exp3A = math.exp %sub3A_59 : vector<1264x256xf32>
    %reduce_sum3A = arith.constant dense<0.000000e+00> : vector<1264xf32>
    %reduce_sum3A_60 = vector.multi_reduction <add>, %exp3A, %reduce_sum3A [1] : vector<1264x256xf32> to vector<1264xf32>
    %broadcast_in_dim3A_61 = vector.shape_cast %reduce_sum3A_60 : vector<1264xf32> to vector<1264x1xf32>
    %log3A = math.log %broadcast_in_dim3A_61 : vector<1264x1xf32>
    %add3A_62 = arith.addf %log3A, %broadcast_in_dim3A_58 : vector<1264x1xf32>
    %sub3A_63 = vector.broadcast %add3A_62 : vector<1264x1xf32> to vector<1264x256xf32>
    %sub3A_64 = arith.subf %add3A_56, %sub3A_63 : vector<1264x256xf32>
    %swap3A_65 = arith.constant 0 : index
    %swap3A_66 = arith.constant 0 : index
    %swap3A_67 = vector.load %arg9[%swap3A_65, %swap3A_66] : memref<1264x256xf32, #tpu.memory_space<vmem>>, vector<1264x256xf32>
    tpu.vector_store %arg9[%swap3A_65, %swap3A_66], %sub3A_64 {strides = array<i32>} : memref<1264x256xf32, #tpu.memory_space<vmem>>, vector<1264x256xf32>,
    return
  }
  func.func @transform_0(%arg0: i32) -> (i32, i32, i32) {
    %c0_i32 = arith.constant 0 : i32
    %c0_i32_0 = arith.constant 0 : i32
    %c0_i32_1 = arith.constant 0 : i32
    return %c0_i32, %arg0, %c0_i32_0 : i32, i32, i32
  }
  func.func @transform_1(%arg0: i32) -> (i32, i32, i32) {
    %c0_i32 = arith.constant 0 : i32
    %c0_i32_0 = arith.constant 0 : i32
    %c0_i32_1 = arith.constant 0 : i32
    return %c0_i32, %arg0, %c0_i32_0 : i32, i32, i32
  }
  func.func @transform_2(%arg0: i32) -> (i32, i32, i32) {
    %c0_i32 = arith.constant 0 : i32
    %c0_i32_0 = arith.constant 0 : i32
    %c0_i32_1 = arith.constant 0 : i32
    return %c0_i32, %arg0, %c0_i32_0 : i32, i32, i32
  }
  func.func @transform_3(%arg0: i32) -> (i32, i32) {
    %c0_i32 = arith.constant 0 : i32
    %c0_i32_0 = arith.constant 0 : i32
    %c0_i32_1 = arith.constant 0 : i32
    return %c0_i32, %c0_i32_0 : i32, i32
  }
  func.func @transform_4(%arg0: i32) -> i32 {
    %c0_i32 = arith.constant 0 : i32
    %c0_i32_0 = arith.constant 0 : i32
    return %c0_i32 : i32
  }
  func.func @transform_5(%arg0: i32) -> (i32, i32) {
    %c0_i32 = arith.constant 0 : i32
    %c0_i32_0 = arith.constant 0 : i32
    %c0_i32_1 = arith.constant 0 : i32
    return %c0_i32, %c0_i32_0 : i32, i32
  }
  func.func @transform_6(%arg0: i32) -> i32 {
    %c0_i32 = arith.constant 0 : i32
    %c0_i32_0 = arith.constant 0 : i32
    return %c0_i32 : i32
  }
  func.func @transform_7(%arg0: i32) -> (i32, i32) {
    %c0_i32 = arith.constant 0 : i32
    %c0_i32_0 = arith.constant 0 : i32
    return %arg0, %c0_i32 : i32, i32
  }
  func.func @transform_8(%arg0: i32) -> (i32, i32) {
    %c0_i32 = arith.constant 0 : i32
    %c0_i32_0 = arith.constant 0 : i32
    return %arg0, %c0_i32 : i32, i32
  }
}

</mosaic_0001>

<sc_bundles>
// kernel: kernel.6.cloned.1.call-start
scs
__scs_entry_jumppad:
0x0: {  	(pc) =	sbr.rel $0x88, $3  }
0x1: {  	(tag) =	ssettag $0x0;
	lr =	simm.s32 $0x1  }
0x2: {  	[smem:$0x3F99] =	sst lr;
	_ =	strace $0xD0000000  }
0x3: {  	_ = 	snop  }
0x4: {  	_ = 	snop  }
0x5: {  	_ = 	snop  }
0x6: {  	_ = 	snop  }
0x7: {  	_ = 	snop  }
__scs_overlays_trampoline_lowered:
0x8: {  	[smem:$0x3FA8] =	sst s0  }
0x9: {  	[smem:$0x3FA9] =	sst s1  }
0xa: {  	[smem:$0x3FAA] =	sst s2  }
0xb: {  	[smem:$0x3FAB] =	sst s3  }
0xc: {  	[smem:$0x3FAC] =	sst s4  }
0xd: {  	[smem:$0x3FAD] =	sst s5  }
0xe: {  	[smem:$0x3FAE] =	sst s6  }
0xf: {  	[smem:$0x3FAF] =	sst s7  }
0x10: {  	[smem:$0x3FB0] =	sst s8  }
0x11: {  	[smem:$0x3FB1] =	sst s9;
	s0 =	simm.s32 @!p0 $0x0  }
0x12: {  	s1 =	sld [smem:$0x3F97];
	s0 =	simm.s32 @p0 $0x1  }
0x13: {  	[smem:$0x3FB2] =	sst s0;
	s0 =	simm.s32 @!p1 $0x0  }
0x14: {  	s2 =	sld [smem:$0x3F96];
	s0 =	simm.s32 @p1 $0x1  }
0x15: {  	[smem:$0x3FB3] =	sst s0;
	s0 =	simm.s32 @!p2 $0x0  }
0x16: {  	s3 =	sld [smem:$0x3FDB];
	s0 =	simm.s32 @p2 $0x1  }
0x17: {  	s4 =	simm.s32 $0x1BF5;
	[smem:$0x3FB5] =	sst s0  }
0x18: {  	s0 =	sld [smem:$0x3F98];
	_ =	swait.ge [sflag:s4], $0x0  }
0x19: {  	s7 =	sld [smem:$0x3F99]  }
0x1a: {  	s8 =	sadd.s32 $0xFFFFE003, lr  }
0x1b: {  	s9 =	sadd.s32 $0xFFFFFEF7, lr;
	s5 =	simm.s32 $0xFFFFFFFF;
	p2 =	slt.u32 s8, $0xFFFFF086  }
0x1c: {  	p1 =	slt.u32 s9, $0xF7A;
	s5 =	simm.s32 @!p2 $0x0  }
0x1d: {  	s5 =	simm.s32 @p1 $0x1;
	p0 =	seq.s32 s7, s2  }
0x1e: {  	s7 =	smul.u32 @!p0 $0xF7A, s2;
	p2 =	seq.s32 @!p0 s5, $0x0  }
0x1f: {  	s9 =	smul.u32 $0xF7A, s1;
	s8 =	simm.s32 @!p0 $0x1BF5;
	p2 =	por !p2, p0  }
0x20: {  	[sflag:s8] =	ssyncset.s32 @!p0 $0xFFFFF086;
	s6 =	sadd.s32 @!p0 s3, s7;
	s7 =	simm.s32 @!p0 $0x108  }
0x21: {  	s3 =	sadd.s32 s3, s9;
	s6 =	sadd.s32 @!p0 $0x88, s6;
	s7 =	simm.s32 @p2 $0x1082  }
0x22: {  	[simem:s7], [sflag:s8] =	dma.local @!p0 [hbm:s6], $0xF7A  }
0x23: {  	s9 =	sor.u32 $0xD0000000, s2;
	s6 =	simm.s32 $0x108;
	_ =	swait.ge @!p0 [sflag:s8], $0x0  }
0x24: {  	s3 =	sadd.s32 $0x88, s3;
	s6 =	simm.s32 @!p1 $0x1082;
	[sflag:s4] =	ssyncset.s32 $0xFFFFF086  }
0x25: {  	[simem:s6], [sflag:s4] =	dma.local [hbm:s3], $0xF7A  }
0x26: {  	[smem:$0x3F99] =	sst s1;
	(tag) =	ssettag s2;
	_ =	strace s9  }
0x27: {  	s1 =	sld [smem:$0x3FA9]  }
0x28: {  	s2 =	sld [smem:$0x3FAA]  }
0x29: {  	s4 =	sld [smem:$0x3FAC]  }
0x2a: {  	p0 =	seq.s32 s5, $0x0;
	s5 =	sld [smem:$0x3FAD]  }
0x2b: {  	s6 =	sld [smem:$0x3FAE]  }
0x2c: {  	s7 =	sld [smem:$0x3FAF]  }
0x2d: {  	s3 =	simm.s32 $0x108;
	s8 =	sld [smem:$0x3FB0]  }
0x2e: {  	s3 =	simm.s32 @!p0 $0x1082;
	s9 =	sld [smem:$0x3FB1]  }
0x2f: {  	lr =	sadd.s32 s0, s3;
	s0 =	sld [smem:$0x3FA8]  }
0x30: {  	s3 =	sld [smem:$0x3FAB]  }
0x31: {  	[smem:$0x3FB4] =	sst s10  }
0x32: {  	s10 =	sld [smem:$0x3FB2];
	_ =	sdelay $0x3  }
0x33: {  	p0 =	seq.s32 s10, $0x1;
	s10 =	sld [smem:$0x3FB4];
	_ =	sdelay $0x3  }
0x34: {  	[smem:$0x3FB4] =	sst s10  }
0x35: {  	s10 =	sld [smem:$0x3FB3];
	_ =	sdelay $0x3  }
0x36: {  	p1 =	seq.s32 s10, $0x1;
	s10 =	sld [smem:$0x3FB4];
	_ =	sdelay $0x3  }
0x37: {  	[smem:$0x3FB4] =	sst s10  }
0x38: {  	s10 =	sld [smem:$0x3FB5]  }
0x39: {  	_ = 	snop;
	(pc) =	sbr.ind lr, $3  }
0x3a: {  	_ = 	snop  }
0x3b: {  	_ = 	snop  }
0x3c: {  	p2 =	seq.s32 s10, $0x1;
	s10 =	sld [smem:$0x3FB4]  }
0x3d: {  	_ =	shalt  }
0x3e: {  	_ =	shalt  }
0x3f: {  	_ =	shalt  }
0x40: {  	_ =	shalt  }
0x41: {  	_ =	shalt  }
0x42: {  	_ =	shalt  }
0x43: {  	_ =	shalt  }
0x44: {  	_ =	shalt  }
0x45: {  	_ =	shalt  }
0x46: {  	_ =	shalt  }
0x47: {  	_ =	shalt  }
0x48: {  	_ =	shalt  }
0x49: {  	_ =	shalt  }
0x4a: {  	_ =	shalt  }
0x4b: {  	_ =	shalt  }
0x4c: {  	_ =	shalt  }
0x4d: {  	_ =	shalt  }
0x4e: {  	_ =	shalt  }
0x4f: {  	_ =	shalt  }
0x50: {  	_ =	shalt  }
0x51: {  	_ =	shalt  }
0x52: {  	_ =	shalt  }
0x53: {  	_ =	shalt  }
0x54: {  	_ =	shalt  }
0x55: {  	_ =	shalt  }
0x56: {  	_ =	shalt  }
0x57: {  	_ =	shalt  }
0x58: {  	_ =	shalt  }
0x59: {  	_ =	shalt  }
0x5a: {  	_ =	shalt  }
0x5b: {  	_ =	shalt  }
0x5c: {  	_ =	shalt  }
0x5d: {  	_ =	shalt  }
0x5e: {  	_ =	shalt  }
0x5f: {  	_ =	shalt  }
0x60: {  	_ =	shalt  }
0x61: {  	_ =	shalt  }
0x62: {  	_ =	shalt  }
0x63: {  	_ =	shalt  }
0x64: {  	_ =	shalt  }
0x65: {  	_ =	shalt  }
0x66: {  	_ =	shalt  }
0x67: {  	_ =	shalt  }
0x68: {  	_ =	shalt  }
0x69: {  	_ =	shalt  }
0x6a: {  	_ =	shalt  }
0x6b: {  	_ =	shalt  }
0x6c: {  	_ =	shalt  }
0x6d: {  	_ =	shalt  }
0x6e: {  	_ =	shalt  }
0x6f: {  	_ =	shalt  }
0x70: {  	_ =	shalt  }
0x71: {  	_ =	shalt  }
0x72: {  	_ =	shalt  }
0x73: {  	_ =	shalt  }
0x74: {  	_ =	shalt  }
0x75: {  	_ =	shalt  }
0x76: {  	_ =	shalt  }
0x77: {  	_ =	shalt  }
0x78: {  	_ =	shalt  }
0x79: {  	_ =	shalt  }
0x7a: {  	_ =	shalt  }
0x7b: {  	_ =	shalt  }
0x7c: {  	_ =	shalt  }
0x7d: {  	_ =	shalt  }
0x7e: {  	_ =	shalt  }
0x7f: {  	_ =	shalt  }
0x80: {  	_ =	shalt  }
0x81: {  	_ =	shalt  }
0x82: {  	_ =	shalt  }
0x83: {  	_ =	shalt  }
0x84: {  	_ =	shalt  }
0x85: {  	_ =	shalt  }
0x86: {  	_ =	shalt  }
0x87: {  	_ =	shalt  }
.Lfunc_end0:
.L_simem_size_0:
called_computation_lowered:
.L_overlay_start_0:
0x88: {  	s2 =	sld [smem:$0x3FD9]  }
0x89: {  	s3 =	sld [smem:$0x3FFE];
	_ =	sdelay $0x1  }
0x8a: {  	s1 =	srdreg.scid  }
0x8b: {  	s0 =	sand.u32 $0x1, s1  }
0x8c: {  	s14 =	sshll.u32 s0, $0xA;
	s2 =	sadd.s32 s3, s2  }
0x8d: {  	s2 =	sadd.s32 s2, s14  }
0x8e: {  	[smem:$0x3FC0] =	sst s2  }
0x8f: {  	_ = 	snop  }
0x90: {  	s2 =	sld [smem:$0x3FD0];
	_ =	sdelay $0x2  }
0x91: {  	s15 =	simm.s32 $0xA;
	s4 =	simm.s32 $0x10  }
0x92: {  	[smem:s4], [sflag:s15] =	dma.local [hbm:s2], $0x1  }
0x93: {  	_ =	swait.eq [sflag:s15], $0x1  }
0x94: {  	[sflag:s15] =	ssyncset.done $0x0  }
0x95: {  	[sflag:s15] =	ssyncadd.s32 $0xFFFFFFFF  }
0x96: {  	s16 =	sld [smem:$0x10];
	(tm) =	ssettm $0x1  }
0x97: {  	s17 =	sld [smem:$0x3FFB];
	_ =	sdelay $0x3  }
0x98: {  	_ =	strace s17  }
0x99: {  	s3 =	sld [smem:$0x3FFC];
	_ =	sdelay $0x3  }
0x9a: {  	_ =	strace s3  }
0x9b: {  	s3 =	sld [smem:$0x3FFD];
	_ =	sdelay $0x3  }
0x9c: {  	_ =	strace s3  }
0x9d: {  	_ =	strace $0x8FFFFFFF  }
0x9e: {  	s18 =	sld [smem:$0x3FDB];
	_ =	sdelay $0x1  }
0x9f: {  	s19 =	simm.s32 $_scs_section_size  }
0xa0: {  	s5 =	simm.s32 $_size__tile_overlayer_lowered;
	s6 =	simm.s32 $_tile_overlayer_lowered  }
0xa1: {  	s22 =	simm.s32 $0x1BFF;
	s21 =	sshll.u32 s6, $0x1;
	s3 =	sadd.s32 s19, s18  }
0xa2: {  	s7 =	simm.s32 $0x0;
	s20 =	sshll.u32 s5, $0x1;
	s5 =	sadd.s32 s21, s3  }
0xa3: {  	[timem:s7], [sflag:s22] =	dma.local [hbm:s5], s20  }
0xa4: {  	_ =	swait.ge [sflag:s22], s20  }
0xa5: {  	s4 =	ssub.s32 $0x0, s20;
	[sflag:s22] =	ssyncset.done $0x0  }
0xa6: {  	[sflag:s22] =	ssyncadd.s32 s4;
	_ =	sdelay $0x1  }
0xa7: {  	s23 =	simm.s32 $0x1B8B  }
0xa8: {  	_ =	swait.ge [sflag:s23], $0x1  }
0xa9: {  	[sflag:s23] =	ssyncset.done $0x0  }
0xaa: {  	s25 =	simm.s32 $0x1B8E;
	s24 =	sld [smem:$0x3FFE];
	[sflag:s23] =	ssyncadd.s32 $0xFFFFFFFF  }
0xab: {  	s26 =	simm.s32 $execute0_lowered;
	[smem:$0x3FD2] =	sst s25  }
0xac: {  	s5 =	sshll.u32 s26, $0x1;
	_ =	strace $0x80000046;
	[dreg:$0x1] =	wrdreg $0xFFFFFFFF  }
0xad: {  	s28 =	simm.s32 $_size_execute0_lowered;
	s3 =	sadd.s32 s3, s5;
	[dreg:$0x0] =	wrdreg $0x0  }
0xae: {  	s5 =	sshll.u32 s28, $0x1;
	[dreg:$0x2] =	wrdreg s3  }
0xaf: {  	[dreg:$0x3] =	wrdreg s5  }
0xb0: {  	[dreg:$0x4] =	wrdreg $0xC0  }
0xb1: {  	_ =	task [dreg:s7], $0x5FFFF  }
0xb2: {  	[dreg:$0x1] =	wrdreg $0xFFFFFFFF  }
0xb3: {  	[dreg:$0x0] =	wrdreg $0x60  }
0xb4: {  	[dreg:$0x2] =	wrdreg s16  }
0xb5: {  	[dreg:$0x3] =	wrdreg s24  }
0xb6: {  	[dreg:$0x4] =	wrdreg $0x54000  }
0xb7: {  	[dreg:$0x5] =	wrdreg $0x9  }
0xb8: {  	_ =	task.clear_ibuf [dreg:s7], $0x6FFFF;
	_ =	strace $0x90000046  }
0xb9: {  	s29 =	simm.s32 $0x9;
	_ =	strace $0x80000048  }
0xba: {  	_ =	swait.ge [sflag:s29], $0x1  }
0xbb: {  	[sflag:s29] =	ssyncadd.s32 $0xFFFFFFFF  }
0xbc: {  	_ =	strace $0x90000048  }
0xbd: {  	_ =	sfence  }
0xbe: {  	s30 =	sld [smem:$0x0];
	_ =	sdelay $0x2  }
0xbf: {  	s31 =	sshll.u32 s1, $0xD;
	s1 =	sshrl.u32 s1, $0x2  }
0xc0: {  	s3 =	sand.u32 $0x4000, s31;
	s1 =	sadd.s32 s1, s30  }
0xc1: {  	s0 =	sor.u32 s3, s0;
	s1 =	sshll.u32 s1, $0x11  }
0xc2: {  	s0 =	sor.u32 s1, s0  }
0xc3: {  	s0 =	sadd.s32 $0x8F2B, s0  }
0xc4: {  	[sflag:s0] =	ssyncadd.remote.s32 $0x1  }
0xc5: {  	_ =	sfence.sel $0xFFFF  }
0xc6: {  	[dreg:$0x0] =	wrdreg $0xFFFFFFFF;
	(pc) =	sbr.abs _section_cstart, $3  }
0xc7: {  	[dreg:$0x1] =	wrdreg $0xFFFFFFFF  }
0xc8: {  	_ =	task.clear_ibuf [dreg:s7], $0x2FFFF;
	_ =	strace $0x9FFFFFFF  }
0xc9: {  	(tm) =	ssettm $0x7FFFFFFF  }
tec
execute0_lowered:
.L_overlay_start_1:
0x0: {  	(tag) =	ssettag $0x1  }
0x1: {  	s0 =	rddreg [dreg:$0x0]  }
0x2: {  	s1 =	rddreg [dreg:$0x1]  }
0x3: {  	s2 =	rddreg [dreg:$0x2];
	s3 =	srdreg.scid  }
0x4: {  	s31 =	simm.s32 $0x0;
	s8 =	stileid.u32;
	s9 =	simm.s32 $0x200  }
0x5: {  	s11 =	simm.s32 $0x280;
	[smem:$0x7FF] =	sst s31;
	s7 =	sadd.s32 $0x1C00, s1  }
0x6: {  	s26 =	sadd.s32 $0x2400, s1;
	_ =	strace $0x80000047;
	[dreg:$0x4] =	wrdreg s7  }
0x7: {  	s12 =	simm.s32 $0x300;
	s14 =	simm.s32 $0x380;
	[dreg:$0x5] =	wrdreg s26  }
0x8: {  	s15 =	simm.s32 $0x400;
	s17 =	simm.s32 $0x480;
	[dreg:$0xa] =	wrdreg s9  }
0x9: {  	s18 =	simm.s32 $0x500;
	s20 =	simm.s32 $0x580;
	[dreg:$0xb] =	wrdreg s11  }
0xa: {  	s21 =	simm.s32 $0x600;
	s22 =	simm.s32 $0x680;
	[dreg:$0xc] =	wrdreg s12  }
0xb: {  	s23 =	simm.s32 $0x700;
	s24 =	simm.s32 $0x780;
	[dreg:$0xd] =	wrdreg s14  }
0xc: {  	s30 =	simm.s32 $0x900;
	s29 =	simm.s32 $0x980;
	[dreg:$0xe] =	wrdreg s15  }
0xd: {  	s28 =	simm.s32 $0xA00;
	p0 =	por $0x0, $0x0;
	[dreg:$0xf] =	wrdreg s17  }
0xe: {  	s3 =	sand.u32 $0x1, s3;
	s5 =	smul.u32 $0x13C00, s8;
	[dreg:$0x10] =	wrdreg s18  }
0xf: {  	s6 =	sshll.u32 s8, $0x1;
	s13 =	smul.u32 $0x4F000, s8;
	[dreg:$0x11] =	wrdreg s20  }
0x10: {  	s19 =	sshll.u32 s8, $0x6;
	s8 =	simm.s32 $0x1380;
	[dreg:$0x12] =	wrdreg s21  }
0x11: {  	s4 =	smul.u32 $0x13C000, s3;
	s6 =	sor.u32 s3, s6;
	[dreg:$0x13] =	wrdreg s22  }
0x12: {  	s7 =	simm.s32 $0x180;
	s10 =	ssub.s32 $0x2, s3;
	[dreg:$0x14] =	wrdreg s23  }
0x13: {  	[dreg:$0x15] =	wrdreg s24;
	s26 =	simm.s32 $0x880;
	s24 =	simm.s32 $0xB80  }
0x14: {  	s23 =	simm.s32 $0xC00;
	s22 =	simm.s32 $0xC80;
	s21 =	simm.s32 $0xD00  }
0x15: {  	s20 =	simm.s32 $0xD80;
	s18 =	simm.s32 $0xE80;
	s17 =	simm.s32 $0xF00  }
0x16: {  	s15 =	simm.s32 $0x1000;
	s14 =	simm.s32 $0x1100;
	s12 =	simm.s32 $0x1180  }
0x17: {  	s11 =	simm.s32 $0x1200;
	s9 =	simm.s32 $0x1300;
	s25 =	smul.u32 $0x280, s6  }
0x18: {  	s6 =	simm.s32 $0x100;
	[dreg:$0x9] =	wrdreg s7;
	s4 =	sadd.s32 s5, s4  }
0x19: {  	s3 =	sshrl.u32 s10, $0x1;
	s16 =	sshrl.u32 s13, $0x2;
	s4 =	sshrl.u32 s4, $0x3  }
0x1a: {  	s7 =	simm.s32 $0x80;
	[dreg:$0x17] =	wrdreg s26;
	s1 =	sadd.s32 s4, s1  }
0x1b: {  	s26 =	simm.s32 $0xA80;
	s5 =	sadd.s32 $0x4C00, s1;
	s1 =	ssub.s32 s10, s3  }
0x1c: {  	s13 =	simm.s32 $0x1080;
	[dreg:$0x8] =	wrdreg s6;
	s1 =	smax.u32 s1, $0x1  }
0x1d: {  	s6 =	simm.s32 $0x1400;
	s0 =	sadd.s32 s0, s25;
	p1 =	sne.s32 s1, $0x1  }
.Ltmp0:
0x1e: {  	s25 =	simm.s32 $0x800;
	[dreg:$0x6] =	wrdreg s0;
	(pc) =	sbr.rel @!p1 .LBB2_3-.Ltmp0, $4  }
0x1f: {  	s4 =	sadd.s32 s16, s2;
	[dreg:$0x16] =	wrdreg s25;
	s25 =	simm.s32 $0xB00  }
0x20: {  	s16 =	simm.s32 $0xF80;
	s3 =	sor.u32 $0x1C01, s19;
	s4 =	sshrl.u32 s4, $0x3  }
0x21: {  	s19 =	simm.s32 $0xE00;
	s10 =	simm.s32 $0x1280;
	[dreg:$0x7] =	wrdreg s5  }
0x22: {  	s5 =	simm.s32 $0x1;
	s0 =	sadd.s32 $0xFFFFFFFF, s1;
	s1 =	rddreg [dreg:$0x5]  }
0x23: {  	[spmem:s4], [sflag:s3] =	dma.local [hbm:s1], $0x2780  }
0x24: {  	_ =	swait.ge [sflag:s5], $0x2780  }
0x25: {  	[sflag:s5] =	ssyncset.done $0x0  }
0x26: {  	s1 =	rddreg [dreg:$0x4];
	[sflag:s5] =	ssyncadd.s32 $0xFFFFD880  }
0x27: {  	[tilespmem:s6], [sflag:$0x1] =	stream.linear.gather [hbm4b:s1+s31], $0x4000, $0x38;
	[tilespmem:$0x19000] =	vst v63  }
0x28: {  	_ =	swait.ge [sflag:s5], $0x4000  }
0x29: {  	[sflag:s5] =	ssyncset.done $0x0  }
0x2a: {  	[sflag:s5] =	ssyncadd.s32 $0xFFFFC000  }
0x2b: {  	[bflag:$0x0] =	sbarrier.arrive $0xFFFF  }
0x2c: {  	s1 =	rddreg [dreg:$0x6]  }
0x2d: {  	[tilespmem:s31], [sflag:$0x1] =	stream.linear.gather [hbm4b:s1+s31], $0x1400, $0x38;
	[tilespmem:$0x19000] =	vst v63  }
0x2e: {  	_ =	swait.ge [sflag:s5], $0x1400  }
0x2f: {  	[sflag:s5] =	ssyncset.done $0x0  }
0x30: {  	[sflag:s5] =	ssyncadd.s32 $0xFFFFEC00  }
0x31: {  	[spmem:s2] =	stream.indirect.scatter.add.f32 [tilespmem:s6], [sflag:$0x1], $0x80, s31, s7, $0xb8;
	[tilespmem:$0x19000] =	vst v63  }
0x32: {  	_ =	swait.ge [sflag:s5], $0x4000  }
0x33: {  	[sflag:s5] =	ssyncset.done $0x0  }
0x34: {  	[sflag:s5] =	ssyncadd.s32 $0xFFFFC000  }
0x35: {  	[spmem:s2] =	stream.indirect.scatter.add.f32 [tilespmem:s6], [sflag:$0x1], $0x80, s7, s7, $0xb8;
	[tilespmem:$0x19000] =	vst v63  }
0x36: {  	_ =	swait.ge [sflag:s5], $0x4000  }
0x37: {  	[sflag:s5] =	ssyncset.done $0x0  }
0x38: {  	s1 =	rddreg [dreg:$0x8];
	[sflag:s5] =	ssyncadd.s32 $0xFFFFC000  }
0x39: {  	[spmem:s2] =	stream.indirect.scatter.add.f32 [tilespmem:s6], [sflag:$0x1], $0x80, s1, s7, $0xb8;
	[tilespmem:$0x19000] =	vst v63  }
0x3a: {  	_ =	swait.ge [sflag:s5], $0x4000  }
0x3b: {  	[sflag:s5] =	ssyncset.done $0x0  }
0x3c: {  	s1 =	rddreg [dreg:$0x9];
	[sflag:s5] =	ssyncadd.s32 $0xFFFFC000  }
0x3d: {  	[spmem:s2] =	stream.indirect.scatter.add.f32 [tilespmem:s6], [sflag:$0x1], $0x80, s1, s7, $0xb8;
	[tilespmem:$0x19000] =	vst v63  }
0x3e: {  	_ =	swait.ge [sflag:s5], $0x4000  }
0x3f: {  	[sflag:s5] =	ssyncset.done $0x0  }
0x40: {  	s1 =	rddreg [dreg:$0xa];
	[sflag:s5] =	ssyncadd.s32 $0xFFFFC000  }
0x41: {  	[spmem:s2] =	stream.indirect.scatter.add.f32 [tilespmem:s6], [sflag:$0x1], $0x80, s1, s7, $0xb8;
	[tilespmem:$0x19000] =	vst v63  }
0x42: {  	_ =	swait.ge [sflag:s5], $0x4000  }
0x43: {  	[sflag:s5] =	ssyncset.done $0x0  }
0x44: {  	s1 =	rddreg [dreg:$0xb];
	[sflag:s5] =	ssyncadd.s32 $0xFFFFC000  }
0x45: {  	[spmem:s2] =	stream.indirect.scatter.add.f32 [tilespmem:s6], [sflag:$0x1], $0x80, s1, s7, $0xb8;
	[tilespmem:$0x19000] =	vst v63  }
0x46: {  	_ =	swait.ge [sflag:s5], $0x4000  }
0x47: {  	[sflag:s5] =	ssyncset.done $0x0  }
0x48: {  	s1 =	rddreg [dreg:$0xc];
	[sflag:s5] =	ssyncadd.s32 $0xFFFFC000  }
0x49: {  	[spmem:s2] =	stream.indirect.scatter.add.f32 [tilespmem:s6], [sflag:$0x1], $0x80, s1, s7, $0xb8;
	[tilespmem:$0x19000] =	vst v63  }
0x4a: {  	_ =	swait.ge [sflag:s5], $0x4000  }
0x4b: {  	[sflag:s5] =	ssyncset.done $0x0  }
0x4c: {  	s1 =	rddreg [dreg:$0xd];
	[sflag:s5] =	ssyncadd.s32 $0xFFFFC000  }
0x4d: {  	[spmem:s2] =	stream.indirect.scatter.add.f32 [tilespmem:s6], [sflag:$0x1], $0x80, s1, s7, $0xb8;
	[tilespmem:$0x19000] =	vst v63  }
0x4e: {  	_ =	swait.ge [sflag:s5], $0x4000  }
0x4f: {  	[sflag:s5] =	ssyncset.done $0x0  }
0x50: {  	s1 =	rddreg [dreg:$0xe];
	[sflag:s5] =	ssyncadd.s32 $0xFFFFC000  }
0x51: {  	[spmem:s2] =	stream.indirect.scatter.add.f32 [tilespmem:s6], [sflag:$0x1], $0x80, s1, s7, $0xb8;
	[tilespmem:$0x19000] =	vst v63  }
0x52: {  	_ =	swait.ge [sflag:s5], $0x4000  }
0x53: {  	[sflag:s5] =	ssyncset.done $0x0  }
0x54: {  	s1 =	rddreg [dreg:$0xf];
	[sflag:s5] =	ssyncadd.s32 $0xFFFFC000  }
0x55: {  	[spmem:s2] =	stream.indirect.scatter.add.f32 [tilespmem:s6], [sflag:$0x1], $0x80, s1, s7, $0xb8;
	[tilespmem:$0x19000] =	vst v63  }
0x56: {  	_ =	swait.ge [sflag:s5], $0x4000  }
0x57: {  	[sflag:s5] =	ssyncset.done $0x0  }
0x58: {  	s1 =	rddreg [dreg:$0x10];
	[sflag:s5] =	ssyncadd.s32 $0xFFFFC000  }
0x59: {  	[spmem:s2] =	stream.indirect.scatter.add.f32 [tilespmem:s6], [sflag:$0x1], $0x80, s1, s7, $0xb8;
	[tilespmem:$0x19000] =	vst v63  }
0x5a: {  	_ =	swait.ge [sflag:s5], $0x4000  }
0x5b: {  	[sflag:s5] =	ssyncset.done $0x0  }
0x5c: {  	s1 =	rddreg [dreg:$0x11];
	[sflag:s5] =	ssyncadd.s32 $0xFFFFC000  }
0x5d: {  	[spmem:s2] =	stream.indirect.scatter.add.f32 [tilespmem:s6], [sflag:$0x1], $0x80, s1, s7, $0xb8;
	[tilespmem:$0x19000] =	vst v63  }
0x5e: {  	_ =	swait.ge [sflag:s5], $0x4000  }
0x5f: {  	[sflag:s5] =	ssyncset.done $0x0  }
0x60: {  	s1 =	rddreg [dreg:$0x12];
	[sflag:s5] =	ssyncadd.s32 $0xFFFFC000  }
0x61: {  	[spmem:s2] =	stream.indirect.scatter.add.f32 [tilespmem:s6], [sflag:$0x1], $0x80, s1, s7, $0xb8;
	[tilespmem:$0x19000] =	vst v63  }
0x62: {  	_ =	swait.ge [sflag:s5], $0x4000  }
0x63: {  	[sflag:s5] =	ssyncset.done $0x0  }
0x64: {  	s1 =	rddreg [dreg:$0x13];
	[sflag:s5] =	ssyncadd.s32 $0xFFFFC000  }
0x65: {  	[spmem:s2] =	stream.indirect.scatter.add.f32 [tilespmem:s6], [sflag:$0x1], $0x80, s1, s7, $0xb8;
	[tilespmem:$0x19000] =	vst v63  }
0x66: {  	_ =	swait.ge [sflag:s5], $0x4000  }
0x67: {  	[sflag:s5] =	ssyncset.done $0x0  }
0x68: {  	s1 =	rddreg [dreg:$0x14];
	[sflag:s5] =	ssyncadd.s32 $0xFFFFC000  }
0x69: {  	[spmem:s2] =	stream.indirect.scatter.add.f32 [tilespmem:s6], [sflag:$0x1], $0x80, s1, s7, $0xb8;
	[tilespmem:$0x19000] =	vst v63  }
0x6a: {  	_ =	swait.ge [sflag:s5], $0x4000  }
0x6b: {  	[sflag:s5] =	ssyncset.done $0x0  }
0x6c: {  	s1 =	rddreg [dreg:$0x15];
	[sflag:s5] =	ssyncadd.s32 $0xFFFFC000  }
0x6d: {  	[spmem:s2] =	stream.indirect.scatter.add.f32 [tilespmem:s6], [sflag:$0x1], $0x80, s1, s7, $0xb8;
	[tilespmem:$0x19000] =	vst v63  }
0x6e: {  	_ =	swait.ge [sflag:s5], $0x4000  }
0x6f: {  	[sflag:s5] =	ssyncset.done $0x0  }
0x70: {  	s1 =	rddreg [dreg:$0x16];
	[sflag:s5] =	ssyncadd.s32 $0xFFFFC000  }
0x71: {  	[spmem:s2] =	stream.indirect.scatter.add.f32 [tilespmem:s6], [sflag:$0x1], $0x80, s1, s7, $0xb8;
	[tilespmem:$0x19000] =	vst v63  }
0x72: {  	_ =	swait.ge [sflag:s5], $0x4000  }
0x73: {  	[sflag:s5] =	ssyncset.done $0x0  }
0x74: {  	s1 =	rddreg [dreg:$0x17];
	[sflag:s5] =	ssyncadd.s32 $0xFFFFC000  }
0x75: {  	[spmem:s2] =	stream.indirect.scatter.add.f32 [tilespmem:s6], [sflag:$0x1], $0x80, s1, s7, $0xb8;
	[tilespmem:$0x19000] =	vst v63  }
0x76: {  	_ =	swait.ge [sflag:s5], $0x4000  }
0x77: {  	[sflag:s5] =	ssyncset.done $0x0  }
0x78: {  	[sflag:s5] =	ssyncadd.s32 $0xFFFFC000  }
0x79: {  	[spmem:s2] =	stream.indirect.scatter.add.f32 [tilespmem:s6], [sflag:$0x1], $0x80, s30, s7, $0xb8;
	[tilespmem:$0x19000] =	vst v63  }
0x7a: {  	_ =	swait.ge [sflag:s5], $0x4000  }
0x7b: {  	[sflag:s5] =	ssyncset.done $0x0  }
0x7c: {  	[sflag:s5] =	ssyncadd.s32 $0xFFFFC000  }
0x7d: {  	[spmem:s2] =	stream.indirect.scatter.add.f32 [tilespmem:s6], [sflag:$0x1], $0x80, s29, s7, $0xb8;
	[tilespmem:$0x19000] =	vst v63  }
0x7e: {  	_ =	swait.ge [sflag:s5], $0x4000  }
0x7f: {  	[sflag:s5] =	ssyncset.done $0x0  }
0x80: {  	[sflag:s5] =	ssyncadd.s32 $0xFFFFC000  }
0x81: {  	[spmem:s2] =	stream.indirect.scatter.add.f32 [tilespmem:s6], [sflag:$0x1], $0x80, s28, s7, $0xb8;
	[tilespmem:$0x19000] =	vst v63  }
0x82: {  	_ =	swait.ge [sflag:s5], $0x4000  }
0x83: {  	[sflag:s5] =	ssyncset.done $0x0  }
0x84: {  	[sflag:s5] =	ssyncadd.s32 $0xFFFFC000  }
0x85: {  	[spmem:s2] =	stream.indirect.scatter.add.f32 [tilespmem:s6], [sflag:$0x1], $0x80, s26, s7, $0xb8;
	[tilespmem:$0x19000] =	vst v63  }
0x86: {  	_ =	swait.ge [sflag:s5], $0x4000  }
0x87: {  	[sflag:s5] =	ssyncset.done $0x0  }
0x88: {  	[sflag:s5] =	ssyncadd.s32 $0xFFFFC000  }
0x89: {  	[spmem:s2] =	stream.indirect.scatter.add.f32 [tilespmem:s6], [sflag:$0x1], $0x80, s25, s7, $0xb8;
	[tilespmem:$0x19000] =	vst v63  }
0x8a: {  	_ =	swait.ge [sflag:s5], $0x4000  }
0x8b: {  	[sflag:s5] =	ssyncset.done $0x0  }
0x8c: {  	[sflag:s5] =	ssyncadd.s32 $0xFFFFC000  }
0x8d: {  	[spmem:s2] =	stream.indirect.scatter.add.f32 [tilespmem:s6], [sflag:$0x1], $0x80, s24, s7, $0xb8;
	[tilespmem:$0x19000] =	vst v63  }
0x8e: {  	_ =	swait.ge [sflag:s5], $0x4000  }
0x8f: {  	[sflag:s5] =	ssyncset.done $0x0  }
0x90: {  	[sflag:s5] =	ssyncadd.s32 $0xFFFFC000  }
0x91: {  	[spmem:s2] =	stream.indirect.scatter.add.f32 [tilespmem:s6], [sflag:$0x1], $0x80, s23, s7, $0xb8;
	[tilespmem:$0x19000] =	vst v63  }
0x92: {  	_ =	swait.ge [sflag:s5], $0x4000  }
0x93: {  	[sflag:s5] =	ssyncset.done $0x0  }
0x94: {  	[sflag:s5] =	ssyncadd.s32 $0xFFFFC000  }
0x95: {  	[spmem:s2] =	stream.indirect.scatter.add.f32 [tilespmem:s6], [sflag:$0x1], $0x80, s22, s7, $0xb8;
	[tilespmem:$0x19000] =	vst v63  }
0x96: {  	_ =	swait.ge [sflag:s5], $0x4000  }
0x97: {  	[sflag:s5] =	ssyncset.done $0x0  }
0x98: {  	[sflag:s5] =	ssyncadd.s32 $0xFFFFC000  }
0x99: {  	[spmem:s2] =	stream.indirect.scatter.add.f32 [tilespmem:s6], [sflag:$0x1], $0x80, s21, s7, $0xb8;
	[tilespmem:$0x19000] =	vst v63  }
0x9a: {  	_ =	swait.ge [sflag:s5], $0x4000  }
0x9b: {  	[sflag:s5] =	ssyncset.done $0x0  }
0x9c: {  	[sflag:s5] =	ssyncadd.s32 $0xFFFFC000  }
0x9d: {  	[spmem:s2] =	stream.indirect.scatter.add.f32 [tilespmem:s6], [sflag:$0x1], $0x80, s20, s7, $0xb8;
	[tilespmem:$0x19000] =	vst v63  }
0x9e: {  	_ =	swait.ge [sflag:s5], $0x4000  }
0x9f: {  	[sflag:s5] =	ssyncset.done $0x0  }
0xa0: {  	[sflag:s5] =	ssyncadd.s32 $0xFFFFC000  }
0xa1: {  	[spmem:s2] =	stream.indirect.scatter.add.f32 [tilespmem:s6], [sflag:$0x1], $0x80, s19, s7, $0xb8;
	[tilespmem:$0x19000] =	vst v63  }
0xa2: {  	_ =	swait.ge [sflag:s5], $0x4000  }
0xa3: {  	[sflag:s5] =	ssyncset.done $0x0  }
0xa4: {  	[sflag:s5] =	ssyncadd.s32 $0xFFFFC000  }
0xa5: {  	[spmem:s2] =	stream.indirect.scatter.add.f32 [tilespmem:s6], [sflag:$0x1], $0x80, s18, s7, $0xb8;
	[tilespmem:$0x19000] =	vst v63  }
0xa6: {  	_ =	swait.ge [sflag:s5], $0x4000  }
0xa7: {  	[sflag:s5] =	ssyncset.done $0x0  }
0xa8: {  	[sflag:s5] =	ssyncadd.s32 $0xFFFFC000  }
0xa9: {  	[spmem:s2] =	stream.indirect.scatter.add.f32 [tilespmem:s6], [sflag:$0x1], $0x80, s17, s7, $0xb8;
	[tilespmem:$0x19000] =	vst v63  }
0xaa: {  	_ =	swait.ge [sflag:s5], $0x4000  }
0xab: {  	[sflag:s5] =	ssyncset.done $0x0  }
0xac: {  	[sflag:s5] =	ssyncadd.s32 $0xFFFFC000  }
0xad: {  	[spmem:s2] =	stream.indirect.scatter.add.f32 [tilespmem:s6], [sflag:$0x1], $0x80, s16, s7, $0xb8;
	[tilespmem:$0x19000] =	vst v63  }
0xae: {  	_ =	swait.ge [sflag:s5], $0x4000  }
0xaf: {  	[sflag:s5] =	ssyncset.done $0x0  }
0xb0: {  	[sflag:s5] =	ssyncadd.s32 $0xFFFFC000  }
0xb1: {  	[spmem:s2] =	stream.indirect.scatter.add.f32 [tilespmem:s6], [sflag:$0x1], $0x80, s15, s7, $0xb8;
	[tilespmem:$0x19000] =	vst v63  }
0xb2: {  	_ =	swait.ge [sflag:s5], $0x4000  }
0xb3: {  	[sflag:s5] =	ssyncset.done $0x0  }
0xb4: {  	[sflag:s5] =	ssyncadd.s32 $0xFFFFC000  }
0xb5: {  	[spmem:s2] =	stream.indirect.scatter.add.f32 [tilespmem:s6], [sflag:$0x1], $0x80, s13, s7, $0xb8;
	[tilespmem:$0x19000] =	vst v63  }
0xb6: {  	_ =	swait.ge [sflag:s5], $0x4000  }
0xb7: {  	[sflag:s5] =	ssyncset.done $0x0  }
0xb8: {  	[sflag:s5] =	ssyncadd.s32 $0xFFFFC000  }
0xb9: {  	[spmem:s2] =	stream.indirect.scatter.add.f32 [tilespmem:s6], [sflag:$0x1], $0x80, s14, s7, $0xb8;
	[tilespmem:$0x19000] =	vst v63  }
0xba: {  	_ =	swait.ge [sflag:s5], $0x4000  }
0xbb: {  	[sflag:s5] =	ssyncset.done $0x0  }
0xbc: {  	[sflag:s5] =	ssyncadd.s32 $0xFFFFC000  }
0xbd: {  	[spmem:s2] =	stream.indirect.scatter.add.f32 [tilespmem:s6], [sflag:$0x1], $0x80, s12, s7, $0xb8;
	[tilespmem:$0x19000] =	vst v63  }
0xbe: {  	_ =	swait.ge [sflag:s5], $0x4000  }
0xbf: {  	[sflag:s5] =	ssyncset.done $0x0  }
0xc0: {  	[sflag:s5] =	ssyncadd.s32 $0xFFFFC000  }
0xc1: {  	[spmem:s2] =	stream.indirect.scatter.add.f32 [tilespmem:s6], [sflag:$0x1], $0x80, s11, s7, $0xb8;
	[tilespmem:$0x19000] =	vst v63  }
0xc2: {  	_ =	swait.ge [sflag:s5], $0x4000  }
0xc3: {  	[sflag:s5] =	ssyncset.done $0x0  }
0xc4: {  	[sflag:s5] =	ssyncadd.s32 $0xFFFFC000  }
0xc5: {  	[spmem:s2] =	stream.indirect.scatter.add.f32 [tilespmem:s6], [sflag:$0x1], $0x80, s10, s7, $0xb8;
	[tilespmem:$0x19000] =	vst v63  }
0xc6: {  	_ =	swait.ge [sflag:s5], $0x4000  }
0xc7: {  	[sflag:s5] =	ssyncset.done $0x0  }
0xc8: {  	[sflag:s5] =	ssyncadd.s32 $0xFFFFC000  }
0xc9: {  	[spmem:s2] =	stream.indirect.scatter.add.f32 [tilespmem:s6], [sflag:$0x1], $0x80, s9, s7, $0xb8;
	[tilespmem:$0x19000] =	vst v63  }
0xca: {  	_ =	swait.ge [sflag:s5], $0x4000  }
0xcb: {  	[sflag:s5] =	ssyncset.done $0x0  }
0xcc: {  	[sflag:s5] =	ssyncadd.s32 $0xFFFFC000  }
0xcd: {  	[spmem:s2] =	stream.indirect.scatter.add.f32 [tilespmem:s6], [sflag:$0x1], $0x80, s8, s7, $0xb8;
	[tilespmem:$0x19000] =	vst v63  }
0xce: {  	_ =	swait.ge [sflag:s5], $0x4000  }
0xcf: {  	[sflag:s5] =	ssyncset.done $0x0  }
0xd0: {  	p1 =	sne.s32 s0, $0x1;
	[sflag:s5] =	ssyncadd.s32 $0xFFFFC000  }
.Ltmp1:
0xd1: {  	[bflag:$0x0] =	sbarrier.arrive $0xFFFF;
	(pc) =	sbr.rel @!p1 .LBB2_3-.Ltmp1, $4  }
0xd2: {  	s1 =	rddreg [dreg:$0x7]  }
0xd3: {  	[hbm:s1], [sflag:s3] =	dma.local [spmem:s4], $0x2780  }
0xd4: {  	s0 =	sadd.s32 $0xFFFFFFFF, s0;
	_ =	swait.ge [sflag:s5], $0x2780  }
0xd5: {  	p0 =	por $0x1, $0x1;
	s1 =	rddreg [dreg:$0x5];
	[sflag:s5] =	ssyncset.done $0x0  }
.LBB2_2:
0xd6: {  	[sflag:s5] =	ssyncadd.s32 $0xFFFFD880  }
0xd7: {  	[spmem:s4], [sflag:s3] =	dma.local [hbm:s1], $0x2780  }
0xd8: {  	_ =	swait.ge [sflag:s5], $0x2780  }
0xd9: {  	[sflag:s5] =	ssyncset.done $0x0  }
0xda: {  	s1 =	rddreg [dreg:$0x4];
	[sflag:s5] =	ssyncadd.s32 $0xFFFFD880  }
0xdb: {  	[tilespmem:s6], [sflag:$0x1] =	stream.linear.gather [hbm4b:s1+s31], $0x4000, $0x38;
	[tilespmem:$0x19000] =	vst v63  }
0xdc: {  	_ =	swait.ge [sflag:s5], $0x4000  }
0xdd: {  	[sflag:s5] =	ssyncset.done $0x0  }
0xde: {  	[sflag:s5] =	ssyncadd.s32 $0xFFFFC000  }
0xdf: {  	[bflag:$0x0] =	sbarrier.arrive $0xFFFF  }
0xe0: {  	s1 =	rddreg [dreg:$0x6]  }
0xe1: {  	[tilespmem:s31], [sflag:$0x1] =	stream.linear.gather [hbm4b:s1+s31], $0x1400, $0x38;
	[tilespmem:$0x19000] =	vst v63  }
0xe2: {  	_ =	swait.ge [sflag:s5], $0x1400  }
0xe3: {  	[sflag:s5] =	ssyncset.done $0x0  }
0xe4: {  	[sflag:s5] =	ssyncadd.s32 $0xFFFFEC00  }
0xe5: {  	[spmem:s2] =	stream.indirect.scatter.add.f32 [tilespmem:s6], [sflag:$0x1], $0x80, s31, s7, $0xb8;
	[tilespmem:$0x19000] =	vst v63  }
0xe6: {  	_ =	swait.ge [sflag:s5], $0x4000  }
0xe7: {  	[sflag:s5] =	ssyncset.done $0x0  }
0xe8: {  	[sflag:s5] =	ssyncadd.s32 $0xFFFFC000  }
0xe9: {  	[spmem:s2] =	stream.indirect.scatter.add.f32 [tilespmem:s6], [sflag:$0x1], $0x80, s7, s7, $0xb8;
	[tilespmem:$0x19000] =	vst v63  }
0xea: {  	_ =	swait.ge [sflag:s5], $0x4000  }
0xeb: {  	[sflag:s5] =	ssyncset.done $0x0  }
0xec: {  	s1 =	rddreg [dreg:$0x8];
	[sflag:s5] =	ssyncadd.s32 $0xFFFFC000  }
0xed: {  	[spmem:s2] =	stream.indirect.scatter.add.f32 [tilespmem:s6], [sflag:$0x1], $0x80, s1, s7, $0xb8;
	[tilespmem:$0x19000] =	vst v63  }
0xee: {  	_ =	swait.ge [sflag:s5], $0x4000  }
0xef: {  	[sflag:s5] =	ssyncset.done $0x0  }
0xf0: {  	s1 =	rddreg [dreg:$0x9];
	[sflag:s5] =	ssyncadd.s32 $0xFFFFC000  }
0xf1: {  	[spmem:s2] =	stream.indirect.scatter.add.f32 [tilespmem:s6], [sflag:$0x1], $0x80, s1, s7, $0xb8;
	[tilespmem:$0x19000] =	vst v63  }
0xf2: {  	_ =	swait.ge [sflag:s5], $0x4000  }
0xf3: {  	[sflag:s5] =	ssyncset.done $0x0  }
0xf4: {  	s1 =	rddreg [dreg:$0xa];
	[sflag:s5] =	ssyncadd.s32 $0xFFFFC000  }
0xf5: {  	[spmem:s2] =	stream.indirect.scatter.add.f32 [tilespmem:s6], [sflag:$0x1], $0x80, s1, s7, $0xb8;
	[tilespmem:$0x19000] =	vst v63  }
0xf6: {  	_ =	swait.ge [sflag:s5], $0x4000  }
0xf7: {  	[sflag:s5] =	ssyncset.done $0x0  }
0xf8: {  	s1 =	rddreg [dreg:$0xb];
	[sflag:s5] =	ssyncadd.s32 $0xFFFFC000  }
0xf9: {  	[spmem:s2] =	stream.indirect.scatter.add.f32 [tilespmem:s6], [sflag:$0x1], $0x80, s1, s7, $0xb8;
	[tilespmem:$0x19000] =	vst v63  }
0xfa: {  	_ =	swait.ge [sflag:s5], $0x4000  }
0xfb: {  	[sflag:s5] =	ssyncset.done $0x0  }
0xfc: {  	s1 =	rddreg [dreg:$0xc];
	[sflag:s5] =	ssyncadd.s32 $0xFFFFC000  }
0xfd: {  	[spmem:s2] =	stream.indirect.scatter.add.f32 [tilespmem:s6], [sflag:$0x1], $0x80, s1, s7, $0xb8;
	[tilespmem:$0x19000] =	vst v63  }
0xfe: {  	_ =	swait.ge [sflag:s5], $0x4000  }
0xff: {  	[sflag:s5] =	ssyncset.done $0x0  }
0x100: {  	s1 =	rddreg [dreg:$0xd];
	[sflag:s5] =	ssyncadd.s32 $0xFFFFC000  }
0x101: {  	[spmem:s2] =	stream.indirect.scatter.add.f32 [tilespmem:s6], [sflag:$0x1], $0x80, s1, s7, $0xb8;
	[tilespmem:$0x19000] =	vst v63  }
0x102: {  	_ =	swait.ge [sflag:s5], $0x4000  }
0x103: {  	[sflag:s5] =	ssyncset.done $0x0  }
0x104: {  	s1 =	rddreg [dreg:$0xe];
	[sflag:s5] =	ssyncadd.s32 $0xFFFFC000  }
0x105: {  	[spmem:s2] =	stream.indirect.scatter.add.f32 [tilespmem:s6], [sflag:$0x1], $0x80, s1, s7, $0xb8;
	[tilespmem:$0x19000] =	vst v63  }
0x106: {  	_ =	swait.ge [sflag:s5], $0x4000  }
0x107: {  	[sflag:s5] =	ssyncset.done $0x0  }
0x108: {  	s1 =	rddreg [dreg:$0xf];
	[sflag:s5] =	ssyncadd.s32 $0xFFFFC000  }
0x109: {  	[spmem:s2] =	stream.indirect.scatter.add.f32 [tilespmem:s6], [sflag:$0x1], $0x80, s1, s7, $0xb8;
	[tilespmem:$0x19000] =	vst v63  }
0x10a: {  	_ =	swait.ge [sflag:s5], $0x4000  }
0x10b: {  	[sflag:s5] =	ssyncset.done $0x0  }
0x10c: {  	s1 =	rddreg [dreg:$0x10];
	[sflag:s5] =	ssyncadd.s32 $0xFFFFC000  }
0x10d: {  	[spmem:s2] =	stream.indirect.scatter.add.f32 [tilespmem:s6], [sflag:$0x1], $0x80, s1, s7, $0xb8;
	[tilespmem:$0x19000] =	vst v63  }
0x10e: {  	_ =	swait.ge [sflag:s5], $0x4000  }
0x10f: {  	[sflag:s5] =	ssyncset.done $0x0  }
0x110: {  	s1 =	rddreg [dreg:$0x11];
	[sflag:s5] =	ssyncadd.s32 $0xFFFFC000  }
0x111: {  	[spmem:s2] =	stream.indirect.scatter.add.f32 [tilespmem:s6], [sflag:$0x1], $0x80, s1, s7, $0xb8;
	[tilespmem:$0x19000] =	vst v63  }
0x112: {  	_ =	swait.ge [sflag:s5], $0x4000  }
0x113: {  	[sflag:s5] =	ssyncset.done $0x0  }
0x114: {  	s1 =	rddreg [dreg:$0x12];
	[sflag:s5] =	ssyncadd.s32 $0xFFFFC000  }
0x115: {  	[spmem:s2] =	stream.indirect.scatter.add.f32 [tilespmem:s6], [sflag:$0x1], $0x80, s1, s7, $0xb8;
	[tilespmem:$0x19000] =	vst v63  }
0x116: {  	_ =	swait.ge [sflag:s5], $0x4000  }
0x117: {  	[sflag:s5] =	ssyncset.done $0x0  }
0x118: {  	s1 =	rddreg [dreg:$0x13];
	[sflag:s5] =	ssyncadd.s32 $0xFFFFC000  }
0x119: {  	[spmem:s2] =	stream.indirect.scatter.add.f32 [tilespmem:s6], [sflag:$0x1], $0x80, s1, s7, $0xb8;
	[tilespmem:$0x19000] =	vst v63  }
0x11a: {  	_ =	swait.ge [sflag:s5], $0x4000  }
0x11b: {  	[sflag:s5] =	ssyncset.done $0x0  }
0x11c: {  	s1 =	rddreg [dreg:$0x14];
	[sflag:s5] =	ssyncadd.s32 $0xFFFFC000  }
0x11d: {  	[spmem:s2] =	stream.indirect.scatter.add.f32 [tilespmem:s6], [sflag:$0x1], $0x80, s1, s7, $0xb8;
	[tilespmem:$0x19000] =	vst v63  }
0x11e: {  	_ =	swait.ge [sflag:s5], $0x4000  }
0x11f: {  	[sflag:s5] =	ssyncset.done $0x0  }
0x120: {  	s1 =	rddreg [dreg:$0x15];
	[sflag:s5] =	ssyncadd.s32 $0xFFFFC000  }
0x121: {  	[spmem:s2] =	stream.indirect.scatter.add.f32 [tilespmem:s6], [sflag:$0x1], $0x80, s1, s7, $0xb8;
	[tilespmem:$0x19000] =	vst v63  }
0x122: {  	_ =	swait.ge [sflag:s5], $0x4000  }
0x123: {  	[sflag:s5] =	ssyncset.done $0x0  }
0x124: {  	s1 =	rddreg [dreg:$0x16];
	[sflag:s5] =	ssyncadd.s32 $0xFFFFC000  }
0x125: {  	[spmem:s2] =	stream.indirect.scatter.add.f32 [tilespmem:s6], [sflag:$0x1], $0x80, s1, s7, $0xb8;
	[tilespmem:$0x19000] =	vst v63  }
0x126: {  	_ =	swait.ge [sflag:s5], $0x4000  }
0x127: {  	[sflag:s5] =	ssyncset.done $0x0  }
0x128: {  	s1 =	rddreg [dreg:$0x17];
	[sflag:s5] =	ssyncadd.s32 $0xFFFFC000  }
0x129: {  	[spmem:s2] =	stream.indirect.scatter.add.f32 [tilespmem:s6], [sflag:$0x1], $0x80, s1, s7, $0xb8;
	[tilespmem:$0x19000] =	vst v63  }
0x12a: {  	_ =	swait.ge [sflag:s5], $0x4000  }
0x12b: {  	[sflag:s5] =	ssyncset.done $0x0  }
0x12c: {  	[sflag:s5] =	ssyncadd.s32 $0xFFFFC000  }
0x12d: {  	[spmem:s2] =	stream.indirect.scatter.add.f32 [tilespmem:s6], [sflag:$0x1], $0x80, s30, s7, $0xb8;
	[tilespmem:$0x19000] =	vst v63  }
0x12e: {  	_ =	swait.ge [sflag:s5], $0x4000  }
0x12f: {  	[sflag:s5] =	ssyncset.done $0x0  }
0x130: {  	[sflag:s5] =	ssyncadd.s32 $0xFFFFC000  }
0x131: {  	[spmem:s2] =	stream.indirect.scatter.add.f32 [tilespmem:s6], [sflag:$0x1], $0x80, s29, s7, $0xb8;
	[tilespmem:$0x19000] =	vst v63  }
0x132: {  	_ =	swait.ge [sflag:s5], $0x4000  }
0x133: {  	[sflag:s5] =	ssyncset.done $0x0  }
0x134: {  	[sflag:s5] =	ssyncadd.s32 $0xFFFFC000  }
0x135: {  	[spmem:s2] =	stream.indirect.scatter.add.f32 [tilespmem:s6], [sflag:$0x1], $0x80, s28, s7, $0xb8;
	[tilespmem:$0x19000] =	vst v63  }
0x136: {  	_ =	swait.ge [sflag:s5], $0x4000  }
0x137: {  	[sflag:s5] =	ssyncset.done $0x0  }
0x138: {  	[sflag:s5] =	ssyncadd.s32 $0xFFFFC000  }
0x139: {  	[spmem:s2] =	stream.indirect.scatter.add.f32 [tilespmem:s6], [sflag:$0x1], $0x80, s26, s7, $0xb8;
	[tilespmem:$0x19000] =	vst v63  }
0x13a: {  	_ =	swait.ge [sflag:s5], $0x4000  }
0x13b: {  	[sflag:s5] =	ssyncset.done $0x0  }
0x13c: {  	[sflag:s5] =	ssyncadd.s32 $0xFFFFC000  }
0x13d: {  	[spmem:s2] =	stream.indirect.scatter.add.f32 [tilespmem:s6], [sflag:$0x1], $0x80, s25, s7, $0xb8;
	[tilespmem:$0x19000] =	vst v63  }
0x13e: {  	_ =	swait.ge [sflag:s5], $0x4000  }
0x13f: {  	[sflag:s5] =	ssyncset.done $0x0  }
0x140: {  	[sflag:s5] =	ssyncadd.s32 $0xFFFFC000  }
0x141: {  	[spmem:s2] =	stream.indirect.scatter.add.f32 [tilespmem:s6], [sflag:$0x1], $0x80, s24, s7, $0xb8;
	[tilespmem:$0x19000] =	vst v63  }
0x142: {  	_ =	swait.ge [sflag:s5], $0x4000  }
0x143: {  	[sflag:s5] =	ssyncset.done $0x0  }
0x144: {  	[sflag:s5] =	ssyncadd.s32 $0xFFFFC000  }
0x145: {  	[spmem:s2] =	stream.indirect.scatter.add.f32 [tilespmem:s6], [sflag:$0x1], $0x80, s23, s7, $0xb8;
	[tilespmem:$0x19000] =	vst v63  }
0x146: {  	_ =	swait.ge [sflag:s5], $0x4000  }
0x147: {  	[sflag:s5] =	ssyncset.done $0x0  }
0x148: {  	[sflag:s5] =	ssyncadd.s32 $0xFFFFC000  }
0x149: {  	[spmem:s2] =	stream.indirect.scatter.add.f32 [tilespmem:s6], [sflag:$0x1], $0x80, s22, s7, $0xb8;
	[tilespmem:$0x19000] =	vst v63  }
0x14a: {  	_ =	swait.ge [sflag:s5], $0x4000  }
0x14b: {  	[sflag:s5] =	ssyncset.done $0x0  }
0x14c: {  	[sflag:s5] =	ssyncadd.s32 $0xFFFFC000  }
0x14d: {  	[spmem:s2] =	stream.indirect.scatter.add.f32 [tilespmem:s6], [sflag:$0x1], $0x80, s21, s7, $0xb8;
	[tilespmem:$0x19000] =	vst v63  }
0x14e: {  	_ =	swait.ge [sflag:s5], $0x4000  }
0x14f: {  	[sflag:s5] =	ssyncset.done $0x0  }
0x150: {  	[sflag:s5] =	ssyncadd.s32 $0xFFFFC000  }
0x151: {  	[spmem:s2] =	stream.indirect.scatter.add.f32 [tilespmem:s6], [sflag:$0x1], $0x80, s20, s7, $0xb8;
	[tilespmem:$0x19000] =	vst v63  }
0x152: {  	_ =	swait.ge [sflag:s5], $0x4000  }
0x153: {  	[sflag:s5] =	ssyncset.done $0x0  }
0x154: {  	[sflag:s5] =	ssyncadd.s32 $0xFFFFC000  }
0x155: {  	[spmem:s2] =	stream.indirect.scatter.add.f32 [tilespmem:s6], [sflag:$0x1], $0x80, s19, s7, $0xb8;
	[tilespmem:$0x19000] =	vst v63  }
0x156: {  	_ =	swait.ge [sflag:s5], $0x4000  }
0x157: {  	[sflag:s5] =	ssyncset.done $0x0  }
0x158: {  	[sflag:s5] =	ssyncadd.s32 $0xFFFFC000  }
0x159: {  	[spmem:s2] =	stream.indirect.scatter.add.f32 [tilespmem:s6], [sflag:$0x1], $0x80, s18, s7, $0xb8;
	[tilespmem:$0x19000] =	vst v63  }
0x15a: {  	_ =	swait.ge [sflag:s5], $0x4000  }
0x15b: {  	[sflag:s5] =	ssyncset.done $0x0  }
0x15c: {  	[sflag:s5] =	ssyncadd.s32 $0xFFFFC000  }
0x15d: {  	[spmem:s2] =	stream.indirect.scatter.add.f32 [tilespmem:s6], [sflag:$0x1], $0x80, s17, s7, $0xb8;
	[tilespmem:$0x19000] =	vst v63  }
0x15e: {  	_ =	swait.ge [sflag:s5], $0x4000  }
0x15f: {  	[sflag:s5] =	ssyncset.done $0x0  }
0x160: {  	[sflag:s5] =	ssyncadd.s32 $0xFFFFC000  }
0x161: {  	[spmem:s2] =	stream.indirect.scatter.add.f32 [tilespmem:s6], [sflag:$0x1], $0x80, s16, s7, $0xb8;
	[tilespmem:$0x19000] =	vst v63  }
0x162: {  	_ =	swait.ge [sflag:s5], $0x4000  }
0x163: {  	[sflag:s5] =	ssyncset.done $0x0  }
0x164: {  	[sflag:s5] =	ssyncadd.s32 $0xFFFFC000  }
0x165: {  	[spmem:s2] =	stream.indirect.scatter.add.f32 [tilespmem:s6], [sflag:$0x1], $0x80, s15, s7, $0xb8;
	[tilespmem:$0x19000] =	vst v63  }
0x166: {  	_ =	swait.ge [sflag:s5], $0x4000  }
0x167: {  	[sflag:s5] =	ssyncset.done $0x0  }
0x168: {  	[sflag:s5] =	ssyncadd.s32 $0xFFFFC000  }
0x169: {  	[spmem:s2] =	stream.indirect.scatter.add.f32 [tilespmem:s6], [sflag:$0x1], $0x80, s13, s7, $0xb8;
	[tilespmem:$0x19000] =	vst v63  }
0x16a: {  	_ =	swait.ge [sflag:s5], $0x4000  }
0x16b: {  	[sflag:s5] =	ssyncset.done $0x0  }
0x16c: {  	[sflag:s5] =	ssyncadd.s32 $0xFFFFC000  }
0x16d: {  	[spmem:s2] =	stream.indirect.scatter.add.f32 [tilespmem:s6], [sflag:$0x1], $0x80, s14, s7, $0xb8;
	[tilespmem:$0x19000] =	vst v63  }
0x16e: {  	_ =	swait.ge [sflag:s5], $0x4000  }
0x16f: {  	[sflag:s5] =	ssyncset.done $0x0  }
0x170: {  	[sflag:s5] =	ssyncadd.s32 $0xFFFFC000  }
0x171: {  	[spmem:s2] =	stream.indirect.scatter.add.f32 [tilespmem:s6], [sflag:$0x1], $0x80, s12, s7, $0xb8;
	[tilespmem:$0x19000] =	vst v63  }
0x172: {  	_ =	swait.ge [sflag:s5], $0x4000  }
0x173: {  	[sflag:s5] =	ssyncset.done $0x0  }
0x174: {  	[sflag:s5] =	ssyncadd.s32 $0xFFFFC000  }
0x175: {  	[spmem:s2] =	stream.indirect.scatter.add.f32 [tilespmem:s6], [sflag:$0x1], $0x80, s11, s7, $0xb8;
	[tilespmem:$0x19000] =	vst v63  }
0x176: {  	_ =	swait.ge [sflag:s5], $0x4000  }
0x177: {  	[sflag:s5] =	ssyncset.done $0x0  }
0x178: {  	[sflag:s5] =	ssyncadd.s32 $0xFFFFC000  }
0x179: {  	[spmem:s2] =	stream.indirect.scatter.add.f32 [tilespmem:s6], [sflag:$0x1], $0x80, s10, s7, $0xb8;
	[tilespmem:$0x19000] =	vst v63  }
0x17a: {  	_ =	swait.ge [sflag:s5], $0x4000  }
0x17b: {  	[sflag:s5] =	ssyncset.done $0x0  }
0x17c: {  	[sflag:s5] =	ssyncadd.s32 $0xFFFFC000  }
0x17d: {  	[spmem:s2] =	stream.indirect.scatter.add.f32 [tilespmem:s6], [sflag:$0x1], $0x80, s9, s7, $0xb8;
	[tilespmem:$0x19000] =	vst v63  }
0x17e: {  	_ =	swait.ge [sflag:s5], $0x4000  }
0x17f: {  	[sflag:s5] =	ssyncset.done $0x0  }
0x180: {  	[sflag:s5] =	ssyncadd.s32 $0xFFFFC000  }
0x181: {  	[spmem:s2] =	stream.indirect.scatter.add.f32 [tilespmem:s6], [sflag:$0x1], $0x80, s8, s7, $0xb8;
	[tilespmem:$0x19000] =	vst v63  }
0x182: {  	_ =	swait.ge [sflag:s5], $0x4000  }
0x183: {  	[sflag:s5] =	ssyncset.done $0x0  }
0x184: {  	p1 =	sne.s32 s0, $0x1;
	[sflag:s5] =	ssyncadd.s32 $0xFFFFC000  }
.Ltmp2:
0x185: {  	[bflag:$0x0] =	sbarrier.arrive $0xFFFF;
	(pc) =	sbr.rel @p1 .LBB2_2-.Ltmp2, $4  }
0x186: {  	s1 =	rddreg [dreg:$0x7]  }
0x187: {  	[hbm:s1], [sflag:s3] =	dma.local [spmem:s4], $0x2780  }
0x188: {  	_ =	swait.ge [sflag:s5], $0x2780  }
0x189: {  	s0 =	sadd.s32 $0xFFFFFFFF, s0;
	s1 =	rddreg [dreg:$0x5];
	[sflag:s5] =	ssyncset.done $0x0  }
.LBB2_3:
0x18a: {  	[sflag:s5] =	ssyncadd.s32 @p0 $0xFFFFD880  }
0x18b: {  	[spmem:s4], [sflag:s3] =	dma.local [hbm:s1], $0x2780  }
0x18c: {  	_ =	swait.ge [sflag:s5], $0x2780  }
0x18d: {  	[sflag:s5] =	ssyncset.done $0x0  }
0x18e: {  	s0 =	rddreg [dreg:$0x4];
	[sflag:s5] =	ssyncadd.s32 $0xFFFFD880  }
0x18f: {  	[tilespmem:s6], [sflag:$0x1] =	stream.linear.gather [hbm4b:s0+s31], $0x4000, $0x38;
	[tilespmem:$0x19000] =	vst v63  }
0x190: {  	_ =	swait.ge [sflag:s5], $0x4000  }
0x191: {  	[sflag:s5] =	ssyncset.done $0x0  }
0x192: {  	[sflag:s5] =	ssyncadd.s32 $0xFFFFC000  }
0x193: {  	[bflag:$0x0] =	sbarrier.arrive $0xFFFF  }
0x194: {  	s1 =	rddreg [dreg:$0x6]  }
0x195: {  	[tilespmem:s31], [sflag:$0x1] =	stream.linear.gather [hbm4b:s1+s31], $0x1400, $0x38;
	[tilespmem:$0x19000] =	vst v63  }
0x196: {  	_ =	swait.ge [sflag:s5], $0x1400  }
0x197: {  	[sflag:s5] =	ssyncset.done $0x0  }
0x198: {  	[sflag:s5] =	ssyncadd.s32 $0xFFFFEC00  }
0x199: {  	[spmem:s2] =	stream.indirect.scatter.add.f32 [tilespmem:s6], [sflag:$0x1], $0x80, s31, s7, $0xb8;
	[tilespmem:$0x19000] =	vst v63  }
0x19a: {  	_ =	swait.ge [sflag:s5], $0x4000  }
0x19b: {  	[sflag:s5] =	ssyncset.done $0x0  }
0x19c: {  	[sflag:s5] =	ssyncadd.s32 $0xFFFFC000  }
0x19d: {  	[spmem:s2] =	stream.indirect.scatter.add.f32 [tilespmem:s6], [sflag:$0x1], $0x80, s7, s7, $0xb8;
	[tilespmem:$0x19000] =	vst v63  }
0x19e: {  	_ =	swait.ge [sflag:s5], $0x4000  }
0x19f: {  	[sflag:s5] =	ssyncset.done $0x0  }
0x1a0: {  	s31 =	rddreg [dreg:$0x8];
	[sflag:s5] =	ssyncadd.s32 $0xFFFFC000  }
0x1a1: {  	[spmem:s2] =	stream.indirect.scatter.add.f32 [tilespmem:s6], [sflag:$0x1], $0x80, s31, s7, $0xb8;
	[tilespmem:$0x19000] =	vst v63  }
0x1a2: {  	_ =	swait.ge [sflag:s5], $0x4000  }
0x1a3: {  	[sflag:s5] =	ssyncset.done $0x0  }
0x1a4: {  	s1 =	rddreg [dreg:$0x9];
	[sflag:s5] =	ssyncadd.s32 $0xFFFFC000  }
0x1a5: {  	[spmem:s2] =	stream.indirect.scatter.add.f32 [tilespmem:s6], [sflag:$0x1], $0x80, s1, s7, $0xb8;
	[tilespmem:$0x19000] =	vst v63  }
0x1a6: {  	_ =	swait.ge [sflag:s5], $0x4000  }
0x1a7: {  	[sflag:s5] =	ssyncset.done $0x0  }
0x1a8: {  	s31 =	rddreg [dreg:$0xa];
	[sflag:s5] =	ssyncadd.s32 $0xFFFFC000  }
0x1a9: {  	[spmem:s2] =	stream.indirect.scatter.add.f32 [tilespmem:s6], [sflag:$0x1], $0x80, s31, s7, $0xb8;
	[tilespmem:$0x19000] =	vst v63  }
0x1aa: {  	_ =	swait.ge [sflag:s5], $0x4000  }
0x1ab: {  	[sflag:s5] =	ssyncset.done $0x0  }
0x1ac: {  	s1 =	rddreg [dreg:$0xb];
	[sflag:s5] =	ssyncadd.s32 $0xFFFFC000  }
0x1ad: {  	[spmem:s2] =	stream.indirect.scatter.add.f32 [tilespmem:s6], [sflag:$0x1], $0x80, s1, s7, $0xb8;
	[tilespmem:$0x19000] =	vst v63  }
0x1ae: {  	_ =	swait.ge [sflag:s5], $0x4000  }
0x1af: {  	[sflag:s5] =	ssyncset.done $0x0  }
0x1b0: {  	s31 =	rddreg [dreg:$0xc];
	[sflag:s5] =	ssyncadd.s32 $0xFFFFC000  }
0x1b1: {  	[spmem:s2] =	stream.indirect.scatter.add.f32 [tilespmem:s6], [sflag:$0x1], $0x80, s31, s7, $0xb8;
	[tilespmem:$0x19000] =	vst v63  }
0x1b2: {  	_ =	swait.ge [sflag:s5], $0x4000  }
0x1b3: {  	[sflag:s5] =	ssyncset.done $0x0  }
0x1b4: {  	s1 =	rddreg [dreg:$0xd];
	[sflag:s5] =	ssyncadd.s32 $0xFFFFC000  }
0x1b5: {  	[spmem:s2] =	stream.indirect.scatter.add.f32 [tilespmem:s6], [sflag:$0x1], $0x80, s1, s7, $0xb8;
	[tilespmem:$0x19000] =	vst v63  }
0x1b6: {  	_ =	swait.ge [sflag:s5], $0x4000  }
0x1b7: {  	[sflag:s5] =	ssyncset.done $0x0  }
0x1b8: {  	s31 =	rddreg [dreg:$0xe];
	[sflag:s5] =	ssyncadd.s32 $0xFFFFC000  }
0x1b9: {  	[spmem:s2] =	stream.indirect.scatter.add.f32 [tilespmem:s6], [sflag:$0x1], $0x80, s31, s7, $0xb8;
	[tilespmem:$0x19000] =	vst v63  }
0x1ba: {  	_ =	swait.ge [sflag:s5], $0x4000  }
0x1bb: {  	[sflag:s5] =	ssyncset.done $0x0  }
0x1bc: {  	s1 =	rddreg [dreg:$0xf];
	[sflag:s5] =	ssyncadd.s32 $0xFFFFC000  }
0x1bd: {  	[spmem:s2] =	stream.indirect.scatter.add.f32 [tilespmem:s6], [sflag:$0x1], $0x80, s1, s7, $0xb8;
	[tilespmem:$0x19000] =	vst v63  }
0x1be: {  	_ =	swait.ge [sflag:s5], $0x4000  }
0x1bf: {  	[sflag:s5] =	ssyncset.done $0x0  }
0x1c0: {  	s31 =	rddreg [dreg:$0x10];
	[sflag:s5] =	ssyncadd.s32 $0xFFFFC000  }
0x1c1: {  	[spmem:s2] =	stream.indirect.scatter.add.f32 [tilespmem:s6], [sflag:$0x1], $0x80, s31, s7, $0xb8;
	[tilespmem:$0x19000] =	vst v63  }
0x1c2: {  	_ =	swait.ge [sflag:s5], $0x4000  }
0x1c3: {  	[sflag:s5] =	ssyncset.done $0x0  }
0x1c4: {  	s1 =	rddreg [dreg:$0x11];
	[sflag:s5] =	ssyncadd.s32 $0xFFFFC000  }
0x1c5: {  	[spmem:s2] =	stream.indirect.scatter.add.f32 [tilespmem:s6], [sflag:$0x1], $0x80, s1, s7, $0xb8;
	[tilespmem:$0x19000] =	vst v63  }
0x1c6: {  	_ =	swait.ge [sflag:s5], $0x4000  }
0x1c7: {  	[sflag:s5] =	ssyncset.done $0x0  }
0x1c8: {  	s31 =	rddreg [dreg:$0x12];
	[sflag:s5] =	ssyncadd.s32 $0xFFFFC000  }
0x1c9: {  	[spmem:s2] =	stream.indirect.scatter.add.f32 [tilespmem:s6], [sflag:$0x1], $0x80, s31, s7, $0xb8;
	[tilespmem:$0x19000] =	vst v63  }
0x1ca: {  	_ =	swait.ge [sflag:s5], $0x4000  }
0x1cb: {  	[sflag:s5] =	ssyncset.done $0x0  }
0x1cc: {  	s1 =	rddreg [dreg:$0x13];
	[sflag:s5] =	ssyncadd.s32 $0xFFFFC000  }
0x1cd: {  	[spmem:s2] =	stream.indirect.scatter.add.f32 [tilespmem:s6], [sflag:$0x1], $0x80, s1, s7, $0xb8;
	[tilespmem:$0x19000] =	vst v63  }
0x1ce: {  	_ =	swait.ge [sflag:s5], $0x4000  }
0x1cf: {  	[sflag:s5] =	ssyncset.done $0x0  }
0x1d0: {  	s31 =	rddreg [dreg:$0x14];
	[sflag:s5] =	ssyncadd.s32 $0xFFFFC000  }
0x1d1: {  	[spmem:s2] =	stream.indirect.scatter.add.f32 [tilespmem:s6], [sflag:$0x1], $0x80, s31, s7, $0xb8;
	[tilespmem:$0x19000] =	vst v63  }
0x1d2: {  	_ =	swait.ge [sflag:s5], $0x4000  }
0x1d3: {  	[sflag:s5] =	ssyncset.done $0x0  }
0x1d4: {  	s1 =	rddreg [dreg:$0x15];
	[sflag:s5] =	ssyncadd.s32 $0xFFFFC000  }
0x1d5: {  	[spmem:s2] =	stream.indirect.scatter.add.f32 [tilespmem:s6], [sflag:$0x1], $0x80, s1, s7, $0xb8;
	[tilespmem:$0x19000] =	vst v63  }
0x1d6: {  	_ =	swait.ge [sflag:s5], $0x4000  }
0x1d7: {  	[sflag:s5] =	ssyncset.done $0x0  }
0x1d8: {  	s31 =	rddreg [dreg:$0x16];
	[sflag:s5] =	ssyncadd.s32 $0xFFFFC000  }
0x1d9: {  	[spmem:s2] =	stream.indirect.scatter.add.f32 [tilespmem:s6], [sflag:$0x1], $0x80, s31, s7, $0xb8;
	[tilespmem:$0x19000] =	vst v63  }
0x1da: {  	_ =	swait.ge [sflag:s5], $0x4000  }
0x1db: {  	[sflag:s5] =	ssyncset.done $0x0  }
0x1dc: {  	s1 =	rddreg [dreg:$0x17];
	[sflag:s5] =	ssyncadd.s32 $0xFFFFC000  }
0x1dd: {  	[spmem:s2] =	stream.indirect.scatter.add.f32 [tilespmem:s6], [sflag:$0x1], $0x80, s1, s7, $0xb8;
	[tilespmem:$0x19000] =	vst v63  }
0x1de: {  	_ =	swait.ge [sflag:s5], $0x4000  }
0x1df: {  	[sflag:s5] =	ssyncset.done $0x0  }
0x1e0: {  	[sflag:s5] =	ssyncadd.s32 $0xFFFFC000  }
0x1e1: {  	[spmem:s2] =	stream.indirect.scatter.add.f32 [tilespmem:s6], [sflag:$0x1], $0x80, s30, s7, $0xb8;
	[tilespmem:$0x19000] =	vst v63  }
0x1e2: {  	_ =	swait.ge [sflag:s5], $0x4000  }
0x1e3: {  	[sflag:s5] =	ssyncset.done $0x0  }
0x1e4: {  	[sflag:s5] =	ssyncadd.s32 $0xFFFFC000  }
0x1e5: {  	[spmem:s2] =	stream.indirect.scatter.add.f32 [tilespmem:s6], [sflag:$0x1], $0x80, s29, s7, $0xb8;
	[tilespmem:$0x19000] =	vst v63  }
0x1e6: {  	_ =	swait.ge [sflag:s5], $0x4000  }
0x1e7: {  	[sflag:s5] =	ssyncset.done $0x0  }
0x1e8: {  	[sflag:s5] =	ssyncadd.s32 $0xFFFFC000  }
0x1e9: {  	[spmem:s2] =	stream.indirect.scatter.add.f32 [tilespmem:s6], [sflag:$0x1], $0x80, s28, s7, $0xb8;
	[tilespmem:$0x19000] =	vst v63  }
0x1ea: {  	_ =	swait.ge [sflag:s5], $0x4000  }
0x1eb: {  	[sflag:s5] =	ssyncset.done $0x0  }
0x1ec: {  	[sflag:s5] =	ssyncadd.s32 $0xFFFFC000  }
0x1ed: {  	[spmem:s2] =	stream.indirect.scatter.add.f32 [tilespmem:s6], [sflag:$0x1], $0x80, s26, s7, $0xb8;
	[tilespmem:$0x19000] =	vst v63  }
0x1ee: {  	_ =	swait.ge [sflag:s5], $0x4000  }
0x1ef: {  	[sflag:s5] =	ssyncset.done $0x0  }
0x1f0: {  	[sflag:s5] =	ssyncadd.s32 $0xFFFFC000  }
0x1f1: {  	[spmem:s2] =	stream.indirect.scatter.add.f32 [tilespmem:s6], [sflag:$0x1], $0x80, s25, s7, $0xb8;
	[tilespmem:$0x19000] =	vst v63  }
0x1f2: {  	_ =	swait.ge [sflag:s5], $0x4000  }
0x1f3: {  	[sflag:s5] =	ssyncset.done $0x0  }
0x1f4: {  	[sflag:s5] =	ssyncadd.s32 $0xFFFFC000  }
0x1f5: {  	[spmem:s2] =	stream.indirect.scatter.add.f32 [tilespmem:s6], [sflag:$0x1], $0x80, s24, s7, $0xb8;
	[tilespmem:$0x19000] =	vst v63  }
0x1f6: {  	_ =	swait.ge [sflag:s5], $0x4000  }
0x1f7: {  	[sflag:s5] =	ssyncset.done $0x0  }
0x1f8: {  	[sflag:s5] =	ssyncadd.s32 $0xFFFFC000  }
0x1f9: {  	[spmem:s2] =	stream.indirect.scatter.add.f32 [tilespmem:s6], [sflag:$0x1], $0x80, s23, s7, $0xb8;
	[tilespmem:$0x19000] =	vst v63  }
0x1fa: {  	_ =	swait.ge [sflag:s5], $0x4000  }
0x1fb: {  	[sflag:s5] =	ssyncset.done $0x0  }
0x1fc: {  	[sflag:s5] =	ssyncadd.s32 $0xFFFFC000  }
0x1fd: {  	[spmem:s2] =	stream.indirect.scatter.add.f32 [tilespmem:s6], [sflag:$0x1], $0x80, s22, s7, $0xb8;
	[tilespmem:$0x19000] =	vst v63  }
0x1fe: {  	_ =	swait.ge [sflag:s5], $0x4000  }
0x1ff: {  	[sflag:s5] =	ssyncset.done $0x0  }
0x200: {  	[sflag:s5] =	ssyncadd.s32 $0xFFFFC000  }
0x201: {  	[spmem:s2] =	stream.indirect.scatter.add.f32 [tilespmem:s6], [sflag:$0x1], $0x80, s21, s7, $0xb8;
	[tilespmem:$0x19000] =	vst v63  }
0x202: {  	_ =	swait.ge [sflag:s5], $0x4000  }
0x203: {  	[sflag:s5] =	ssyncset.done $0x0  }
0x204: {  	[sflag:s5] =	ssyncadd.s32 $0xFFFFC000  }
0x205: {  	[spmem:s2] =	stream.indirect.scatter.add.f32 [tilespmem:s6], [sflag:$0x1], $0x80, s20, s7, $0xb8;
	[tilespmem:$0x19000] =	vst v63  }
0x206: {  	_ =	swait.ge [sflag:s5], $0x4000  }
0x207: {  	[sflag:s5] =	ssyncset.done $0x0  }
0x208: {  	[sflag:s5] =	ssyncadd.s32 $0xFFFFC000  }
0x209: {  	[spmem:s2] =	stream.indirect.scatter.add.f32 [tilespmem:s6], [sflag:$0x1], $0x80, s19, s7, $0xb8;
	[tilespmem:$0x19000] =	vst v63  }
0x20a: {  	_ =	swait.ge [sflag:s5], $0x4000  }
0x20b: {  	[sflag:s5] =	ssyncset.done $0x0  }
0x20c: {  	[sflag:s5] =	ssyncadd.s32 $0xFFFFC000  }
0x20d: {  	[spmem:s2] =	stream.indirect.scatter.add.f32 [tilespmem:s6], [sflag:$0x1], $0x80, s18, s7, $0xb8;
	[tilespmem:$0x19000] =	vst v63  }
0x20e: {  	_ =	swait.ge [sflag:s5], $0x4000  }
0x20f: {  	[sflag:s5] =	ssyncset.done $0x0  }
0x210: {  	[sflag:s5] =	ssyncadd.s32 $0xFFFFC000  }
0x211: {  	[spmem:s2] =	stream.indirect.scatter.add.f32 [tilespmem:s6], [sflag:$0x1], $0x80, s17, s7, $0xb8;
	[tilespmem:$0x19000] =	vst v63  }
0x212: {  	_ =	swait.ge [sflag:s5], $0x4000  }
0x213: {  	[sflag:s5] =	ssyncset.done $0x0  }
0x214: {  	[sflag:s5] =	ssyncadd.s32 $0xFFFFC000  }
0x215: {  	[spmem:s2] =	stream.indirect.scatter.add.f32 [tilespmem:s6], [sflag:$0x1], $0x80, s16, s7, $0xb8;
	[tilespmem:$0x19000] =	vst v63  }
0x216: {  	_ =	swait.ge [sflag:s5], $0x4000  }
0x217: {  	[sflag:s5] =	ssyncset.done $0x0  }
0x218: {  	[sflag:s5] =	ssyncadd.s32 $0xFFFFC000  }
0x219: {  	[spmem:s2] =	stream.indirect.scatter.add.f32 [tilespmem:s6], [sflag:$0x1], $0x80, s15, s7, $0xb8;
	[tilespmem:$0x19000] =	vst v63  }
0x21a: {  	_ =	swait.ge [sflag:s5], $0x4000  }
0x21b: {  	[sflag:s5] =	ssyncset.done $0x0  }
0x21c: {  	[sflag:s5] =	ssyncadd.s32 $0xFFFFC000  }
0x21d: {  	[spmem:s2] =	stream.indirect.scatter.add.f32 [tilespmem:s6], [sflag:$0x1], $0x80, s13, s7, $0xb8;
	[tilespmem:$0x19000] =	vst v63  }
0x21e: {  	_ =	swait.ge [sflag:s5], $0x4000  }
0x21f: {  	[sflag:s5] =	ssyncset.done $0x0  }
0x220: {  	[sflag:s5] =	ssyncadd.s32 $0xFFFFC000  }
0x221: {  	[spmem:s2] =	stream.indirect.scatter.add.f32 [tilespmem:s6], [sflag:$0x1], $0x80, s14, s7, $0xb8;
	[tilespmem:$0x19000] =	vst v63  }
0x222: {  	_ =	swait.ge [sflag:s5], $0x4000  }
0x223: {  	[sflag:s5] =	ssyncset.done $0x0  }
0x224: {  	[sflag:s5] =	ssyncadd.s32 $0xFFFFC000  }
0x225: {  	[spmem:s2] =	stream.indirect.scatter.add.f32 [tilespmem:s6], [sflag:$0x1], $0x80, s12, s7, $0xb8;
	[tilespmem:$0x19000] =	vst v63  }
0x226: {  	_ =	swait.ge [sflag:s5], $0x4000  }
0x227: {  	[sflag:s5] =	ssyncset.done $0x0  }
0x228: {  	[sflag:s5] =	ssyncadd.s32 $0xFFFFC000  }
0x229: {  	[spmem:s2] =	stream.indirect.scatter.add.f32 [tilespmem:s6], [sflag:$0x1], $0x80, s11, s7, $0xb8;
	[tilespmem:$0x19000] =	vst v63  }
0x22a: {  	_ =	swait.ge [sflag:s5], $0x4000  }
0x22b: {  	[sflag:s5] =	ssyncset.done $0x0  }
0x22c: {  	[sflag:s5] =	ssyncadd.s32 $0xFFFFC000  }
0x22d: {  	[spmem:s2] =	stream.indirect.scatter.add.f32 [tilespmem:s6], [sflag:$0x1], $0x80, s10, s7, $0xb8;
	[tilespmem:$0x19000] =	vst v63  }
0x22e: {  	_ =	swait.ge [sflag:s5], $0x4000  }
0x22f: {  	[sflag:s5] =	ssyncset.done $0x0  }
0x230: {  	[sflag:s5] =	ssyncadd.s32 $0xFFFFC000  }
0x231: {  	[spmem:s2] =	stream.indirect.scatter.add.f32 [tilespmem:s6], [sflag:$0x1], $0x80, s9, s7, $0xb8;
	[tilespmem:$0x19000] =	vst v63  }
0x232: {  	_ =	swait.ge [sflag:s5], $0x4000  }
0x233: {  	[sflag:s5] =	ssyncset.done $0x0  }
0x234: {  	[sflag:s5] =	ssyncadd.s32 $0xFFFFC000  }
0x235: {  	[spmem:s2] =	stream.indirect.scatter.add.f32 [tilespmem:s6], [sflag:$0x1], $0x80, s8, s7, $0xb8;
	[tilespmem:$0x19000] =	vst v63  }
0x236: {  	_ =	swait.ge [sflag:s5], $0x4000  }
0x237: {  	[sflag:s5] =	ssyncset.done $0x0  }
0x238: {  	[sflag:s5] =	ssyncadd.s32 $0xFFFFC000  }
0x239: {  	[bflag:$0x0] =	sbarrier.arrive $0xFFFF  }
0x23a: {  	s30 =	rddreg [dreg:$0x7]  }
0x23b: {  	[hbm:s30], [sflag:s3] =	dma.local [spmem:s4], $0x2780  }
0x23c: {  	_ =	swait.ge [sflag:s5], $0x2780  }
0x23d: {  	[sflag:s5] =	ssyncset.done $0x0  }
0x23e: {  	[sflag:s5] =	ssyncadd.s32 $0xFFFFD880  }
0x23f: {  	_ =	sfence.sel $0x180000  }
0x240: {  	[bflag:$0x0] =	sbarrier.arrive $0xFFFF  }
0x241: {  	_ =	strace $0x90000047  }
0x242: {  	s31 =	stileid.u32;
	[bflag:$0x2] =	sbarrier.arrive $0xFFFF  }
0x243: {  	p0 =	sne.s32 s31, $0x0;
	s0 =	rddreg [dreg:$0x3]  }
0x244: {  	s0 =	sadd.s32 @!p0 $0x100000, s0  }
0x245: {  	[sflag:s0] =	ssyncadd.tile.s32 @!p0 $0x1;
	_ =	shalt  }
.Lfunc_end2:
_tile_overlayer_lowered:
.L_overlay_start_2:
0x246: {  	(tag) =	ssettag $0x2  }
0x247: {  	s0 =	rddreg [dreg:$0x0];
	s2 =	stileid.u32  }
0x248: {  	s1 =	rddreg [dreg:$0x1];
	p0 =	sne.s32 s2, $0x0  }
0x249: {  	s3 =	rddreg [dreg:$0x2];
	[bflag:$0x3] =	sbarrier.arrive $0xFFFF;
	s2 =	simm.s32 @!p0 $0x1C01  }
0x24a: {  	[timem:s3], [sflag:s2] =	dma.local @!p0 [hbm:s0], s1  }
0x24b: {  	s0 =	simm.s32 @!p0 $0x1  }
0x24c: {  	_ =	swait.ge @!p0 [sflag:s0], s1  }
0x24d: {  	s1 =	ssub.s32 @!p0 $0x0, s1;
	[sflag:s0] =	ssyncset.done @!p0 $0x0  }
0x24e: {  	[sflag:s0] =	ssyncadd.s32 @!p0 s1  }
0x24f: {  	[bflag:$0x3] =	sbarrier.arrive $0xFFFF  }
0x250: {  	_ =	shalt  }

// kernel: kernel.9.cloned.1.call-start
scs
__scs_entry_jumppad:
0x0: {  	(pc) =	sbr.rel $0x88, $3  }
0x1: {  	(tag) =	ssettag $0x0;
	lr =	simm.s32 $0x1  }
0x2: {  	[smem:$0x3F99] =	sst lr;
	_ =	strace $0xD0000000  }
0x3: {  	_ = 	snop  }
0x4: {  	_ = 	snop  }
0x5: {  	_ = 	snop  }
0x6: {  	_ = 	snop  }
0x7: {  	_ = 	snop  }
__scs_overlays_trampoline_lowered:
0x8: {  	[smem:$0x3FA8] =	sst s0  }
0x9: {  	[smem:$0x3FA9] =	sst s1  }
0xa: {  	[smem:$0x3FAA] =	sst s2  }
0xb: {  	[smem:$0x3FAB] =	sst s3  }
0xc: {  	[smem:$0x3FAC] =	sst s4  }
0xd: {  	[smem:$0x3FAD] =	sst s5  }
0xe: {  	[smem:$0x3FAE] =	sst s6  }
0xf: {  	[smem:$0x3FAF] =	sst s7  }
0x10: {  	[smem:$0x3FB0] =	sst s8  }
0x11: {  	[smem:$0x3FB1] =	sst s9;
	s0 =	simm.s32 @!p0 $0x0  }
0x12: {  	s1 =	sld [smem:$0x3F97];
	s0 =	simm.s32 @p0 $0x1  }
0x13: {  	[smem:$0x3FB2] =	sst s0;
	s0 =	simm.s32 @!p1 $0x0  }
0x14: {  	s2 =	sld [smem:$0x3F96];
	s0 =	simm.s32 @p1 $0x1  }
0x15: {  	[smem:$0x3FB3] =	sst s0;
	s0 =	simm.s32 @!p2 $0x0  }
0x16: {  	s3 =	sld [smem:$0x3FDB];
	s0 =	simm.s32 @p2 $0x1  }
0x17: {  	s4 =	simm.s32 $0x1BF5;
	[smem:$0x3FB5] =	sst s0  }
0x18: {  	s0 =	sld [smem:$0x3F98];
	_ =	swait.ge [sflag:s4], $0x0  }
0x19: {  	s7 =	sld [smem:$0x3F99]  }
0x1a: {  	s8 =	sadd.s32 $0xFFFFE003, lr  }
0x1b: {  	s9 =	sadd.s32 $0xFFFFFEF7, lr;
	s5 =	simm.s32 $0xFFFFFFFF;
	p2 =	slt.u32 s8, $0xFFFFF086  }
0x1c: {  	p1 =	slt.u32 s9, $0xF7A;
	s5 =	simm.s32 @!p2 $0x0  }
0x1d: {  	s5 =	simm.s32 @p1 $0x1;
	p0 =	seq.s32 s7, s2  }
0x1e: {  	s7 =	smul.u32 @!p0 $0xF7A, s2;
	p2 =	seq.s32 @!p0 s5, $0x0  }
0x1f: {  	s9 =	smul.u32 $0xF7A, s1;
	s8 =	simm.s32 @!p0 $0x1BF5;
	p2 =	por !p2, p0  }
0x20: {  	[sflag:s8] =	ssyncset.s32 @!p0 $0xFFFFF086;
	s6 =	sadd.s32 @!p0 s3, s7;
	s7 =	simm.s32 @!p0 $0x108  }
0x21: {  	s3 =	sadd.s32 s3, s9;
	s6 =	sadd.s32 @!p0 $0x88, s6;
	s7 =	simm.s32 @p2 $0x1082  }
0x22: {  	[simem:s7], [sflag:s8] =	dma.local @!p0 [hbm:s6], $0xF7A  }
0x23: {  	s9 =	sor.u32 $0xD0000000, s2;
	s6 =	simm.s32 $0x108;
	_ =	swait.ge @!p0 [sflag:s8], $0x0  }
0x24: {  	s3 =	sadd.s32 $0x88, s3;
	s6 =	simm.s32 @!p1 $0x1082;
	[sflag:s4] =	ssyncset.s32 $0xFFFFF086  }
0x25: {  	[simem:s6], [sflag:s4] =	dma.local [hbm:s3], $0xF7A  }
0x26: {  	[smem:$0x3F99] =	sst s1;
	(tag) =	ssettag s2;
	_ =	strace s9  }
0x27: {  	s1 =	sld [smem:$0x3FA9]  }
0x28: {  	s2 =	sld [smem:$0x3FAA]  }
0x29: {  	s4 =	sld [smem:$0x3FAC]  }
0x2a: {  	p0 =	seq.s32 s5, $0x0;
	s5 =	sld [smem:$0x3FAD]  }
0x2b: {  	s6 =	sld [smem:$0x3FAE]  }
0x2c: {  	s7 =	sld [smem:$0x3FAF]  }
0x2d: {  	s3 =	simm.s32 $0x108;
	s8 =	sld [smem:$0x3FB0]  }
0x2e: {  	s3 =	simm.s32 @!p0 $0x1082;
	s9 =	sld [smem:$0x3FB1]  }
0x2f: {  	lr =	sadd.s32 s0, s3;
	s0 =	sld [smem:$0x3FA8]  }
0x30: {  	s3 =	sld [smem:$0x3FAB]  }
0x31: {  	[smem:$0x3FB4] =	sst s10  }
0x32: {  	s10 =	sld [smem:$0x3FB2];
	_ =	sdelay $0x3  }
0x33: {  	p0 =	seq.s32 s10, $0x1;
	s10 =	sld [smem:$0x3FB4];
	_ =	sdelay $0x3  }
0x34: {  	[smem:$0x3FB4] =	sst s10  }
0x35: {  	s10 =	sld [smem:$0x3FB3];
	_ =	sdelay $0x3  }
0x36: {  	p1 =	seq.s32 s10, $0x1;
	s10 =	sld [smem:$0x3FB4];
	_ =	sdelay $0x3  }
0x37: {  	[smem:$0x3FB4] =	sst s10  }
0x38: {  	s10 =	sld [smem:$0x3FB5]  }
0x39: {  	_ = 	snop;
	(pc) =	sbr.ind lr, $3  }
0x3a: {  	_ = 	snop  }
0x3b: {  	_ = 	snop  }
0x3c: {  	p2 =	seq.s32 s10, $0x1;
	s10 =	sld [smem:$0x3FB4]  }
0x3d: {  	_ =	shalt  }
0x3e: {  	_ =	shalt  }
0x3f: {  	_ =	shalt  }
0x40: {  	_ =	shalt  }
0x41: {  	_ =	shalt  }
0x42: {  	_ =	shalt  }
0x43: {  	_ =	shalt  }
0x44: {  	_ =	shalt  }
0x45: {  	_ =	shalt  }
0x46: {  	_ =	shalt  }
0x47: {  	_ =	shalt  }
0x48: {  	_ =	shalt  }
0x49: {  	_ =	shalt  }
0x4a: {  	_ =	shalt  }
0x4b: {  	_ =	shalt  }
0x4c: {  	_ =	shalt  }
0x4d: {  	_ =	shalt  }
0x4e: {  	_ =	shalt  }
0x4f: {  	_ =	shalt  }
0x50: {  	_ =	shalt  }
0x51: {  	_ =	shalt  }
0x52: {  	_ =	shalt  }
0x53: {  	_ =	shalt  }
0x54: {  	_ =	shalt  }
0x55: {  	_ =	shalt  }
0x56: {  	_ =	shalt  }
0x57: {  	_ =	shalt  }
0x58: {  	_ =	shalt  }
0x59: {  	_ =	shalt  }
0x5a: {  	_ =	shalt  }
0x5b: {  	_ =	shalt  }
0x5c: {  	_ =	shalt  }
0x5d: {  	_ =	shalt  }
0x5e: {  	_ =	shalt  }
0x5f: {  	_ =	shalt  }
0x60: {  	_ =	shalt  }
0x61: {  	_ =	shalt  }
0x62: {  	_ =	shalt  }
0x63: {  	_ =	shalt  }
0x64: {  	_ =	shalt  }
0x65: {  	_ =	shalt  }
0x66: {  	_ =	shalt  }
0x67: {  	_ =	shalt  }
0x68: {  	_ =	shalt  }
0x69: {  	_ =	shalt  }
0x6a: {  	_ =	shalt  }
0x6b: {  	_ =	shalt  }
0x6c: {  	_ =	shalt  }
0x6d: {  	_ =	shalt  }
0x6e: {  	_ =	shalt  }
0x6f: {  	_ =	shalt  }
0x70: {  	_ =	shalt  }
0x71: {  	_ =	shalt  }
0x72: {  	_ =	shalt  }
0x73: {  	_ =	shalt  }
0x74: {  	_ =	shalt  }
0x75: {  	_ =	shalt  }
0x76: {  	_ =	shalt  }
0x77: {  	_ =	shalt  }
0x78: {  	_ =	shalt  }
0x79: {  	_ =	shalt  }
0x7a: {  	_ =	shalt  }
0x7b: {  	_ =	shalt  }
0x7c: {  	_ =	shalt  }
0x7d: {  	_ =	shalt  }
0x7e: {  	_ =	shalt  }
0x7f: {  	_ =	shalt  }
0x80: {  	_ =	shalt  }
0x81: {  	_ =	shalt  }
0x82: {  	_ =	shalt  }
0x83: {  	_ =	shalt  }
0x84: {  	_ =	shalt  }
0x85: {  	_ =	shalt  }
0x86: {  	_ =	shalt  }
0x87: {  	_ =	shalt  }
.Lfunc_end0:
.L_simem_size_0:
called_computation.1_lowered:
.L_overlay_start_0:
0x88: {  	s2 =	sld [smem:$0x3FD9]  }
0x89: {  	s3 =	sld [smem:$0x3FFE];
	_ =	sdelay $0x1  }
0x8a: {  	s1 =	srdreg.scid  }
0x8b: {  	s0 =	sand.u32 $0x1, s1  }
0x8c: {  	s14 =	sshll.u32 s0, $0xA;
	s2 =	sadd.s32 s3, s2  }
0x8d: {  	s2 =	sadd.s32 s2, s14  }
0x8e: {  	[smem:$0x3FC0] =	sst s2  }
0x8f: {  	_ = 	snop  }
0x90: {  	s2 =	sld [smem:$0x3FD0];
	_ =	sdelay $0x2  }
0x91: {  	s15 =	simm.s32 $0xA;
	s4 =	simm.s32 $0x10  }
0x92: {  	[smem:s4], [sflag:s15] =	dma.local [hbm:s2], $0x1  }
0x93: {  	_ =	swait.eq [sflag:s15], $0x1  }
0x94: {  	[sflag:s15] =	ssyncset.done $0x0  }
0x95: {  	s16 =	sld [smem:$0x10];
	[sflag:s15] =	ssyncadd.s32 $0xFFFFFFFF  }
0x96: {  	s17 =	sld [smem:$0x11];
	(tm) =	ssettm $0x1  }
0x97: {  	s18 =	sld [smem:$0x3FFB];
	_ =	sdelay $0x3  }
0x98: {  	_ =	strace s18  }
0x99: {  	s4 =	sld [smem:$0x3FFC];
	_ =	sdelay $0x3  }
0x9a: {  	_ =	strace s4  }
0x9b: {  	s4 =	sld [smem:$0x3FFD];
	_ =	sdelay $0x3  }
0x9c: {  	_ =	strace s4  }
0x9d: {  	_ =	strace $0x8FFFFFFF  }
0x9e: {  	s19 =	sld [smem:$0x3FDB];
	_ =	sdelay $0x1  }
0x9f: {  	s5 =	simm.s32 $_scs_section_size  }
0xa0: {  	s6 =	simm.s32 $_size__tile_overlayer_lowered;
	s7 =	simm.s32 $_tile_overlayer_lowered  }
0xa1: {  	s22 =	simm.s32 $0x1BFF;
	s21 =	sshll.u32 s7, $0x1;
	s4 =	sadd.s32 s5, s19  }
0xa2: {  	s8 =	simm.s32 $0x0;
	s20 =	sshll.u32 s6, $0x1;
	s6 =	sadd.s32 s21, s4  }
0xa3: {  	[timem:s8], [sflag:s22] =	dma.local [hbm:s6], s20  }
0xa4: {  	_ =	swait.ge [sflag:s22], s20  }
0xa5: {  	s5 =	ssub.s32 $0x0, s20;
	[sflag:s22] =	ssyncset.done $0x0  }
0xa6: {  	[sflag:s22] =	ssyncadd.s32 s5;
	_ =	sdelay $0x1  }
0xa7: {  	s23 =	simm.s32 $0x1B8B  }
0xa8: {  	_ =	swait.ge [sflag:s23], $0x1  }
0xa9: {  	[sflag:s23] =	ssyncset.done $0x0  }
0xaa: {  	s25 =	simm.s32 $0x1B8E;
	s24 =	sld [smem:$0x3FFE];
	[sflag:s23] =	ssyncadd.s32 $0xFFFFFFFF  }
0xab: {  	s26 =	simm.s32 $execute0_lowered;
	[smem:$0x3FD2] =	sst s25  }
0xac: {  	s6 =	sshll.u32 s26, $0x1;
	_ =	strace $0x80000049;
	[dreg:$0x1] =	wrdreg $0xFFFFFFFF  }
0xad: {  	s28 =	simm.s32 $_size_execute0_lowered;
	s4 =	sadd.s32 s4, s6;
	[dreg:$0x0] =	wrdreg $0x0  }
0xae: {  	s6 =	sshll.u32 s28, $0x1;
	[dreg:$0x2] =	wrdreg s4  }
0xaf: {  	[dreg:$0x3] =	wrdreg s6  }
0xb0: {  	[dreg:$0x4] =	wrdreg $0xC0  }
0xb1: {  	_ =	task [dreg:s8], $0x5FFFF  }
0xb2: {  	[dreg:$0x1] =	wrdreg $0xFFFFFFFF  }
0xb3: {  	[dreg:$0x0] =	wrdreg $0x60  }
0xb4: {  	[dreg:$0x2] =	wrdreg s17  }
0xb5: {  	[dreg:$0x3] =	wrdreg s16  }
0xb6: {  	[dreg:$0x4] =	wrdreg s24  }
0xb7: {  	[dreg:$0x5] =	wrdreg $0xA8000  }
0xb8: {  	[dreg:$0x6] =	wrdreg $0x9  }
0xb9: {  	_ =	task.clear_ibuf [dreg:s8], $0x7FFFF;
	_ =	strace $0x90000049  }
0xba: {  	s29 =	simm.s32 $0x9;
	_ =	strace $0x8000004B  }
0xbb: {  	_ =	swait.ge [sflag:s29], $0x1  }
0xbc: {  	[sflag:s29] =	ssyncadd.s32 $0xFFFFFFFF  }
0xbd: {  	_ =	strace $0x9000004B  }
0xbe: {  	_ =	sfence  }
0xbf: {  	s30 =	sld [smem:$0x0];
	_ =	sdelay $0x2  }
0xc0: {  	s31 =	sshll.u32 s1, $0xD;
	s1 =	sshrl.u32 s1, $0x2  }
0xc1: {  	s3 =	sand.u32 $0x4000, s31;
	s1 =	sadd.s32 s1, s30  }
0xc2: {  	s0 =	sor.u32 s3, s0;
	s1 =	sshll.u32 s1, $0x11  }
0xc3: {  	s0 =	sor.u32 s1, s0  }
0xc4: {  	s0 =	sadd.s32 $0x8F2B, s0  }
0xc5: {  	[sflag:s0] =	ssyncadd.remote.s32 $0x1  }
0xc6: {  	_ =	sfence.sel $0xFFFF  }
0xc7: {  	[dreg:$0x0] =	wrdreg $0xFFFFFFFF;
	(pc) =	sbr.abs _section_cstart, $3  }
0xc8: {  	[dreg:$0x1] =	wrdreg $0xFFFFFFFF  }
0xc9: {  	_ =	task.clear_ibuf [dreg:s8], $0x2FFFF;
	_ =	strace $0x9FFFFFFF  }
0xca: {  	(tm) =	ssettm $0x7FFFFFFF  }
0xcb: {  	_ =	shalt  }
tec
execute0_lowered:
.L_overlay_start_1:
0x0: {  	(tag) =	ssettag $0x1  }
0x1: {  	s9 =	rddreg [dreg:$0x0]  }
0x2: {  	s10 =	rddreg [dreg:$0x1]  }
0x3: {  	s6 =	rddreg [dreg:$0x2]  }
0x4: {  	s1 =	rddreg [dreg:$0x3]  }
0x5: {  	s0 =	rddreg [dreg:$0x4];
	s3 =	simm.s32 $0x0;
	s2 =	srdreg.scid  }
0x6: {  	s18 =	simm.s32 $0x6800;
	s19 =	simm.s32 $0x1;
	s7 =	sand.u32 $0x1, s2  }
0x7: {  	s20 =	simm.s32 $0x2;
	s2 =	stileid.u32;
	s8 =	smul.u32 $0x13C000, s7  }
0x8: {  	s21 =	simm.s32 $0x2700;
	[smem:$0x7FF] =	sst s3;
	s11 =	smul.u32 $0x13C00, s2  }
0x9: {  	s4 =	sadd.s32 $0x53C00, s6;
	s5 =	sadd.s32 $0x2400, s6;
	s12 =	smul.u32 $0x4F000, s2  }
0xa: {  	_ =	strace $0x8000004A;
	s22 =	ssub.s32 $0x2, s7;
	s13 =	smul.u32 $0x28000, s7  }
0xb: {  	s14 =	smul.u32 $0x2800, s2;
	s26 =	sshll.u32 s2, $0x6;
	s24 =	sshrl.u32 s22, $0x1  }
0xc: {  	s8 =	sadd.s32 s11, s8;
	s16 =	ssub.s32 s22, s24;
	s25 =	sshrl.u32 s12, $0x2  }
0xd: {  	s28 =	sadd.s32 s14, s13;
	s29 =	sadd.s32 $0x1400, s14;
	s30 =	sshrl.u32 s14, $0x3  }
0xe: {  	s14 =	simm.s32 $0x3;
	s22 =	simm.s32 $0x2780;
	s23 =	sshrl.u32 s8, $0x3  }
0xf: {  	s17 =	sadd.s32 s25, s1;
	s7 =	sshrl.u32 s28, $0x3;
	s31 =	sadd.s32 s13, s29  }
0x10: {  	s8 =	sadd.s32 s10, s30;
	s11 =	sshrl.u32 s29, $0x3;
	s15 =	sadd.s32 s23, s6  }
0x11: {  	s6 =	sor.u32 $0x1C03, s26;
	s7 =	sadd.s32 s9, s7;
	s12 =	sshrl.u32 s31, $0x3  }
0x12: {  	s10 =	sadd.s32 s10, s11;
	s13 =	sshrl.u32 s17, $0x3;
	s17 =	simm.s32 $0x2800  }
0x13: {  	s23 =	simm.s32 $0x0;
	s9 =	sadd.s32 s9, s12;
	s11 =	sadd.s32 $0xA2C00, s15  }
0x14: {  	s12 =	smax.u32 s16, $0x1;
	s15 =	simm.s32 $0x1400;
	s16 =	simm.s32 $0x80  }
.LBB2_1:
0x15: {  	[spmem:s13], [sflag:s6] =	dma.local [hbm:s5], $0x2780  }
0x16: {  	_ =	swait.ge [sflag:s14], $0x2780  }
0x17: {  	[sflag:s14] =	ssyncset.done $0x0  }
0x18: {  	[sflag:s14] =	ssyncadd.s32 $0xFFFFD880  }
0x19: {  	[bflag:$0x0] =	sbarrier.arrive $0xFFFF  }
0x1a: {  	[tilespmem:s3], [sflag:$0x3] =	stream.linear.gather [hbm4b:s7+s3], $0x1400, $0x38;
	[tilespmem:$0x1E400] =	vst v63  }
0x1b: {  	_ =	swait.ge [sflag:s14], $0x1400  }
0x1c: {  	[sflag:s14] =	ssyncset.done $0x0  }
0x1d: {  	[sflag:s14] =	ssyncadd.s32 $0xFFFFEC00  }
0x1e: {  	[tilespmem:s15], [sflag:$0x3] =	stream.linear.gather [hbm4b:s8+s3], $0x1400, $0x38;
	[tilespmem:$0x1E400] =	vst v63  }
0x1f: {  	_ =	swait.ge [sflag:s14], $0x1400  }
0x20: {  	[sflag:s14] =	ssyncset.done $0x0  }
0x21: {  	[sflag:s14] =	ssyncadd.s32 $0xFFFFEC00  }
0x22: {  	[tilespmem:s17], [sflag:$0x1] =	stream.indirect.gather [hbm4b:s4+s16], $0x80, s3, s16, $0xb8;
	[tilespmem:$0x1E400] =	vst v63  }
0x23: {  	_ = 	snop  }
0x24: {  	[tilespmem:s18], [sflag:$0x2] =	stream.indirect.gather [hbm4b:s4+s16], $0x80, s16, s16, $0xb8;
	[tilespmem:$0x1E400] =	vst v63  }
0x25: {  	_ =	swait.ge [sflag:s19], $0x4000  }
0x26: {  	[sflag:s19] =	ssyncset.done $0x0  }
0x27: {  	s24 =	simm.s32 $0x1400;
	[sflag:s19] =	ssyncadd.s32 $0xFFFFC000  }
0x28: {  	[spmem:s1] =	stream.indirect.scatter.add.f32 [tilespmem:s17], [sflag:$0x3], $0x80, s24, s16, $0xb8;
	[tilespmem:$0x1E400] =	vst v63  }
0x29: {  	_ =	swait.ge [sflag:s14], $0x4000  }
0x2a: {  	[sflag:s14] =	ssyncset.done $0x0  }
0x2b: {  	s30 =	simm.s32 $0x100;
	[sflag:s14] =	ssyncadd.s32 $0xFFFFC000  }
0x2c: {  	[tilespmem:s17], [sflag:$0x1] =	stream.indirect.gather [hbm4b:s4+s16], $0x80, s30, s16, $0xb8;
	[tilespmem:$0x1E400] =	vst v63  }
0x2d: {  	_ =	swait.ge [sflag:s20], $0x4000  }
0x2e: {  	[sflag:s20] =	ssyncset.done $0x0  }
0x2f: {  	s31 =	simm.s32 $0x1480;
	[sflag:s20] =	ssyncadd.s32 $0xFFFFC000  }
0x30: {  	[spmem:s1] =	stream.indirect.scatter.add.f32 [tilespmem:s18], [sflag:$0x3], $0x80, s31, s16, $0xb8;
	[tilespmem:$0x1E400] =	vst v63  }
0x31: {  	_ =	swait.ge [sflag:s14], $0x4000  }
0x32: {  	[sflag:s14] =	ssyncset.done $0x0  }
0x33: {  	s25 =	simm.s32 $0x180;
	s24 =	simm.s32 $0x400;
	[sflag:s14] =	ssyncadd.s32 $0xFFFFC000  }
.LBB2_2:
0x34: {  	[tilespmem:s18], [sflag:$0x2] =	stream.indirect.gather [hbm4b:s4+s16], $0x80, s25, s16, $0xb8;
	[tilespmem:$0x1E400] =	vst v63  }
0x35: {  	s25 =	smov.u32 s24  }
0x36: {  	p0 =	sne.s32 s24, $0x4800;
	s24 =	sadd.s32 $0x400, s24;
	_ =	swait.ge [sflag:s19], $0x4000  }
0x37: {  	s25 =	sshra.s32 s25, $0x2;
	[sflag:s19] =	ssyncset.done $0x0  }
0x38: {  	s26 =	sadd.s32 $0x1400, s25;
	[sflag:s19] =	ssyncadd.s32 $0xFFFFC000  }
0x39: {  	[spmem:s1] =	stream.indirect.scatter.add.f32 [tilespmem:s17], [sflag:$0x3], $0x80, s26, s16, $0xb8;
	[tilespmem:$0x1E400] =	vst v63  }
0x3a: {  	_ =	swait.ge [sflag:s14], $0x4000  }
0x3b: {  	[sflag:s14] =	ssyncset.done $0x0  }
0x3c: {  	s26 =	sadd.s32 $0x100, s25;
	[sflag:s14] =	ssyncadd.s32 $0xFFFFC000  }
0x3d: {  	[tilespmem:s17], [sflag:$0x1] =	stream.indirect.gather [hbm4b:s4+s16], $0x80, s26, s16, $0xb8;
	[tilespmem:$0x1E400] =	vst v63  }
0x3e: {  	_ =	swait.ge [sflag:s20], $0x4000  }
0x3f: {  	[sflag:s20] =	ssyncset.done $0x0  }
.Ltmp0:
0x40: {  	s26 =	sadd.s32 $0x1480, s25;
	[sflag:s20] =	ssyncadd.s32 $0xFFFFC000;
	(pc) =	sbr.rel @p0 .LBB2_2-.Ltmp0, $4  }
0x41: {  	[spmem:s1] =	stream.indirect.scatter.add.f32 [tilespmem:s18], [sflag:$0x3], $0x80, s26, s16, $0xb8;
	[tilespmem:$0x1E400] =	vst v63  }
0x42: {  	_ =	swait.ge [sflag:s14], $0x4000  }
0x43: {  	[sflag:s14] =	ssyncset.done $0x0  }
0x44: {  	s25 =	sadd.s32 $0x180, s25;
	[sflag:s14] =	ssyncadd.s32 $0xFFFFC000  }
0x45: {  	[tilespmem:s18], [sflag:$0x2] =	stream.indirect.gather [hbm4b:s4+s16], $0x80, s25, s16, $0xb8;
	[tilespmem:$0x1E400] =	vst v63  }
0x46: {  	_ =	swait.ge [sflag:s19], $0x4000  }
0x47: {  	[sflag:s19] =	ssyncset.done $0x0  }
0x48: {  	[sflag:s19] =	ssyncadd.s32 $0xFFFFC000  }
0x49: {  	[spmem:s1] =	stream.indirect.scatter.add.f32 [tilespmem:s17], [sflag:$0x3], $0x80, s21, s16, $0xb8;
	[tilespmem:$0x1E400] =	vst v63  }
0x4a: {  	_ =	swait.ge [sflag:s14], $0x4000  }
0x4b: {  	[sflag:s14] =	ssyncset.done $0x0  }
0x4c: {  	[sflag:s14] =	ssyncadd.s32 $0xFFFFC000  }
0x4d: {  	_ =	swait.ge [sflag:s20], $0x4000  }
0x4e: {  	[sflag:s20] =	ssyncset.done $0x0  }
0x4f: {  	[sflag:s20] =	ssyncadd.s32 $0xFFFFC000  }
0x50: {  	[spmem:s1] =	stream.indirect.scatter.add.f32 [tilespmem:s18], [sflag:$0x3], $0x80, s22, s16, $0xb8;
	[tilespmem:$0x1E400] =	vst v63  }
0x51: {  	_ =	swait.ge [sflag:s14], $0x4000  }
0x52: {  	[sflag:s14] =	ssyncset.done $0x0  }
0x53: {  	s24 =	simm.s32 $0x0;
	[sflag:s14] =	ssyncadd.s32 $0xFFFFC000  }
0x54: {  	[tilespmem:s24], [sflag:$0x3] =	stream.linear.gather [hbm4b:s9+s24], $0x1400, $0x38;
	[tilespmem:$0x1E400] =	vst v63  }
0x55: {  	_ =	swait.ge [sflag:s14], $0x1400  }
0x56: {  	[sflag:s14] =	ssyncset.done $0x0  }
0x57: {  	[sflag:s14] =	ssyncadd.s32 $0xFFFFEC00  }
0x58: {  	[tilespmem:s15], [sflag:$0x3] =	stream.linear.gather [hbm4b:s10+s24], $0x1400, $0x38;
	[tilespmem:$0x1E400] =	vst v63  }
0x59: {  	_ =	swait.ge [sflag:s14], $0x1400  }
0x5a: {  	[sflag:s14] =	ssyncset.done $0x0  }
0x5b: {  	[sflag:s14] =	ssyncadd.s32 $0xFFFFEC00  }
0x5c: {  	[tilespmem:s17], [sflag:$0x1] =	stream.indirect.gather [hbm4b:s4+s16], $0x80, s24, s16, $0xb8;
	[tilespmem:$0x1E400] =	vst v63  }
0x5d: {  	_ = 	snop  }
0x5e: {  	[tilespmem:s18], [sflag:$0x2] =	stream.indirect.gather [hbm4b:s4+s16], $0x80, s16, s16, $0xb8;
	[tilespmem:$0x1E400] =	vst v63  }
0x5f: {  	_ =	swait.ge [sflag:s19], $0x4000  }
0x60: {  	[sflag:s19] =	ssyncset.done $0x0  }
0x61: {  	s29 =	simm.s32 $0x1400;
	[sflag:s19] =	ssyncadd.s32 $0xFFFFC000  }
0x62: {  	[spmem:s1] =	stream.indirect.scatter.add.f32 [tilespmem:s17], [sflag:$0x3], $0x80, s29, s16, $0xb8;
	[tilespmem:$0x1E400] =	vst v63  }
0x63: {  	_ =	swait.ge [sflag:s14], $0x4000  }
0x64: {  	[sflag:s14] =	ssyncset.done $0x0  }
0x65: {  	s30 =	simm.s32 $0x100;
	[sflag:s14] =	ssyncadd.s32 $0xFFFFC000  }
0x66: {  	[tilespmem:s17], [sflag:$0x1] =	stream.indirect.gather [hbm4b:s4+s16], $0x80, s30, s16, $0xb8;
	[tilespmem:$0x1E400] =	vst v63  }
0x67: {  	_ =	swait.ge [sflag:s20], $0x4000  }
0x68: {  	[sflag:s20] =	ssyncset.done $0x0  }
0x69: {  	s31 =	simm.s32 $0x1480;
	[sflag:s20] =	ssyncadd.s32 $0xFFFFC000  }
0x6a: {  	[spmem:s1] =	stream.indirect.scatter.add.f32 [tilespmem:s18], [sflag:$0x3], $0x80, s31, s16, $0xb8;
	[tilespmem:$0x1E400] =	vst v63  }
0x6b: {  	_ =	swait.ge [sflag:s14], $0x4000  }
0x6c: {  	[sflag:s14] =	ssyncset.done $0x0  }
0x6d: {  	s25 =	simm.s32 $0x180;
	s24 =	simm.s32 $0x400;
	[sflag:s14] =	ssyncadd.s32 $0xFFFFC000  }
.LBB2_4:
0x6e: {  	[tilespmem:s18], [sflag:$0x2] =	stream.indirect.gather [hbm4b:s4+s16], $0x80, s25, s16, $0xb8;
	[tilespmem:$0x1E400] =	vst v63  }
0x6f: {  	s25 =	smov.u32 s24  }
0x70: {  	p0 =	sne.s32 s24, $0x4800;
	s24 =	sadd.s32 $0x400, s24;
	_ =	swait.ge [sflag:s19], $0x4000  }
0x71: {  	s25 =	sshra.s32 s25, $0x2;
	[sflag:s19] =	ssyncset.done $0x0  }
0x72: {  	s26 =	sadd.s32 $0x1400, s25;
	[sflag:s19] =	ssyncadd.s32 $0xFFFFC000  }
0x73: {  	[spmem:s1] =	stream.indirect.scatter.add.f32 [tilespmem:s17], [sflag:$0x3], $0x80, s26, s16, $0xb8;
	[tilespmem:$0x1E400] =	vst v63  }
0x74: {  	_ =	swait.ge [sflag:s14], $0x4000  }
0x75: {  	[sflag:s14] =	ssyncset.done $0x0  }
0x76: {  	s26 =	sadd.s32 $0x100, s25;
	[sflag:s14] =	ssyncadd.s32 $0xFFFFC000  }
0x77: {  	[tilespmem:s17], [sflag:$0x1] =	stream.indirect.gather [hbm4b:s4+s16], $0x80, s26, s16, $0xb8;
	[tilespmem:$0x1E400] =	vst v63  }
0x78: {  	_ =	swait.ge [sflag:s20], $0x4000  }
0x79: {  	[sflag:s20] =	ssyncset.done $0x0  }
.Ltmp1:
0x7a: {  	s26 =	sadd.s32 $0x1480, s25;
	[sflag:s20] =	ssyncadd.s32 $0xFFFFC000;
	(pc) =	sbr.rel @p0 .LBB2_4-.Ltmp1, $4  }
0x7b: {  	[spmem:s1] =	stream.indirect.scatter.add.f32 [tilespmem:s18], [sflag:$0x3], $0x80, s26, s16, $0xb8;
	[tilespmem:$0x1E400] =	vst v63  }
0x7c: {  	_ =	swait.ge [sflag:s14], $0x4000  }
0x7d: {  	[sflag:s14] =	ssyncset.done $0x0  }
0x7e: {  	s25 =	sadd.s32 $0x180, s25;
	[sflag:s14] =	ssyncadd.s32 $0xFFFFC000  }
0x7f: {  	[tilespmem:s18], [sflag:$0x2] =	stream.indirect.gather [hbm4b:s4+s16], $0x80, s25, s16, $0xb8;
	[tilespmem:$0x1E400] =	vst v63  }
0x80: {  	_ =	swait.ge [sflag:s19], $0x4000  }
0x81: {  	[sflag:s19] =	ssyncset.done $0x0  }
0x82: {  	[sflag:s19] =	ssyncadd.s32 $0xFFFFC000  }
0x83: {  	[spmem:s1] =	stream.indirect.scatter.add.f32 [tilespmem:s17], [sflag:$0x3], $0x80, s21, s16, $0xb8;
	[tilespmem:$0x1E400] =	vst v63  }
0x84: {  	_ =	swait.ge [sflag:s14], $0x4000  }
0x85: {  	[sflag:s14] =	ssyncset.done $0x0  }
0x86: {  	[sflag:s14] =	ssyncadd.s32 $0xFFFFC000  }
0x87: {  	_ =	swait.ge [sflag:s20], $0x4000  }
0x88: {  	[sflag:s20] =	ssyncset.done $0x0  }
0x89: {  	[sflag:s20] =	ssyncadd.s32 $0xFFFFC000  }
0x8a: {  	[spmem:s1] =	stream.indirect.scatter.add.f32 [tilespmem:s18], [sflag:$0x3], $0x80, s22, s16, $0xb8;
	[tilespmem:$0x1E400] =	vst v63  }
0x8b: {  	_ =	swait.ge [sflag:s14], $0x4000  }
0x8c: {  	s23 =	sadd.s32 $0x1, s23;
	[sflag:s14] =	ssyncset.done $0x0  }
0x8d: {  	p0 =	sne.s32 s23, s12;
	[sflag:s14] =	ssyncadd.s32 $0xFFFFC000  }
.Ltmp2:
0x8e: {  	[bflag:$0x0] =	sbarrier.arrive $0xFFFF;
	(pc) =	sbr.rel @p0 .LBB2_1-.Ltmp2, $4  }
0x8f: {  	[hbm:s11], [sflag:s6] =	dma.local [spmem:s13], $0x2780  }
0x90: {  	_ =	swait.ge [sflag:s14], $0x2780  }
0x91: {  	[sflag:s14] =	ssyncset.done $0x0  }
0x92: {  	[sflag:s14] =	ssyncadd.s32 $0xFFFFD880  }
0x93: {  	_ =	sfence.sel $0x180000  }
0x94: {  	[bflag:$0x0] =	sbarrier.arrive $0xFFFF  }
0x95: {  	p0 =	sne.s32 s2, $0x0;
	_ =	strace $0x9000004A  }
0x96: {  	s0 =	sadd.s32 @!p0 $0x100000, s0;
	[bflag:$0x2] =	sbarrier.arrive $0xFFFF  }
0x97: {  	[sflag:s0] =	ssyncadd.tile.s32 @!p0 $0x1;
	_ =	shalt  }
.Lfunc_end2:
_tile_overlayer_lowered:
.L_overlay_start_2:
0x98: {  	(tag) =	ssettag $0x2  }
0x99: {  	s0 =	rddreg [dreg:$0x0];
	s2 =	stileid.u32  }
0x9a: {  	s1 =	rddreg [dreg:$0x1];
	p0 =	sne.s32 s2, $0x0  }
0x9b: {  	s3 =	rddreg [dreg:$0x2];
	[bflag:$0x3] =	sbarrier.arrive $0xFFFF;
	s2 =	simm.s32 @!p0 $0x1C03  }
0x9c: {  	[timem:s3], [sflag:s2] =	dma.local @!p0 [hbm:s0], s1  }
0x9d: {  	s0 =	simm.s32 @!p0 $0x3  }
0x9e: {  	_ =	swait.ge @!p0 [sflag:s0], s1  }
0x9f: {  	s1 =	ssub.s32 @!p0 $0x0, s1;
	[sflag:s0] =	ssyncset.done @!p0 $0x0  }
0xa0: {  	[sflag:s0] =	ssyncadd.s32 @!p0 s1  }
0xa1: {  	[bflag:$0x3] =	sbarrier.arrive $0xFFFF  }
0xa2: {  	_ =	shalt  }

</sc_bundles>
